<compile_context>
chip_gen: v7x
topology: tpu7x:2x2x1
jax: 0.10.2.dev20260603
libtpu: 0.0.44.dev20260713+nightly
codegen_flags: <defaults>
</compile_context>

<pallas_src>
import functools

import jax
import jax.numpy as jnp
from jax import lax
from jax.experimental import pallas as pl
from jax.experimental.pallas import tpu as pltpu
from jax.experimental.pallas import tpu_sc as plsc

NUM_CORES = 2
NUM_SUBCORES = 16
NW = NUM_CORES * NUM_SUBCORES

CHUNK = 128
NBUF = 5
D = 128


def _sc_gather(n_rows, n_blocks):
    per_w = n_rows // NW
    assert n_blocks % 2 == 0 and n_blocks >= 4
    mesh = plsc.VectorSubcoreMesh(core_axis_name="c", subcore_axis_name="s")

    @functools.partial(
        pl.kernel,
        mesh=mesh,
        out_type=jax.ShapeDtypeStruct((n_rows, D), jnp.float32),
        scratch_types=[
            pltpu.VMEM((2, NBUF, CHUNK), jnp.int32),
            pltpu.VMEM((NBUF, CHUNK, D), jnp.float32),
            pltpu.SemaphoreType.DMA((2,)),
            pltpu.SemaphoreType.DMA((NBUF,)),
            pltpu.SemaphoreType.DMA((NBUF,)),
        ],
    )
    def body(x_hbm, table_hbm, out_hbm, idx_v, rows_v, isem, gsem, wsem):
        wid = lax.axis_index("s") * NUM_CORES + lax.axis_index("c")
        row_base = wid * per_w

        def gather(par, b):
            return pltpu.make_async_copy(
                table_hbm.at[idx_v.at[par, b]], rows_v.at[b], gsem.at[b]
            )

        def write(t, b):
            row0 = row_base + (t * NBUF + b) * CHUNK
            return pltpu.make_async_copy(
                rows_v.at[b], out_hbm.at[pl.ds(row0, CHUNK)], wsem.at[b]
            )

        def idx_load(par, blk):
            return pltpu.make_async_copy(
                x_hbm.at[wid, blk], idx_v.at[par], isem.at[par]
            )

        def do_block(t, par, wait_idx, issue_gather, issue_idx):
            p1 = 1 - par
            if wait_idx:
                idx_load(p1, t + 1).wait()
            for b in range(NBUF):
                gather(par, b).wait()
                write(t, b).start()
                if issue_gather and b > 0:
                    write(t, b - 1).wait()
                    gather(p1, b - 1).start()
            if issue_gather:
                write(t, NBUF - 1).wait()
                gather(p1, NBUF - 1).start()
            else:
                for b in range(NBUF):
                    write(t, b).wait()
            if issue_idx:
                idx_load(par, t + 2).start()

        pltpu.sync_copy(x_hbm.at[wid, 0], idx_v.at[0])
        idx_load(1, 1).start()
        for b in range(NBUF):
            gather(0, b).start()

        def outer(s, carry):
            do_block(2 * s, 0, True, True, True)
            do_block(2 * s + 1, 1, True, True, True)
            return carry

        lax.fori_loop(0, (n_blocks - 2) // 2, outer, 0)
        do_block(n_blocks - 2, (n_blocks - 2) % 2, True, True, False)
        do_block(n_blocks - 1, (n_blocks - 1) % 2, False, False, False)

    return body


def kernel(x, table):
    n_rows = x.size
    n_blocks = n_rows // (NW * NBUF * CHUNK)
    x_r = x.reshape(NW, n_blocks, NBUF, CHUNK).astype(jnp.int32)
    out = _sc_gather(n_rows, n_blocks)(x_r, table)
    return out.reshape(*x.shape, D)

# --- scband reference (transcript-rebuilt; emitter-appended) ---
"""Pipeline reference for scband-position-encoder-67654324847201 (READ-ONLY COPY).

The authoritative reference and input builder live on the scoring server;
editing this copy changes nothing except your own understanding.
"""

import jax, jax.numpy as jnp
import numpy as np

NUM_CLASSES = 100000
OUTPUT_DIM = 128


def setup_inputs(seed: int = 0) -> dict:
    key = jax.random.key(seed)
    k1, k2 = jax.random.split(key)
    # indices into the embedding table, values in [0, num_classes+1); 0 is the padding index
    x = jax.random.randint(k1, (4096, 200), 0, NUM_CLASSES + 1)
    # learned embedding table; row 0 is the padding row and is kept at zero,
    # matching nn.Embedding(num_classes + 1, output_dim, padding_idx=0)
    table = jax.random.normal(k2, (NUM_CLASSES + 1, OUTPUT_DIM), dtype=jnp.float32)
    table = table.at[0].set(0.0)
    return {"x": x, "table": table}


def reference(x, table):
    # PositionEncoder.forward: x = self.model(x)  (embedding lookup)
    return jnp.take(table, x, axis=0)

if __name__ == "__main__":
    import jax
    _d = setup_inputs()
    print(jax.jit(kernel)(*tuple(_d.values())))

</pallas_src>

<mosaic_0001>
#map = affine_map<(d0, d1) -> (0, 0, 0, 0)>
#map1 = affine_map<(d0, d1) -> (0, 0)>
module attributes {stable_mosaic.version = 14 : i64} {
  func.func @body(%arg0: i32, %arg1: i32, %arg2: memref<32x40x5x128xi32, #tpu.memory_space<hbm>>, %arg3: memref<100001x128xf32, #tpu.memory_space<hbm>>, %arg4: memref<819200x128xf32, #tpu.memory_space<hbm>>, %arg5: memref<2x5x128xi32, #tpu.memory_space<vmem>>, %arg6: memref<5x128x128xf32, #tpu.memory_space<vmem>>, %arg7: memref<2x!tpu.dma_semaphore, #tpu.memory_space<semaphore_mem>>, %arg8: memref<5x!tpu.dma_semaphore, #tpu.memory_space<semaphore_mem>>, %arg9: memref<5x!tpu.dma_semaphore, #tpu.memory_space<semaphore_mem>>) attributes {dimension_semantics = [#tpu.dimension_semantics<core_parallel>, #tpu.dimension_semantics<subcore_parallel>], iteration_bounds = array<i64: 2, 16>, scalar_prefetch = 0 : i64, scratch_operands = 5 : i64, tpu.core_type = #tpu.core_type<sc_vector_subcore>, window_params = [{transform_indices = #map}, {transform_indices = #map1}, {transform_indices = #map1}]} {
    %mul3A = arith.constant 2 : i32
    %mul3A_0 = arith.muli %arg1, %mul3A : i32
    %add3A = arith.addi %mul3A_0, %arg0 : i32
    %mul3A_1 = arith.constant 25600 : i32
    %mul3A_2 = arith.muli %add3A, %mul3A_1 : i32
    %run_scoped3A = arith.constant 0 : i32
    %run_scoped3A_3 = arith.constant 0 : i32
    "tpu.region"() ({
      %run_scoped3A_729 = tpu.sem_alloc : memref<!tpu.dma_semaphore, #tpu.memory_space<semaphore_mem>>
      %dma_start3A_730 = arith.constant 0 : i32
      %dma_start3A_731 = arith.constant 0 : i32
      %dma_start3A_732 = tpu.memref_slice %arg5[%run_scoped3A_3, %dma_start3A_730, %dma_start3A_731] : memref<2x5x128xi32, #tpu.memory_space<vmem>> -> memref<1x5x128xi32, #tpu.memory_space<vmem>>
      %dma_start3A_733 = tpu.memref_squeeze %dma_start3A_732 : memref<1x5x128xi32, #tpu.memory_space<vmem>> -> memref<5x128xi32, #tpu.memory_space<vmem>>
      %dma_start3A_734 = arith.constant 0 : i32
      %dma_start3A_735 = arith.constant 0 : i32
      %dma_start3A_736 = tpu.memref_slice %arg2[%add3A, %run_scoped3A, %dma_start3A_734, %dma_start3A_735] : memref<32x40x5x128xi32, #tpu.memory_space<hbm>> -> memref<1x1x5x128xi32, #tpu.memory_space<hbm>>
      %dma_start3A_737 = tpu.memref_squeeze %dma_start3A_736 : memref<1x1x5x128xi32, #tpu.memory_space<hbm>> -> memref<5x128xi32, #tpu.memory_space<hbm>>
      %dma_start3A_738 = arith.constant 0 : i32
      %dma_start3A_739 = arith.constant 0 : i32
      %dma_start3A_740 = tpu.memref_slice %arg5[%run_scoped3A_3, %dma_start3A_738, %dma_start3A_739] : memref<2x5x128xi32, #tpu.memory_space<vmem>> -> memref<1x5x128xi32, #tpu.memory_space<vmem>>
      %dma_start3A_741 = tpu.memref_squeeze %dma_start3A_740 : memref<1x5x128xi32, #tpu.memory_space<vmem>> -> memref<5x128xi32, #tpu.memory_space<vmem>>
      %dma_start3A_742 = arith.constant 0 : i32
      %dma_start3A_743 = arith.constant 0 : i32
      %dma_start3A_744 = tpu.memref_slice %arg2[%add3A, %run_scoped3A, %dma_start3A_742, %dma_start3A_743] : memref<32x40x5x128xi32, #tpu.memory_space<hbm>> -> memref<1x1x5x128xi32, #tpu.memory_space<hbm>>
      %dma_start3A_745 = tpu.memref_squeeze %dma_start3A_744 : memref<1x1x5x128xi32, #tpu.memory_space<hbm>> -> memref<5x128xi32, #tpu.memory_space<hbm>>
      tpu.enqueue_dma source(%dma_start3A_745 : memref<5x128xi32, #tpu.memory_space<hbm>>) target(%dma_start3A_741 : memref<5x128xi32, #tpu.memory_space<vmem>>) target_semaphore(%run_scoped3A_729 : memref<!tpu.dma_semaphore, #tpu.memory_space<semaphore_mem>>)
      %dma_wait3A_746 = arith.constant 0 : i32
      %dma_wait3A_747 = arith.constant 0 : i32
      %dma_wait3A_748 = tpu.memref_slice %arg5[%run_scoped3A_3, %dma_wait3A_746, %dma_wait3A_747] : memref<2x5x128xi32, #tpu.memory_space<vmem>> -> memref<1x5x128xi32, #tpu.memory_space<vmem>>
      %dma_wait3A_749 = tpu.memref_squeeze %dma_wait3A_748 : memref<1x5x128xi32, #tpu.memory_space<vmem>> -> memref<5x128xi32, #tpu.memory_space<vmem>>
      %dma_wait3A_750 = arith.constant 0 : i32
      %dma_wait3A_751 = arith.constant 0 : i32
      %dma_wait3A_752 = tpu.memref_slice %arg2[%add3A, %run_scoped3A, %dma_wait3A_750, %dma_wait3A_751] : memref<32x40x5x128xi32, #tpu.memory_space<hbm>> -> memref<1x1x5x128xi32, #tpu.memory_space<hbm>>
      %dma_wait3A_753 = tpu.memref_squeeze %dma_wait3A_752 : memref<1x1x5x128xi32, #tpu.memory_space<hbm>> -> memref<5x128xi32, #tpu.memory_space<hbm>>
      %dma_wait3A_754 = arith.constant 0 : i32
      %dma_wait3A_755 = arith.constant 0 : i32
      %dma_wait3A_756 = tpu.memref_slice %arg5[%run_scoped3A_3, %dma_wait3A_754, %dma_wait3A_755] : memref<2x5x128xi32, #tpu.memory_space<vmem>> -> memref<1x5x128xi32, #tpu.memory_space<vmem>>
      %dma_wait3A_757 = tpu.memref_squeeze %dma_wait3A_756 : memref<1x5x128xi32, #tpu.memory_space<vmem>> -> memref<5x128xi32, #tpu.memory_space<vmem>>
      %dma_wait3A_758 = arith.constant 0 : i32
      %dma_wait3A_759 = arith.constant 0 : i32
      %dma_wait3A_760 = tpu.memref_slice %arg2[%add3A, %run_scoped3A, %dma_wait3A_758, %dma_wait3A_759] : memref<32x40x5x128xi32, #tpu.memory_space<hbm>> -> memref<1x1x5x128xi32, #tpu.memory_space<hbm>>
      %dma_wait3A_761 = tpu.memref_squeeze %dma_wait3A_760 : memref<1x1x5x128xi32, #tpu.memory_space<hbm>> -> memref<5x128xi32, #tpu.memory_space<hbm>>
      tpu.wait_dma2 semaphore(%run_scoped3A_729 : memref<!tpu.dma_semaphore, #tpu.memory_space<semaphore_mem>>) src(%dma_wait3A_761 : memref<5x128xi32, #tpu.memory_space<hbm>>) dst(%dma_wait3A_757 : memref<5x128xi32, #tpu.memory_space<vmem>>)
      tpu.yield
    }) : () -> ()
    %dma_start3A = arith.constant 1 : i32
    %dma_start3A_4 = arith.constant 1 : i32
    %dma_start3A_5 = arith.constant 1 : i32
    %dma_start3A_6 = arith.constant 0 : i32
    %dma_start3A_7 = arith.constant 0 : i32
    %dma_start3A_8 = tpu.memref_slice %arg5[%dma_start3A_4, %dma_start3A_6, %dma_start3A_7] : memref<2x5x128xi32, #tpu.memory_space<vmem>> -> memref<1x5x128xi32, #tpu.memory_space<vmem>>
    %dma_start3A_9 = tpu.memref_squeeze %dma_start3A_8 : memref<1x5x128xi32, #tpu.memory_space<vmem>> -> memref<5x128xi32, #tpu.memory_space<vmem>>
    %dma_start3A_10 = arith.constant 0 : i32
    %dma_start3A_11 = arith.constant 0 : i32
    %dma_start3A_12 = tpu.memref_slice %arg2[%add3A, %dma_start3A, %dma_start3A_10, %dma_start3A_11] : memref<32x40x5x128xi32, #tpu.memory_space<hbm>> -> memref<1x1x5x128xi32, #tpu.memory_space<hbm>>
    %dma_start3A_13 = tpu.memref_squeeze %dma_start3A_12 : memref<1x1x5x128xi32, #tpu.memory_space<hbm>> -> memref<5x128xi32, #tpu.memory_space<hbm>>
    %dma_start3A_14 = tpu.memref_slice %arg7[%dma_start3A_5] : memref<2x!tpu.dma_semaphore, #tpu.memory_space<semaphore_mem>> -> memref<1x!tpu.dma_semaphore, #tpu.memory_space<semaphore_mem>>
    %dma_start3A_15 = tpu.memref_squeeze %dma_start3A_14 : memref<1x!tpu.dma_semaphore, #tpu.memory_space<semaphore_mem>> -> memref<!tpu.dma_semaphore, #tpu.memory_space<semaphore_mem>>
    %dma_start3A_16 = arith.constant 0 : i32
    %dma_start3A_17 = arith.constant 0 : i32
    %dma_start3A_18 = tpu.memref_slice %arg5[%dma_start3A_4, %dma_start3A_16, %dma_start3A_17] : memref<2x5x128xi32, #tpu.memory_space<vmem>> -> memref<1x5x128xi32, #tpu.memory_space<vmem>>
    %dma_start3A_19 = tpu.memref_squeeze %dma_start3A_18 : memref<1x5x128xi32, #tpu.memory_space<vmem>> -> memref<5x128xi32, #tpu.memory_space<vmem>>
    %dma_start3A_20 = arith.constant 0 : i32
    %dma_start3A_21 = arith.constant 0 : i32
    %dma_start3A_22 = tpu.memref_slice %arg2[%add3A, %dma_start3A, %dma_start3A_20, %dma_start3A_21] : memref<32x40x5x128xi32, #tpu.memory_space<hbm>> -> memref<1x1x5x128xi32, #tpu.memory_space<hbm>>
    %dma_start3A_23 = tpu.memref_squeeze %dma_start3A_22 : memref<1x1x5x128xi32, #tpu.memory_space<hbm>> -> memref<5x128xi32, #tpu.memory_space<hbm>>
    tpu.enqueue_dma source(%dma_start3A_23 : memref<5x128xi32, #tpu.memory_space<hbm>>) target(%dma_start3A_19 : memref<5x128xi32, #tpu.memory_space<vmem>>) target_semaphore(%dma_start3A_15 : memref<!tpu.dma_semaphore, #tpu.memory_space<semaphore_mem>>)
    %dma_start3A_24 = arith.constant 0 : i32
    %dma_start3A_25 = arith.constant 0 : i32
    %dma_start3A_26 = arith.constant 0 : i32
    %dma_start3A_27 = arith.constant 0 : i32
    %dma_start3A_28 = arith.constant 0 : i32
    %dma_start3A_29 = arith.constant 0 : i32
    %dma_start3A_30 = tpu.memref_slice %arg6[%dma_start3A_26, %dma_start3A_28, %dma_start3A_29] : memref<5x128x128xf32, #tpu.memory_space<vmem>> -> memref<1x128x128xf32, #tpu.memory_space<vmem>>
    %dma_start3A_31 = tpu.memref_squeeze %dma_start3A_30 : memref<1x128x128xf32, #tpu.memory_space<vmem>> -> memref<128x128xf32, #tpu.memory_space<vmem>>
    %dma_start3A_32 = arith.constant 0 : i32
    %dma_start3A_33 = tpu.memref_slice %arg5[%dma_start3A_24, %dma_start3A_25, %dma_start3A_32] : memref<2x5x128xi32, #tpu.memory_space<vmem>> -> memref<1x1x128xi32, #tpu.memory_space<vmem>>
    %dma_start3A_34 = tpu.memref_squeeze %dma_start3A_33 : memref<1x1x128xi32, #tpu.memory_space<vmem>> -> memref<128xi32, #tpu.memory_space<vmem>>
    %dma_start3A_35 = arith.constant 0 : i32
    %dma_start3A_36 = arith.constant 0 : i32
    %dma_start3A_37 = tpu.memref_slice %arg3[%dma_start3A_35, %dma_start3A_36] : memref<100001x128xf32, #tpu.memory_space<hbm>> -> memref<100001x128xf32, #tpu.memory_space<hbm>>
    %dma_start3A_38 = tpu.memref_slice %arg8[%dma_start3A_27] : memref<5x!tpu.dma_semaphore, #tpu.memory_space<semaphore_mem>> -> memref<1x!tpu.dma_semaphore, #tpu.memory_space<semaphore_mem>>
    %dma_start3A_39 = tpu.memref_squeeze %dma_start3A_38 : memref<1x!tpu.dma_semaphore, #tpu.memory_space<semaphore_mem>> -> memref<!tpu.dma_semaphore, #tpu.memory_space<semaphore_mem>>
    tpu.enqueue_indirect_dma source(%dma_start3A_37 : memref<100001x128xf32, #tpu.memory_space<hbm>>) target(%dma_start3A_31 : memref<128x128xf32, #tpu.memory_space<vmem>>) offsets(%dma_start3A_34 : memref<128xi32, #tpu.memory_space<vmem>>) semaphore(%dma_start3A_39 : memref<!tpu.dma_semaphore, #tpu.memory_space<semaphore_mem>>)
    %dma_start3A_40 = arith.constant 0 : i32
    %dma_start3A_41 = arith.constant 1 : i32
    %dma_start3A_42 = arith.constant 1 : i32
    %dma_start3A_43 = arith.constant 1 : i32
    %dma_start3A_44 = arith.constant 0 : i32
    %dma_start3A_45 = arith.constant 0 : i32
    %dma_start3A_46 = tpu.memref_slice %arg6[%dma_start3A_42, %dma_start3A_44, %dma_start3A_45] : memref<5x128x128xf32, #tpu.memory_space<vmem>> -> memref<1x128x128xf32, #tpu.memory_space<vmem>>
    %dma_start3A_47 = tpu.memref_squeeze %dma_start3A_46 : memref<1x128x128xf32, #tpu.memory_space<vmem>> -> memref<128x128xf32, #tpu.memory_space<vmem>>
    %dma_start3A_48 = arith.constant 0 : i32
    %dma_start3A_49 = tpu.memref_slice %arg5[%dma_start3A_40, %dma_start3A_41, %dma_start3A_48] : memref<2x5x128xi32, #tpu.memory_space<vmem>> -> memref<1x1x128xi32, #tpu.memory_space<vmem>>
    %dma_start3A_50 = tpu.memref_squeeze %dma_start3A_49 : memref<1x1x128xi32, #tpu.memory_space<vmem>> -> memref<128xi32, #tpu.memory_space<vmem>>
    %dma_start3A_51 = arith.constant 0 : i32
    %dma_start3A_52 = arith.constant 0 : i32
    %dma_start3A_53 = tpu.memref_slice %arg3[%dma_start3A_51, %dma_start3A_52] : memref<100001x128xf32, #tpu.memory_space<hbm>> -> memref<100001x128xf32, #tpu.memory_space<hbm>>
    %dma_start3A_54 = tpu.memref_slice %arg8[%dma_start3A_43] : memref<5x!tpu.dma_semaphore, #tpu.memory_space<semaphore_mem>> -> memref<1x!tpu.dma_semaphore, #tpu.memory_space<semaphore_mem>>
    %dma_start3A_55 = tpu.memref_squeeze %dma_start3A_54 : memref<1x!tpu.dma_semaphore, #tpu.memory_space<semaphore_mem>> -> memref<!tpu.dma_semaphore, #tpu.memory_space<semaphore_mem>>
    tpu.enqueue_indirect_dma source(%dma_start3A_53 : memref<100001x128xf32, #tpu.memory_space<hbm>>) target(%dma_start3A_47 : memref<128x128xf32, #tpu.memory_space<vmem>>) offsets(%dma_start3A_50 : memref<128xi32, #tpu.memory_space<vmem>>) semaphore(%dma_start3A_55 : memref<!tpu.dma_semaphore, #tpu.memory_space<semaphore_mem>>)
    %dma_start3A_56 = arith.constant 0 : i32
    %dma_start3A_57 = arith.constant 2 : i32
    %dma_start3A_58 = arith.constant 2 : i32
    %dma_start3A_59 = arith.constant 2 : i32
    %dma_start3A_60 = arith.constant 0 : i32
    %dma_start3A_61 = arith.constant 0 : i32
    %dma_start3A_62 = tpu.memref_slice %arg6[%dma_start3A_58, %dma_start3A_60, %dma_start3A_61] : memref<5x128x128xf32, #tpu.memory_space<vmem>> -> memref<1x128x128xf32, #tpu.memory_space<vmem>>
    %dma_start3A_63 = tpu.memref_squeeze %dma_start3A_62 : memref<1x128x128xf32, #tpu.memory_space<vmem>> -> memref<128x128xf32, #tpu.memory_space<vmem>>
    %dma_start3A_64 = arith.constant 0 : i32
    %dma_start3A_65 = tpu.memref_slice %arg5[%dma_start3A_56, %dma_start3A_57, %dma_start3A_64] : memref<2x5x128xi32, #tpu.memory_space<vmem>> -> memref<1x1x128xi32, #tpu.memory_space<vmem>>
    %dma_start3A_66 = tpu.memref_squeeze %dma_start3A_65 : memref<1x1x128xi32, #tpu.memory_space<vmem>> -> memref<128xi32, #tpu.memory_space<vmem>>
    %dma_start3A_67 = arith.constant 0 : i32
    %dma_start3A_68 = arith.constant 0 : i32
    %dma_start3A_69 = tpu.memref_slice %arg3[%dma_start3A_67, %dma_start3A_68] : memref<100001x128xf32, #tpu.memory_space<hbm>> -> memref<100001x128xf32, #tpu.memory_space<hbm>>
    %dma_start3A_70 = tpu.memref_slice %arg8[%dma_start3A_59] : memref<5x!tpu.dma_semaphore, #tpu.memory_space<semaphore_mem>> -> memref<1x!tpu.dma_semaphore, #tpu.memory_space<semaphore_mem>>
    %dma_start3A_71 = tpu.memref_squeeze %dma_start3A_70 : memref<1x!tpu.dma_semaphore, #tpu.memory_space<semaphore_mem>> -> memref<!tpu.dma_semaphore, #tpu.memory_space<semaphore_mem>>
    tpu.enqueue_indirect_dma source(%dma_start3A_69 : memref<100001x128xf32, #tpu.memory_space<hbm>>) target(%dma_start3A_63 : memref<128x128xf32, #tpu.memory_space<vmem>>) offsets(%dma_start3A_66 : memref<128xi32, #tpu.memory_space<vmem>>) semaphore(%dma_start3A_71 : memref<!tpu.dma_semaphore, #tpu.memory_space<semaphore_mem>>)
    %dma_start3A_72 = arith.constant 0 : i32
    %dma_start3A_73 = arith.constant 3 : i32
    %dma_start3A_74 = arith.constant 3 : i32
    %dma_start3A_75 = arith.constant 3 : i32
    %dma_start3A_76 = arith.constant 0 : i32
    %dma_start3A_77 = arith.constant 0 : i32
    %dma_start3A_78 = tpu.memref_slice %arg6[%dma_start3A_74, %dma_start3A_76, %dma_start3A_77] : memref<5x128x128xf32, #tpu.memory_space<vmem>> -> memref<1x128x128xf32, #tpu.memory_space<vmem>>
    %dma_start3A_79 = tpu.memref_squeeze %dma_start3A_78 : memref<1x128x128xf32, #tpu.memory_space<vmem>> -> memref<128x128xf32, #tpu.memory_space<vmem>>
    %dma_start3A_80 = arith.constant 0 : i32
    %dma_start3A_81 = tpu.memref_slice %arg5[%dma_start3A_72, %dma_start3A_73, %dma_start3A_80] : memref<2x5x128xi32, #tpu.memory_space<vmem>> -> memref<1x1x128xi32, #tpu.memory_space<vmem>>
    %dma_start3A_82 = tpu.memref_squeeze %dma_start3A_81 : memref<1x1x128xi32, #tpu.memory_space<vmem>> -> memref<128xi32, #tpu.memory_space<vmem>>
    %dma_start3A_83 = arith.constant 0 : i32
    %dma_start3A_84 = arith.constant 0 : i32
    %dma_start3A_85 = tpu.memref_slice %arg3[%dma_start3A_83, %dma_start3A_84] : memref<100001x128xf32, #tpu.memory_space<hbm>> -> memref<100001x128xf32, #tpu.memory_space<hbm>>
    %dma_start3A_86 = tpu.memref_slice %arg8[%dma_start3A_75] : memref<5x!tpu.dma_semaphore, #tpu.memory_space<semaphore_mem>> -> memref<1x!tpu.dma_semaphore, #tpu.memory_space<semaphore_mem>>
    %dma_start3A_87 = tpu.memref_squeeze %dma_start3A_86 : memref<1x!tpu.dma_semaphore, #tpu.memory_space<semaphore_mem>> -> memref<!tpu.dma_semaphore, #tpu.memory_space<semaphore_mem>>
    tpu.enqueue_indirect_dma source(%dma_start3A_85 : memref<100001x128xf32, #tpu.memory_space<hbm>>) target(%dma_start3A_79 : memref<128x128xf32, #tpu.memory_space<vmem>>) offsets(%dma_start3A_82 : memref<128xi32, #tpu.memory_space<vmem>>) semaphore(%dma_start3A_87 : memref<!tpu.dma_semaphore, #tpu.memory_space<semaphore_mem>>)
    %dma_start3A_88 = arith.constant 0 : i32
    %dma_start3A_89 = arith.constant 4 : i32
    %dma_start3A_90 = arith.constant 4 : i32
    %dma_start3A_91 = arith.constant 4 : i32
    %dma_start3A_92 = arith.constant 0 : i32
    %dma_start3A_93 = arith.constant 0 : i32
    %dma_start3A_94 = tpu.memref_slice %arg6[%dma_start3A_90, %dma_start3A_92, %dma_start3A_93] : memref<5x128x128xf32, #tpu.memory_space<vmem>> -> memref<1x128x128xf32, #tpu.memory_space<vmem>>
    %dma_start3A_95 = tpu.memref_squeeze %dma_start3A_94 : memref<1x128x128xf32, #tpu.memory_space<vmem>> -> memref<128x128xf32, #tpu.memory_space<vmem>>
    %dma_start3A_96 = arith.constant 0 : i32
    %dma_start3A_97 = tpu.memref_slice %arg5[%dma_start3A_88, %dma_start3A_89, %dma_start3A_96] : memref<2x5x128xi32, #tpu.memory_space<vmem>> -> memref<1x1x128xi32, #tpu.memory_space<vmem>>
    %dma_start3A_98 = tpu.memref_squeeze %dma_start3A_97 : memref<1x1x128xi32, #tpu.memory_space<vmem>> -> memref<128xi32, #tpu.memory_space<vmem>>
    %dma_start3A_99 = arith.constant 0 : i32
    %dma_start3A_100 = arith.constant 0 : i32
    %dma_start3A_101 = tpu.memref_slice %arg3[%dma_start3A_99, %dma_start3A_100] : memref<100001x128xf32, #tpu.memory_space<hbm>> -> memref<100001x128xf32, #tpu.memory_space<hbm>>
    %dma_start3A_102 = tpu.memref_slice %arg8[%dma_start3A_91] : memref<5x!tpu.dma_semaphore, #tpu.memory_space<semaphore_mem>> -> memref<1x!tpu.dma_semaphore, #tpu.memory_space<semaphore_mem>>
    %dma_start3A_103 = tpu.memref_squeeze %dma_start3A_102 : memref<1x!tpu.dma_semaphore, #tpu.memory_space<semaphore_mem>> -> memref<!tpu.dma_semaphore, #tpu.memory_space<semaphore_mem>>
    tpu.enqueue_indirect_dma source(%dma_start3A_101 : memref<100001x128xf32, #tpu.memory_space<hbm>>) target(%dma_start3A_95 : memref<128x128xf32, #tpu.memory_space<vmem>>) offsets(%dma_start3A_98 : memref<128xi32, #tpu.memory_space<vmem>>) semaphore(%dma_start3A_103 : memref<!tpu.dma_semaphore, #tpu.memory_space<semaphore_mem>>)
    %scan3A = arith.constant 0 : i32
    %scan3A_104 = arith.constant 0 : i32
    %scan3A_105 = arith.constant 19 : i32
    %scan3A_106 = arith.addi %scan3A_104, %scan3A_105 : i32
    %scan3A_107 = arith.constant 1 : i32
    scf.for %scan3A_729 = %scan3A_104 to %scan3A_106 step %scan3A_107  : i32 {
      %mul3A_730 = arith.constant 2 : i32
      %mul3A_731 = arith.muli %mul3A_730, %scan3A_729 : i32
      %add3A_732 = arith.constant 1 : i32
      %add3A_733 = arith.addi %mul3A_731, %add3A_732 : i32
      %dma_wait3A_734 = arith.constant 1 : i32
      %dma_wait3A_735 = arith.constant 1 : i32
      %dma_wait3A_736 = arith.constant 0 : i32
      %dma_wait3A_737 = arith.constant 0 : i32
      %dma_wait3A_738 = tpu.memref_slice %arg5[%dma_wait3A_734, %dma_wait3A_736, %dma_wait3A_737] : memref<2x5x128xi32, #tpu.memory_space<vmem>> -> memref<1x5x128xi32, #tpu.memory_space<vmem>>
      %dma_wait3A_739 = tpu.memref_squeeze %dma_wait3A_738 : memref<1x5x128xi32, #tpu.memory_space<vmem>> -> memref<5x128xi32, #tpu.memory_space<vmem>>
      %dma_wait3A_740 = arith.constant 0 : i32
      %dma_wait3A_741 = arith.constant 0 : i32
      %dma_wait3A_742 = tpu.memref_slice %arg2[%add3A, %add3A_733, %dma_wait3A_740, %dma_wait3A_741] : memref<32x40x5x128xi32, #tpu.memory_space<hbm>> -> memref<1x1x5x128xi32, #tpu.memory_space<hbm>>
      %dma_wait3A_743 = tpu.memref_squeeze %dma_wait3A_742 : memref<1x1x5x128xi32, #tpu.memory_space<hbm>> -> memref<5x128xi32, #tpu.memory_space<hbm>>
      %dma_wait3A_744 = tpu.memref_slice %arg7[%dma_wait3A_735] : memref<2x!tpu.dma_semaphore, #tpu.memory_space<semaphore_mem>> -> memref<1x!tpu.dma_semaphore, #tpu.memory_space<semaphore_mem>>
      %dma_wait3A_745 = tpu.memref_squeeze %dma_wait3A_744 : memref<1x!tpu.dma_semaphore, #tpu.memory_space<semaphore_mem>> -> memref<!tpu.dma_semaphore, #tpu.memory_space<semaphore_mem>>
      %dma_wait3A_746 = arith.constant 0 : i32
      %dma_wait3A_747 = arith.constant 0 : i32
      %dma_wait3A_748 = tpu.memref_slice %arg5[%dma_wait3A_734, %dma_wait3A_746, %dma_wait3A_747] : memref<2x5x128xi32, #tpu.memory_space<vmem>> -> memref<1x5x128xi32, #tpu.memory_space<vmem>>
      %dma_wait3A_749 = tpu.memref_squeeze %dma_wait3A_748 : memref<1x5x128xi32, #tpu.memory_space<vmem>> -> memref<5x128xi32, #tpu.memory_space<vmem>>
      %dma_wait3A_750 = arith.constant 0 : i32
      %dma_wait3A_751 = arith.constant 0 : i32
      %dma_wait3A_752 = tpu.memref_slice %arg2[%add3A, %add3A_733, %dma_wait3A_750, %dma_wait3A_751] : memref<32x40x5x128xi32, #tpu.memory_space<hbm>> -> memref<1x1x5x128xi32, #tpu.memory_space<hbm>>
      %dma_wait3A_753 = tpu.memref_squeeze %dma_wait3A_752 : memref<1x1x5x128xi32, #tpu.memory_space<hbm>> -> memref<5x128xi32, #tpu.memory_space<hbm>>
      tpu.wait_dma2 semaphore(%dma_wait3A_745 : memref<!tpu.dma_semaphore, #tpu.memory_space<semaphore_mem>>) src(%dma_wait3A_753 : memref<5x128xi32, #tpu.memory_space<hbm>>) dst(%dma_wait3A_749 : memref<5x128xi32, #tpu.memory_space<vmem>>)
      %dma_wait3A_754 = arith.constant 0 : i32
      %dma_wait3A_755 = arith.constant 0 : i32
      %dma_wait3A_756 = arith.constant 0 : i32
      %dma_wait3A_757 = arith.constant 0 : i32
      %dma_wait3A_758 = arith.constant 0 : i32
      %dma_wait3A_759 = arith.constant 0 : i32
      %dma_wait3A_760 = tpu.memref_slice %arg6[%dma_wait3A_756, %dma_wait3A_758, %dma_wait3A_759] : memref<5x128x128xf32, #tpu.memory_space<vmem>> -> memref<1x128x128xf32, #tpu.memory_space<vmem>>
      %dma_wait3A_761 = tpu.memref_squeeze %dma_wait3A_760 : memref<1x128x128xf32, #tpu.memory_space<vmem>> -> memref<128x128xf32, #tpu.memory_space<vmem>>
      %dma_wait3A_762 = arith.constant 0 : i32
      %dma_wait3A_763 = tpu.memref_slice %arg5[%dma_wait3A_754, %dma_wait3A_755, %dma_wait3A_762] : memref<2x5x128xi32, #tpu.memory_space<vmem>> -> memref<1x1x128xi32, #tpu.memory_space<vmem>>
      %dma_wait3A_764 = tpu.memref_squeeze %dma_wait3A_763 : memref<1x1x128xi32, #tpu.memory_space<vmem>> -> memref<128xi32, #tpu.memory_space<vmem>>
      %dma_wait3A_765 = arith.constant 0 : i32
      %dma_wait3A_766 = arith.constant 0 : i32
      %dma_wait3A_767 = tpu.memref_slice %arg3[%dma_wait3A_765, %dma_wait3A_766] : memref<100001x128xf32, #tpu.memory_space<hbm>> -> memref<100001x128xf32, #tpu.memory_space<hbm>>
      %dma_wait3A_768 = tpu.memref_slice %arg8[%dma_wait3A_757] : memref<5x!tpu.dma_semaphore, #tpu.memory_space<semaphore_mem>> -> memref<1x!tpu.dma_semaphore, #tpu.memory_space<semaphore_mem>>
      %dma_wait3A_769 = tpu.memref_squeeze %dma_wait3A_768 : memref<1x!tpu.dma_semaphore, #tpu.memory_space<semaphore_mem>> -> memref<!tpu.dma_semaphore, #tpu.memory_space<semaphore_mem>>
      tpu.wait_indirect_dma semaphore(%dma_wait3A_769 : memref<!tpu.dma_semaphore, #tpu.memory_space<semaphore_mem>>) src(%dma_wait3A_767 : memref<100001x128xf32, #tpu.memory_space<hbm>>) dst(%dma_wait3A_761 : memref<128x128xf32, #tpu.memory_space<vmem>>)
      %mul3A_770 = arith.constant 5 : i32
      %mul3A_771 = arith.muli %mul3A_731, %mul3A_770 : i32
      %add3A_772 = arith.constant 0 : i32
      %add3A_773 = arith.addi %mul3A_771, %add3A_772 : i32
      %mul3A_774 = arith.constant 128 : i32
      %mul3A_775 = arith.muli %add3A_773, %mul3A_774 : i32
      %add3A_776 = arith.addi %mul3A_2, %mul3A_775 : i32
      %dma_start3A_777 = arith.constant 0 : i32
      %dma_start3A_778 = arith.constant 0 : i32
      %dma_start3A_779 = arith.constant 0 : i32
      %dma_start3A_780 = arith.constant 0 : i32
      %dma_start3A_781 = tpu.memref_slice %arg6[%dma_start3A_777, %dma_start3A_779, %dma_start3A_780] : memref<5x128x128xf32, #tpu.memory_space<vmem>> -> memref<1x128x128xf32, #tpu.memory_space<vmem>>
      %dma_start3A_782 = tpu.memref_squeeze %dma_start3A_781 : memref<1x128x128xf32, #tpu.memory_space<vmem>> -> memref<128x128xf32, #tpu.memory_space<vmem>>
      %dma_start3A_783 = arith.constant 0 : i32
      %dma_start3A_784 = tpu.memref_slice %arg4[%add3A_776, %dma_start3A_783] : memref<819200x128xf32, #tpu.memory_space<hbm>> -> memref<128x128xf32, #tpu.memory_space<hbm>>
      %dma_start3A_785 = tpu.memref_slice %arg9[%dma_start3A_778] : memref<5x!tpu.dma_semaphore, #tpu.memory_space<semaphore_mem>> -> memref<1x!tpu.dma_semaphore, #tpu.memory_space<semaphore_mem>>
      %dma_start3A_786 = tpu.memref_squeeze %dma_start3A_785 : memref<1x!tpu.dma_semaphore, #tpu.memory_space<semaphore_mem>> -> memref<!tpu.dma_semaphore, #tpu.memory_space<semaphore_mem>>
      %dma_start3A_787 = arith.constant 0 : i32
      %dma_start3A_788 = tpu.memref_slice %arg4[%add3A_776, %dma_start3A_787] : memref<819200x128xf32, #tpu.memory_space<hbm>> -> memref<128x128xf32, #tpu.memory_space<hbm>>
      %dma_start3A_789 = arith.constant 0 : i32
      %dma_start3A_790 = arith.constant 0 : i32
      %dma_start3A_791 = tpu.memref_slice %arg6[%dma_start3A_777, %dma_start3A_789, %dma_start3A_790] : memref<5x128x128xf32, #tpu.memory_space<vmem>> -> memref<1x128x128xf32, #tpu.memory_space<vmem>>
      %dma_start3A_792 = tpu.memref_squeeze %dma_start3A_791 : memref<1x128x128xf32, #tpu.memory_space<vmem>> -> memref<128x128xf32, #tpu.memory_space<vmem>>
      tpu.enqueue_dma source(%dma_start3A_792 : memref<128x128xf32, #tpu.memory_space<vmem>>) target(%dma_start3A_788 : memref<128x128xf32, #tpu.memory_space<hbm>>) target_semaphore(%dma_start3A_786 : memref<!tpu.dma_semaphore, #tpu.memory_space<semaphore_mem>>)
      %dma_wait3A_793 = arith.constant 0 : i32
      %dma_wait3A_794 = arith.constant 1 : i32
      %dma_wait3A_795 = arith.constant 1 : i32
      %dma_wait3A_796 = arith.constant 1 : i32
      %dma_wait3A_797 = arith.constant 0 : i32
      %dma_wait3A_798 = arith.constant 0 : i32
      %dma_wait3A_799 = tpu.memref_slice %arg6[%dma_wait3A_795, %dma_wait3A_797, %dma_wait3A_798] : memref<5x128x128xf32, #tpu.memory_space<vmem>> -> memref<1x128x128xf32, #tpu.memory_space<vmem>>
      %dma_wait3A_800 = tpu.memref_squeeze %dma_wait3A_799 : memref<1x128x128xf32, #tpu.memory_space<vmem>> -> memref<128x128xf32, #tpu.memory_space<vmem>>
      %dma_wait3A_801 = arith.constant 0 : i32
      %dma_wait3A_802 = tpu.memref_slice %arg5[%dma_wait3A_793, %dma_wait3A_794, %dma_wait3A_801] : memref<2x5x128xi32, #tpu.memory_space<vmem>> -> memref<1x1x128xi32, #tpu.memory_space<vmem>>
      %dma_wait3A_803 = tpu.memref_squeeze %dma_wait3A_802 : memref<1x1x128xi32, #tpu.memory_space<vmem>> -> memref<128xi32, #tpu.memory_space<vmem>>
      %dma_wait3A_804 = arith.constant 0 : i32
      %dma_wait3A_805 = arith.constant 0 : i32
      %dma_wait3A_806 = tpu.memref_slice %arg3[%dma_wait3A_804, %dma_wait3A_805] : memref<100001x128xf32, #tpu.memory_space<hbm>> -> memref<100001x128xf32, #tpu.memory_space<hbm>>
      %dma_wait3A_807 = tpu.memref_slice %arg8[%dma_wait3A_796] : memref<5x!tpu.dma_semaphore, #tpu.memory_space<semaphore_mem>> -> memref<1x!tpu.dma_semaphore, #tpu.memory_space<semaphore_mem>>
      %dma_wait3A_808 = tpu.memref_squeeze %dma_wait3A_807 : memref<1x!tpu.dma_semaphore, #tpu.memory_space<semaphore_mem>> -> memref<!tpu.dma_semaphore, #tpu.memory_space<semaphore_mem>>
      tpu.wait_indirect_dma semaphore(%dma_wait3A_808 : memref<!tpu.dma_semaphore, #tpu.memory_space<semaphore_mem>>) src(%dma_wait3A_806 : memref<100001x128xf32, #tpu.memory_space<hbm>>) dst(%dma_wait3A_800 : memref<128x128xf32, #tpu.memory_space<vmem>>)
      %mul3A_809 = arith.constant 5 : i32
      %mul3A_810 = arith.muli %mul3A_731, %mul3A_809 : i32
      %add3A_811 = arith.constant 1 : i32
      %add3A_812 = arith.addi %mul3A_810, %add3A_811 : i32
      %mul3A_813 = arith.constant 128 : i32
      %mul3A_814 = arith.muli %add3A_812, %mul3A_813 : i32
      %add3A_815 = arith.addi %mul3A_2, %mul3A_814 : i32
      %dma_start3A_816 = arith.constant 1 : i32
      %dma_start3A_817 = arith.constant 1 : i32
      %dma_start3A_818 = arith.constant 0 : i32
      %dma_start3A_819 = arith.constant 0 : i32
      %dma_start3A_820 = tpu.memref_slice %arg6[%dma_start3A_816, %dma_start3A_818, %dma_start3A_819] : memref<5x128x128xf32, #tpu.memory_space<vmem>> -> memref<1x128x128xf32, #tpu.memory_space<vmem>>
      %dma_start3A_821 = tpu.memref_squeeze %dma_start3A_820 : memref<1x128x128xf32, #tpu.memory_space<vmem>> -> memref<128x128xf32, #tpu.memory_space<vmem>>
      %dma_start3A_822 = arith.constant 0 : i32
      %dma_start3A_823 = tpu.memref_slice %arg4[%add3A_815, %dma_start3A_822] : memref<819200x128xf32, #tpu.memory_space<hbm>> -> memref<128x128xf32, #tpu.memory_space<hbm>>
      %dma_start3A_824 = tpu.memref_slice %arg9[%dma_start3A_817] : memref<5x!tpu.dma_semaphore, #tpu.memory_space<semaphore_mem>> -> memref<1x!tpu.dma_semaphore, #tpu.memory_space<semaphore_mem>>
      %dma_start3A_825 = tpu.memref_squeeze %dma_start3A_824 : memref<1x!tpu.dma_semaphore, #tpu.memory_space<semaphore_mem>> -> memref<!tpu.dma_semaphore, #tpu.memory_space<semaphore_mem>>
      %dma_start3A_826 = arith.constant 0 : i32
      %dma_start3A_827 = tpu.memref_slice %arg4[%add3A_815, %dma_start3A_826] : memref<819200x128xf32, #tpu.memory_space<hbm>> -> memref<128x128xf32, #tpu.memory_space<hbm>>
      %dma_start3A_828 = arith.constant 0 : i32
      %dma_start3A_829 = arith.constant 0 : i32
      %dma_start3A_830 = tpu.memref_slice %arg6[%dma_start3A_816, %dma_start3A_828, %dma_start3A_829] : memref<5x128x128xf32, #tpu.memory_space<vmem>> -> memref<1x128x128xf32, #tpu.memory_space<vmem>>
      %dma_start3A_831 = tpu.memref_squeeze %dma_start3A_830 : memref<1x128x128xf32, #tpu.memory_space<vmem>> -> memref<128x128xf32, #tpu.memory_space<vmem>>
      tpu.enqueue_dma source(%dma_start3A_831 : memref<128x128xf32, #tpu.memory_space<vmem>>) target(%dma_start3A_827 : memref<128x128xf32, #tpu.memory_space<hbm>>) target_semaphore(%dma_start3A_825 : memref<!tpu.dma_semaphore, #tpu.memory_space<semaphore_mem>>)
      %mul3A_832 = arith.constant 5 : i32
      %mul3A_833 = arith.muli %mul3A_731, %mul3A_832 : i32
      %add3A_834 = arith.constant 0 : i32
      %add3A_835 = arith.addi %mul3A_833, %add3A_834 : i32
      %mul3A_836 = arith.constant 128 : i32
      %mul3A_837 = arith.muli %add3A_835, %mul3A_836 : i32
      %add3A_838 = arith.addi %mul3A_2, %mul3A_837 : i32
      %dma_wait3A_839 = arith.constant 0 : i32
      %dma_wait3A_840 = arith.constant 0 : i32
      %dma_wait3A_841 = arith.constant 0 : i32
      %dma_wait3A_842 = arith.constant 0 : i32
      %dma_wait3A_843 = tpu.memref_slice %arg6[%dma_wait3A_839, %dma_wait3A_841, %dma_wait3A_842] : memref<5x128x128xf32, #tpu.memory_space<vmem>> -> memref<1x128x128xf32, #tpu.memory_space<vmem>>
      %dma_wait3A_844 = tpu.memref_squeeze %dma_wait3A_843 : memref<1x128x128xf32, #tpu.memory_space<vmem>> -> memref<128x128xf32, #tpu.memory_space<vmem>>
      %dma_wait3A_845 = arith.constant 0 : i32
      %dma_wait3A_846 = tpu.memref_slice %arg4[%add3A_838, %dma_wait3A_845] : memref<819200x128xf32, #tpu.memory_space<hbm>> -> memref<128x128xf32, #tpu.memory_space<hbm>>
      %dma_wait3A_847 = tpu.memref_slice %arg9[%dma_wait3A_840] : memref<5x!tpu.dma_semaphore, #tpu.memory_space<semaphore_mem>> -> memref<1x!tpu.dma_semaphore, #tpu.memory_space<semaphore_mem>>
      %dma_wait3A_848 = tpu.memref_squeeze %dma_wait3A_847 : memref<1x!tpu.dma_semaphore, #tpu.memory_space<semaphore_mem>> -> memref<!tpu.dma_semaphore, #tpu.memory_space<semaphore_mem>>
      %dma_wait3A_849 = arith.constant 0 : i32
      %dma_wait3A_850 = tpu.memref_slice %arg4[%add3A_838, %dma_wait3A_849] : memref<819200x128xf32, #tpu.memory_space<hbm>> -> memref<128x128xf32, #tpu.memory_space<hbm>>
      %dma_wait3A_851 = arith.constant 0 : i32
      %dma_wait3A_852 = arith.constant 0 : i32
      %dma_wait3A_853 = tpu.memref_slice %arg6[%dma_wait3A_839, %dma_wait3A_851, %dma_wait3A_852] : memref<5x128x128xf32, #tpu.memory_space<vmem>> -> memref<1x128x128xf32, #tpu.memory_space<vmem>>
      %dma_wait3A_854 = tpu.memref_squeeze %dma_wait3A_853 : memref<1x128x128xf32, #tpu.memory_space<vmem>> -> memref<128x128xf32, #tpu.memory_space<vmem>>
      tpu.wait_dma2 semaphore(%dma_wait3A_848 : memref<!tpu.dma_semaphore, #tpu.memory_space<semaphore_mem>>) src(%dma_wait3A_854 : memref<128x128xf32, #tpu.memory_space<vmem>>) dst(%dma_wait3A_850 : memref<128x128xf32, #tpu.memory_space<hbm>>)
      %dma_start3A_855 = arith.constant 1 : i32
      %dma_start3A_856 = arith.constant 0 : i32
      %dma_start3A_857 = arith.constant 0 : i32
      %dma_start3A_858 = arith.constant 0 : i32
      %dma_start3A_859 = arith.constant 0 : i32
      %dma_start3A_860 = arith.constant 0 : i32
      %dma_start3A_861 = tpu.memref_slice %arg6[%dma_start3A_857, %dma_start3A_859, %dma_start3A_860] : memref<5x128x128xf32, #tpu.memory_space<vmem>> -> memref<1x128x128xf32, #tpu.memory_space<vmem>>
      %dma_start3A_862 = tpu.memref_squeeze %dma_start3A_861 : memref<1x128x128xf32, #tpu.memory_space<vmem>> -> memref<128x128xf32, #tpu.memory_space<vmem>>
      %dma_start3A_863 = arith.constant 0 : i32
      %dma_start3A_864 = tpu.memref_slice %arg5[%dma_start3A_855, %dma_start3A_856, %dma_start3A_863] : memref<2x5x128xi32, #tpu.memory_space<vmem>> -> memref<1x1x128xi32, #tpu.memory_space<vmem>>
      %dma_start3A_865 = tpu.memref_squeeze %dma_start3A_864 : memref<1x1x128xi32, #tpu.memory_space<vmem>> -> memref<128xi32, #tpu.memory_space<vmem>>
      %dma_start3A_866 = arith.constant 0 : i32
      %dma_start3A_867 = arith.constant 0 : i32
      %dma_start3A_868 = tpu.memref_slice %arg3[%dma_start3A_866, %dma_start3A_867] : memref<100001x128xf32, #tpu.memory_space<hbm>> -> memref<100001x128xf32, #tpu.memory_space<hbm>>
      %dma_start3A_869 = tpu.memref_slice %arg8[%dma_start3A_858] : memref<5x!tpu.dma_semaphore, #tpu.memory_space<semaphore_mem>> -> memref<1x!tpu.dma_semaphore, #tpu.memory_space<semaphore_mem>>
      %dma_start3A_870 = tpu.memref_squeeze %dma_start3A_869 : memref<1x!tpu.dma_semaphore, #tpu.memory_space<semaphore_mem>> -> memref<!tpu.dma_semaphore, #tpu.memory_space<semaphore_mem>>
      tpu.enqueue_indirect_dma source(%dma_start3A_868 : memref<100001x128xf32, #tpu.memory_space<hbm>>) target(%dma_start3A_862 : memref<128x128xf32, #tpu.memory_space<vmem>>) offsets(%dma_start3A_865 : memref<128xi32, #tpu.memory_space<vmem>>) semaphore(%dma_start3A_870 : memref<!tpu.dma_semaphore, #tpu.memory_space<semaphore_mem>>)
      %dma_wait3A_871 = arith.constant 0 : i32
      %dma_wait3A_872 = arith.constant 2 : i32
      %dma_wait3A_873 = arith.constant 2 : i32
      %dma_wait3A_874 = arith.constant 2 : i32
      %dma_wait3A_875 = arith.constant 0 : i32
      %dma_wait3A_876 = arith.constant 0 : i32
      %dma_wait3A_877 = tpu.memref_slice %arg6[%dma_wait3A_873, %dma_wait3A_875, %dma_wait3A_876] : memref<5x128x128xf32, #tpu.memory_space<vmem>> -> memref<1x128x128xf32, #tpu.memory_space<vmem>>
      %dma_wait3A_878 = tpu.memref_squeeze %dma_wait3A_877 : memref<1x128x128xf32, #tpu.memory_space<vmem>> -> memref<128x128xf32, #tpu.memory_space<vmem>>
      %dma_wait3A_879 = arith.constant 0 : i32
      %dma_wait3A_880 = tpu.memref_slice %arg5[%dma_wait3A_871, %dma_wait3A_872, %dma_wait3A_879] : memref<2x5x128xi32, #tpu.memory_space<vmem>> -> memref<1x1x128xi32, #tpu.memory_space<vmem>>
      %dma_wait3A_881 = tpu.memref_squeeze %dma_wait3A_880 : memref<1x1x128xi32, #tpu.memory_space<vmem>> -> memref<128xi32, #tpu.memory_space<vmem>>
      %dma_wait3A_882 = arith.constant 0 : i32
      %dma_wait3A_883 = arith.constant 0 : i32
      %dma_wait3A_884 = tpu.memref_slice %arg3[%dma_wait3A_882, %dma_wait3A_883] : memref<100001x128xf32, #tpu.memory_space<hbm>> -> memref<100001x128xf32, #tpu.memory_space<hbm>>
      %dma_wait3A_885 = tpu.memref_slice %arg8[%dma_wait3A_874] : memref<5x!tpu.dma_semaphore, #tpu.memory_space<semaphore_mem>> -> memref<1x!tpu.dma_semaphore, #tpu.memory_space<semaphore_mem>>
      %dma_wait3A_886 = tpu.memref_squeeze %dma_wait3A_885 : memref<1x!tpu.dma_semaphore, #tpu.memory_space<semaphore_mem>> -> memref<!tpu.dma_semaphore, #tpu.memory_space<semaphore_mem>>
      tpu.wait_indirect_dma semaphore(%dma_wait3A_886 : memref<!tpu.dma_semaphore, #tpu.memory_space<semaphore_mem>>) src(%dma_wait3A_884 : memref<100001x128xf32, #tpu.memory_space<hbm>>) dst(%dma_wait3A_878 : memref<128x128xf32, #tpu.memory_space<vmem>>)
      %mul3A_887 = arith.constant 5 : i32
      %mul3A_888 = arith.muli %mul3A_731, %mul3A_887 : i32
      %add3A_889 = arith.constant 2 : i32
      %add3A_890 = arith.addi %mul3A_888, %add3A_889 : i32
      %mul3A_891 = arith.constant 128 : i32
      %mul3A_892 = arith.muli %add3A_890, %mul3A_891 : i32
      %add3A_893 = arith.addi %mul3A_2, %mul3A_892 : i32
      %dma_start3A_894 = arith.constant 2 : i32
      %dma_start3A_895 = arith.constant 2 : i32
      %dma_start3A_896 = arith.constant 0 : i32
      %dma_start3A_897 = arith.constant 0 : i32
      %dma_start3A_898 = tpu.memref_slice %arg6[%dma_start3A_894, %dma_start3A_896, %dma_start3A_897] : memref<5x128x128xf32, #tpu.memory_space<vmem>> -> memref<1x128x128xf32, #tpu.memory_space<vmem>>
      %dma_start3A_899 = tpu.memref_squeeze %dma_start3A_898 : memref<1x128x128xf32, #tpu.memory_space<vmem>> -> memref<128x128xf32, #tpu.memory_space<vmem>>
      %dma_start3A_900 = arith.constant 0 : i32
      %dma_start3A_901 = tpu.memref_slice %arg4[%add3A_893, %dma_start3A_900] : memref<819200x128xf32, #tpu.memory_space<hbm>> -> memref<128x128xf32, #tpu.memory_space<hbm>>
      %dma_start3A_902 = tpu.memref_slice %arg9[%dma_start3A_895] : memref<5x!tpu.dma_semaphore, #tpu.memory_space<semaphore_mem>> -> memref<1x!tpu.dma_semaphore, #tpu.memory_space<semaphore_mem>>
      %dma_start3A_903 = tpu.memref_squeeze %dma_start3A_902 : memref<1x!tpu.dma_semaphore, #tpu.memory_space<semaphore_mem>> -> memref<!tpu.dma_semaphore, #tpu.memory_space<semaphore_mem>>
      %dma_start3A_904 = arith.constant 0 : i32
      %dma_start3A_905 = tpu.memref_slice %arg4[%add3A_893, %dma_start3A_904] : memref<819200x128xf32, #tpu.memory_space<hbm>> -> memref<128x128xf32, #tpu.memory_space<hbm>>
      %dma_start3A_906 = arith.constant 0 : i32
      %dma_start3A_907 = arith.constant 0 : i32
      %dma_start3A_908 = tpu.memref_slice %arg6[%dma_start3A_894, %dma_start3A_906, %dma_start3A_907] : memref<5x128x128xf32, #tpu.memory_space<vmem>> -> memref<1x128x128xf32, #tpu.memory_space<vmem>>
      %dma_start3A_909 = tpu.memref_squeeze %dma_start3A_908 : memref<1x128x128xf32, #tpu.memory_space<vmem>> -> memref<128x128xf32, #tpu.memory_space<vmem>>
      tpu.enqueue_dma source(%dma_start3A_909 : memref<128x128xf32, #tpu.memory_space<vmem>>) target(%dma_start3A_905 : memref<128x128xf32, #tpu.memory_space<hbm>>) target_semaphore(%dma_start3A_903 : memref<!tpu.dma_semaphore, #tpu.memory_space<semaphore_mem>>)
      %mul3A_910 = arith.constant 5 : i32
      %mul3A_911 = arith.muli %mul3A_731, %mul3A_910 : i32
      %add3A_912 = arith.constant 1 : i32
      %add3A_913 = arith.addi %mul3A_911, %add3A_912 : i32
      %mul3A_914 = arith.constant 128 : i32
      %mul3A_915 = arith.muli %add3A_913, %mul3A_914 : i32
      %add3A_916 = arith.addi %mul3A_2, %mul3A_915 : i32
      %dma_wait3A_917 = arith.constant 1 : i32
      %dma_wait3A_918 = arith.constant 1 : i32
      %dma_wait3A_919 = arith.constant 0 : i32
      %dma_wait3A_920 = arith.constant 0 : i32
      %dma_wait3A_921 = tpu.memref_slice %arg6[%dma_wait3A_917, %dma_wait3A_919, %dma_wait3A_920] : memref<5x128x128xf32, #tpu.memory_space<vmem>> -> memref<1x128x128xf32, #tpu.memory_space<vmem>>
      %dma_wait3A_922 = tpu.memref_squeeze %dma_wait3A_921 : memref<1x128x128xf32, #tpu.memory_space<vmem>> -> memref<128x128xf32, #tpu.memory_space<vmem>>
      %dma_wait3A_923 = arith.constant 0 : i32
      %dma_wait3A_924 = tpu.memref_slice %arg4[%add3A_916, %dma_wait3A_923] : memref<819200x128xf32, #tpu.memory_space<hbm>> -> memref<128x128xf32, #tpu.memory_space<hbm>>
      %dma_wait3A_925 = tpu.memref_slice %arg9[%dma_wait3A_918] : memref<5x!tpu.dma_semaphore, #tpu.memory_space<semaphore_mem>> -> memref<1x!tpu.dma_semaphore, #tpu.memory_space<semaphore_mem>>
      %dma_wait3A_926 = tpu.memref_squeeze %dma_wait3A_925 : memref<1x!tpu.dma_semaphore, #tpu.memory_space<semaphore_mem>> -> memref<!tpu.dma_semaphore, #tpu.memory_space<semaphore_mem>>
      %dma_wait3A_927 = arith.constant 0 : i32
      %dma_wait3A_928 = tpu.memref_slice %arg4[%add3A_916, %dma_wait3A_927] : memref<819200x128xf32, #tpu.memory_space<hbm>> -> memref<128x128xf32, #tpu.memory_space<hbm>>
      %dma_wait3A_929 = arith.constant 0 : i32
      %dma_wait3A_930 = arith.constant 0 : i32
      %dma_wait3A_931 = tpu.memref_slice %arg6[%dma_wait3A_917, %dma_wait3A_929, %dma_wait3A_930] : memref<5x128x128xf32, #tpu.memory_space<vmem>> -> memref<1x128x128xf32, #tpu.memory_space<vmem>>
      %dma_wait3A_932 = tpu.memref_squeeze %dma_wait3A_931 : memref<1x128x128xf32, #tpu.memory_space<vmem>> -> memref<128x128xf32, #tpu.memory_space<vmem>>
      tpu.wait_dma2 semaphore(%dma_wait3A_926 : memref<!tpu.dma_semaphore, #tpu.memory_space<semaphore_mem>>) src(%dma_wait3A_932 : memref<128x128xf32, #tpu.memory_space<vmem>>) dst(%dma_wait3A_928 : memref<128x128xf32, #tpu.memory_space<hbm>>)
      %dma_start3A_933 = arith.constant 1 : i32
      %dma_start3A_934 = arith.constant 1 : i32
      %dma_start3A_935 = arith.constant 1 : i32
      %dma_start3A_936 = arith.constant 1 : i32
      %dma_start3A_937 = arith.constant 0 : i32
      %dma_start3A_938 = arith.constant 0 : i32
      %dma_start3A_939 = tpu.memref_slice %arg6[%dma_start3A_935, %dma_start3A_937, %dma_start3A_938] : memref<5x128x128xf32, #tpu.memory_space<vmem>> -> memref<1x128x128xf32, #tpu.memory_space<vmem>>
      %dma_start3A_940 = tpu.memref_squeeze %dma_start3A_939 : memref<1x128x128xf32, #tpu.memory_space<vmem>> -> memref<128x128xf32, #tpu.memory_space<vmem>>
      %dma_start3A_941 = arith.constant 0 : i32
      %dma_start3A_942 = tpu.memref_slice %arg5[%dma_start3A_933, %dma_start3A_934, %dma_start3A_941] : memref<2x5x128xi32, #tpu.memory_space<vmem>> -> memref<1x1x128xi32, #tpu.memory_space<vmem>>
      %dma_start3A_943 = tpu.memref_squeeze %dma_start3A_942 : memref<1x1x128xi32, #tpu.memory_space<vmem>> -> memref<128xi32, #tpu.memory_space<vmem>>
      %dma_start3A_944 = arith.constant 0 : i32
      %dma_start3A_945 = arith.constant 0 : i32
      %dma_start3A_946 = tpu.memref_slice %arg3[%dma_start3A_944, %dma_start3A_945] : memref<100001x128xf32, #tpu.memory_space<hbm>> -> memref<100001x128xf32, #tpu.memory_space<hbm>>
      %dma_start3A_947 = tpu.memref_slice %arg8[%dma_start3A_936] : memref<5x!tpu.dma_semaphore, #tpu.memory_space<semaphore_mem>> -> memref<1x!tpu.dma_semaphore, #tpu.memory_space<semaphore_mem>>
      %dma_start3A_948 = tpu.memref_squeeze %dma_start3A_947 : memref<1x!tpu.dma_semaphore, #tpu.memory_space<semaphore_mem>> -> memref<!tpu.dma_semaphore, #tpu.memory_space<semaphore_mem>>
      tpu.enqueue_indirect_dma source(%dma_start3A_946 : memref<100001x128xf32, #tpu.memory_space<hbm>>) target(%dma_start3A_940 : memref<128x128xf32, #tpu.memory_space<vmem>>) offsets(%dma_start3A_943 : memref<128xi32, #tpu.memory_space<vmem>>) semaphore(%dma_start3A_948 : memref<!tpu.dma_semaphore, #tpu.memory_space<semaphore_mem>>)
      %dma_wait3A_949 = arith.constant 0 : i32
      %dma_wait3A_950 = arith.constant 3 : i32
      %dma_wait3A_951 = arith.constant 3 : i32
      %dma_wait3A_952 = arith.constant 3 : i32
      %dma_wait3A_953 = arith.constant 0 : i32
      %dma_wait3A_954 = arith.constant 0 : i32
      %dma_wait3A_955 = tpu.memref_slice %arg6[%dma_wait3A_951, %dma_wait3A_953, %dma_wait3A_954] : memref<5x128x128xf32, #tpu.memory_space<vmem>> -> memref<1x128x128xf32, #tpu.memory_space<vmem>>
      %dma_wait3A_956 = tpu.memref_squeeze %dma_wait3A_955 : memref<1x128x128xf32, #tpu.memory_space<vmem>> -> memref<128x128xf32, #tpu.memory_space<vmem>>
      %dma_wait3A_957 = arith.constant 0 : i32
      %dma_wait3A_958 = tpu.memref_slice %arg5[%dma_wait3A_949, %dma_wait3A_950, %dma_wait3A_957] : memref<2x5x128xi32, #tpu.memory_space<vmem>> -> memref<1x1x128xi32, #tpu.memory_space<vmem>>
      %dma_wait3A_959 = tpu.memref_squeeze %dma_wait3A_958 : memref<1x1x128xi32, #tpu.memory_space<vmem>> -> memref<128xi32, #tpu.memory_space<vmem>>
      %dma_wait3A_960 = arith.constant 0 : i32
      %dma_wait3A_961 = arith.constant 0 : i32
      %dma_wait3A_962 = tpu.memref_slice %arg3[%dma_wait3A_960, %dma_wait3A_961] : memref<100001x128xf32, #tpu.memory_space<hbm>> -> memref<100001x128xf32, #tpu.memory_space<hbm>>
      %dma_wait3A_963 = tpu.memref_slice %arg8[%dma_wait3A_952] : memref<5x!tpu.dma_semaphore, #tpu.memory_space<semaphore_mem>> -> memref<1x!tpu.dma_semaphore, #tpu.memory_space<semaphore_mem>>
      %dma_wait3A_964 = tpu.memref_squeeze %dma_wait3A_963 : memref<1x!tpu.dma_semaphore, #tpu.memory_space<semaphore_mem>> -> memref<!tpu.dma_semaphore, #tpu.memory_space<semaphore_mem>>
      tpu.wait_indirect_dma semaphore(%dma_wait3A_964 : memref<!tpu.dma_semaphore, #tpu.memory_space<semaphore_mem>>) src(%dma_wait3A_962 : memref<100001x128xf32, #tpu.memory_space<hbm>>) dst(%dma_wait3A_956 : memref<128x128xf32, #tpu.memory_space<vmem>>)
      %mul3A_965 = arith.constant 5 : i32
      %mul3A_966 = arith.muli %mul3A_731, %mul3A_965 : i32
      %add3A_967 = arith.constant 3 : i32
      %add3A_968 = arith.addi %mul3A_966, %add3A_967 : i32
      %mul3A_969 = arith.constant 128 : i32
      %mul3A_970 = arith.muli %add3A_968, %mul3A_969 : i32
      %add3A_971 = arith.addi %mul3A_2, %mul3A_970 : i32
      %dma_start3A_972 = arith.constant 3 : i32
      %dma_start3A_973 = arith.constant 3 : i32
      %dma_start3A_974 = arith.constant 0 : i32
      %dma_start3A_975 = arith.constant 0 : i32
      %dma_start3A_976 = tpu.memref_slice %arg6[%dma_start3A_972, %dma_start3A_974, %dma_start3A_975] : memref<5x128x128xf32, #tpu.memory_space<vmem>> -> memref<1x128x128xf32, #tpu.memory_space<vmem>>
      %dma_start3A_977 = tpu.memref_squeeze %dma_start3A_976 : memref<1x128x128xf32, #tpu.memory_space<vmem>> -> memref<128x128xf32, #tpu.memory_space<vmem>>
      %dma_start3A_978 = arith.constant 0 : i32
      %dma_start3A_979 = tpu.memref_slice %arg4[%add3A_971, %dma_start3A_978] : memref<819200x128xf32, #tpu.memory_space<hbm>> -> memref<128x128xf32, #tpu.memory_space<hbm>>
      %dma_start3A_980 = tpu.memref_slice %arg9[%dma_start3A_973] : memref<5x!tpu.dma_semaphore, #tpu.memory_space<semaphore_mem>> -> memref<1x!tpu.dma_semaphore, #tpu.memory_space<semaphore_mem>>
      %dma_start3A_981 = tpu.memref_squeeze %dma_start3A_980 : memref<1x!tpu.dma_semaphore, #tpu.memory_space<semaphore_mem>> -> memref<!tpu.dma_semaphore, #tpu.memory_space<semaphore_mem>>
      %dma_start3A_982 = arith.constant 0 : i32
      %dma_start3A_983 = tpu.memref_slice %arg4[%add3A_971, %dma_start3A_982] : memref<819200x128xf32, #tpu.memory_space<hbm>> -> memref<128x128xf32, #tpu.memory_space<hbm>>
      %dma_start3A_984 = arith.constant 0 : i32
      %dma_start3A_985 = arith.constant 0 : i32
      %dma_start3A_986 = tpu.memref_slice %arg6[%dma_start3A_972, %dma_start3A_984, %dma_start3A_985] : memref<5x128x128xf32, #tpu.memory_space<vmem>> -> memref<1x128x128xf32, #tpu.memory_space<vmem>>
      %dma_start3A_987 = tpu.memref_squeeze %dma_start3A_986 : memref<1x128x128xf32, #tpu.memory_space<vmem>> -> memref<128x128xf32, #tpu.memory_space<vmem>>
      tpu.enqueue_dma source(%dma_start3A_987 : memref<128x128xf32, #tpu.memory_space<vmem>>) target(%dma_start3A_983 : memref<128x128xf32, #tpu.memory_space<hbm>>) target_semaphore(%dma_start3A_981 : memref<!tpu.dma_semaphore, #tpu.memory_space<semaphore_mem>>)
      %mul3A_988 = arith.constant 5 : i32
      %mul3A_989 = arith.muli %mul3A_731, %mul3A_988 : i32
      %add3A_990 = arith.constant 2 : i32
      %add3A_991 = arith.addi %mul3A_989, %add3A_990 : i32
      %mul3A_992 = arith.constant 128 : i32
      %mul3A_993 = arith.muli %add3A_991, %mul3A_992 : i32
      %add3A_994 = arith.addi %mul3A_2, %mul3A_993 : i32
      %dma_wait3A_995 = arith.constant 2 : i32
      %dma_wait3A_996 = arith.constant 2 : i32
      %dma_wait3A_997 = arith.constant 0 : i32
      %dma_wait3A_998 = arith.constant 0 : i32
      %dma_wait3A_999 = tpu.memref_slice %arg6[%dma_wait3A_995, %dma_wait3A_997, %dma_wait3A_998] : memref<5x128x128xf32, #tpu.memory_space<vmem>> -> memref<1x128x128xf32, #tpu.memory_space<vmem>>
      %dma_wait3A_1000 = tpu.memref_squeeze %dma_wait3A_999 : memref<1x128x128xf32, #tpu.memory_space<vmem>> -> memref<128x128xf32, #tpu.memory_space<vmem>>
      %dma_wait3A_1001 = arith.constant 0 : i32
      %dma_wait3A_1002 = tpu.memref_slice %arg4[%add3A_994, %dma_wait3A_1001] : memref<819200x128xf32, #tpu.memory_space<hbm>> -> memref<128x128xf32, #tpu.memory_space<hbm>>
      %dma_wait3A_1003 = tpu.memref_slice %arg9[%dma_wait3A_996] : memref<5x!tpu.dma_semaphore, #tpu.memory_space<semaphore_mem>> -> memref<1x!tpu.dma_semaphore, #tpu.memory_space<semaphore_mem>>
      %dma_wait3A_1004 = tpu.memref_squeeze %dma_wait3A_1003 : memref<1x!tpu.dma_semaphore, #tpu.memory_space<semaphore_mem>> -> memref<!tpu.dma_semaphore, #tpu.memory_space<semaphore_mem>>
      %dma_wait3A_1005 = arith.constant 0 : i32
      %dma_wait3A_1006 = tpu.memref_slice %arg4[%add3A_994, %dma_wait3A_1005] : memref<819200x128xf32, #tpu.memory_space<hbm>> -> memref<128x128xf32, #tpu.memory_space<hbm>>
      %dma_wait3A_1007 = arith.constant 0 : i32
      %dma_wait3A_1008 = arith.constant 0 : i32
      %dma_wait3A_1009 = tpu.memref_slice %arg6[%dma_wait3A_995, %dma_wait3A_1007, %dma_wait3A_1008] : memref<5x128x128xf32, #tpu.memory_space<vmem>> -> memref<1x128x128xf32, #tpu.memory_space<vmem>>
      %dma_wait3A_1010 = tpu.memref_squeeze %dma_wait3A_1009 : memref<1x128x128xf32, #tpu.memory_space<vmem>> -> memref<128x128xf32, #tpu.memory_space<vmem>>
      tpu.wait_dma2 semaphore(%dma_wait3A_1004 : memref<!tpu.dma_semaphore, #tpu.memory_space<semaphore_mem>>) src(%dma_wait3A_1010 : memref<128x128xf32, #tpu.memory_space<vmem>>) dst(%dma_wait3A_1006 : memref<128x128xf32, #tpu.memory_space<hbm>>)
      %dma_start3A_1011 = arith.constant 1 : i32
      %dma_start3A_1012 = arith.constant 2 : i32
      %dma_start3A_1013 = arith.constant 2 : i32
      %dma_start3A_1014 = arith.constant 2 : i32
      %dma_start3A_1015 = arith.constant 0 : i32
      %dma_start3A_1016 = arith.constant 0 : i32
      %dma_start3A_1017 = tpu.memref_slice %arg6[%dma_start3A_1013, %dma_start3A_1015, %dma_start3A_1016] : memref<5x128x128xf32, #tpu.memory_space<vmem>> -> memref<1x128x128xf32, #tpu.memory_space<vmem>>
      %dma_start3A_1018 = tpu.memref_squeeze %dma_start3A_1017 : memref<1x128x128xf32, #tpu.memory_space<vmem>> -> memref<128x128xf32, #tpu.memory_space<vmem>>
      %dma_start3A_1019 = arith.constant 0 : i32
      %dma_start3A_1020 = tpu.memref_slice %arg5[%dma_start3A_1011, %dma_start3A_1012, %dma_start3A_1019] : memref<2x5x128xi32, #tpu.memory_space<vmem>> -> memref<1x1x128xi32, #tpu.memory_space<vmem>>
      %dma_start3A_1021 = tpu.memref_squeeze %dma_start3A_1020 : memref<1x1x128xi32, #tpu.memory_space<vmem>> -> memref<128xi32, #tpu.memory_space<vmem>>
      %dma_start3A_1022 = arith.constant 0 : i32
      %dma_start3A_1023 = arith.constant 0 : i32
      %dma_start3A_1024 = tpu.memref_slice %arg3[%dma_start3A_1022, %dma_start3A_1023] : memref<100001x128xf32, #tpu.memory_space<hbm>> -> memref<100001x128xf32, #tpu.memory_space<hbm>>
      %dma_start3A_1025 = tpu.memref_slice %arg8[%dma_start3A_1014] : memref<5x!tpu.dma_semaphore, #tpu.memory_space<semaphore_mem>> -> memref<1x!tpu.dma_semaphore, #tpu.memory_space<semaphore_mem>>
      %dma_start3A_1026 = tpu.memref_squeeze %dma_start3A_1025 : memref<1x!tpu.dma_semaphore, #tpu.memory_space<semaphore_mem>> -> memref<!tpu.dma_semaphore, #tpu.memory_space<semaphore_mem>>
      tpu.enqueue_indirect_dma source(%dma_start3A_1024 : memref<100001x128xf32, #tpu.memory_space<hbm>>) target(%dma_start3A_1018 : memref<128x128xf32, #tpu.memory_space<vmem>>) offsets(%dma_start3A_1021 : memref<128xi32, #tpu.memory_space<vmem>>) semaphore(%dma_start3A_1026 : memref<!tpu.dma_semaphore, #tpu.memory_space<semaphore_mem>>)
      %dma_wait3A_1027 = arith.constant 0 : i32
      %dma_wait3A_1028 = arith.constant 4 : i32
      %dma_wait3A_1029 = arith.constant 4 : i32
      %dma_wait3A_1030 = arith.constant 4 : i32
      %dma_wait3A_1031 = arith.constant 0 : i32
      %dma_wait3A_1032 = arith.constant 0 : i32
      %dma_wait3A_1033 = tpu.memref_slice %arg6[%dma_wait3A_1029, %dma_wait3A_1031, %dma_wait3A_1032] : memref<5x128x128xf32, #tpu.memory_space<vmem>> -> memref<1x128x128xf32, #tpu.memory_space<vmem>>
      %dma_wait3A_1034 = tpu.memref_squeeze %dma_wait3A_1033 : memref<1x128x128xf32, #tpu.memory_space<vmem>> -> memref<128x128xf32, #tpu.memory_space<vmem>>
      %dma_wait3A_1035 = arith.constant 0 : i32
      %dma_wait3A_1036 = tpu.memref_slice %arg5[%dma_wait3A_1027, %dma_wait3A_1028, %dma_wait3A_1035] : memref<2x5x128xi32, #tpu.memory_space<vmem>> -> memref<1x1x128xi32, #tpu.memory_space<vmem>>
      %dma_wait3A_1037 = tpu.memref_squeeze %dma_wait3A_1036 : memref<1x1x128xi32, #tpu.memory_space<vmem>> -> memref<128xi32, #tpu.memory_space<vmem>>
      %dma_wait3A_1038 = arith.constant 0 : i32
      %dma_wait3A_1039 = arith.constant 0 : i32
      %dma_wait3A_1040 = tpu.memref_slice %arg3[%dma_wait3A_1038, %dma_wait3A_1039] : memref<100001x128xf32, #tpu.memory_space<hbm>> -> memref<100001x128xf32, #tpu.memory_space<hbm>>
      %dma_wait3A_1041 = tpu.memref_slice %arg8[%dma_wait3A_1030] : memref<5x!tpu.dma_semaphore, #tpu.memory_space<semaphore_mem>> -> memref<1x!tpu.dma_semaphore, #tpu.memory_space<semaphore_mem>>
      %dma_wait3A_1042 = tpu.memref_squeeze %dma_wait3A_1041 : memref<1x!tpu.dma_semaphore, #tpu.memory_space<semaphore_mem>> -> memref<!tpu.dma_semaphore, #tpu.memory_space<semaphore_mem>>
      tpu.wait_indirect_dma semaphore(%dma_wait3A_1042 : memref<!tpu.dma_semaphore, #tpu.memory_space<semaphore_mem>>) src(%dma_wait3A_1040 : memref<100001x128xf32, #tpu.memory_space<hbm>>) dst(%dma_wait3A_1034 : memref<128x128xf32, #tpu.memory_space<vmem>>)
      %mul3A_1043 = arith.constant 5 : i32
      %mul3A_1044 = arith.muli %mul3A_731, %mul3A_1043 : i32
      %add3A_1045 = arith.constant 4 : i32
      %add3A_1046 = arith.addi %mul3A_1044, %add3A_1045 : i32
      %mul3A_1047 = arith.constant 128 : i32
      %mul3A_1048 = arith.muli %add3A_1046, %mul3A_1047 : i32
      %add3A_1049 = arith.addi %mul3A_2, %mul3A_1048 : i32
      %dma_start3A_1050 = arith.constant 4 : i32
      %dma_start3A_1051 = arith.constant 4 : i32
      %dma_start3A_1052 = arith.constant 0 : i32
      %dma_start3A_1053 = arith.constant 0 : i32
      %dma_start3A_1054 = tpu.memref_slice %arg6[%dma_start3A_1050, %dma_start3A_1052, %dma_start3A_1053] : memref<5x128x128xf32, #tpu.memory_space<vmem>> -> memref<1x128x128xf32, #tpu.memory_space<vmem>>
      %dma_start3A_1055 = tpu.memref_squeeze %dma_start3A_1054 : memref<1x128x128xf32, #tpu.memory_space<vmem>> -> memref<128x128xf32, #tpu.memory_space<vmem>>
      %dma_start3A_1056 = arith.constant 0 : i32
      %dma_start3A_1057 = tpu.memref_slice %arg4[%add3A_1049, %dma_start3A_1056] : memref<819200x128xf32, #tpu.memory_space<hbm>> -> memref<128x128xf32, #tpu.memory_space<hbm>>
      %dma_start3A_1058 = tpu.memref_slice %arg9[%dma_start3A_1051] : memref<5x!tpu.dma_semaphore, #tpu.memory_space<semaphore_mem>> -> memref<1x!tpu.dma_semaphore, #tpu.memory_space<semaphore_mem>>
      %dma_start3A_1059 = tpu.memref_squeeze %dma_start3A_1058 : memref<1x!tpu.dma_semaphore, #tpu.memory_space<semaphore_mem>> -> memref<!tpu.dma_semaphore, #tpu.memory_space<semaphore_mem>>
      %dma_start3A_1060 = arith.constant 0 : i32
      %dma_start3A_1061 = tpu.memref_slice %arg4[%add3A_1049, %dma_start3A_1060] : memref<819200x128xf32, #tpu.memory_space<hbm>> -> memref<128x128xf32, #tpu.memory_space<hbm>>
      %dma_start3A_1062 = arith.constant 0 : i32
      %dma_start3A_1063 = arith.constant 0 : i32
      %dma_start3A_1064 = tpu.memref_slice %arg6[%dma_start3A_1050, %dma_start3A_1062, %dma_start3A_1063] : memref<5x128x128xf32, #tpu.memory_space<vmem>> -> memref<1x128x128xf32, #tpu.memory_space<vmem>>
      %dma_start3A_1065 = tpu.memref_squeeze %dma_start3A_1064 : memref<1x128x128xf32, #tpu.memory_space<vmem>> -> memref<128x128xf32, #tpu.memory_space<vmem>>
      tpu.enqueue_dma source(%dma_start3A_1065 : memref<128x128xf32, #tpu.memory_space<vmem>>) target(%dma_start3A_1061 : memref<128x128xf32, #tpu.memory_space<hbm>>) target_semaphore(%dma_start3A_1059 : memref<!tpu.dma_semaphore, #tpu.memory_space<semaphore_mem>>)
      %mul3A_1066 = arith.constant 5 : i32
      %mul3A_1067 = arith.muli %mul3A_731, %mul3A_1066 : i32
      %add3A_1068 = arith.constant 3 : i32
      %add3A_1069 = arith.addi %mul3A_1067, %add3A_1068 : i32
      %mul3A_1070 = arith.constant 128 : i32
      %mul3A_1071 = arith.muli %add3A_1069, %mul3A_1070 : i32
      %add3A_1072 = arith.addi %mul3A_2, %mul3A_1071 : i32
      %dma_wait3A_1073 = arith.constant 3 : i32
      %dma_wait3A_1074 = arith.constant 3 : i32
      %dma_wait3A_1075 = arith.constant 0 : i32
      %dma_wait3A_1076 = arith.constant 0 : i32
      %dma_wait3A_1077 = tpu.memref_slice %arg6[%dma_wait3A_1073, %dma_wait3A_1075, %dma_wait3A_1076] : memref<5x128x128xf32, #tpu.memory_space<vmem>> -> memref<1x128x128xf32, #tpu.memory_space<vmem>>
      %dma_wait3A_1078 = tpu.memref_squeeze %dma_wait3A_1077 : memref<1x128x128xf32, #tpu.memory_space<vmem>> -> memref<128x128xf32, #tpu.memory_space<vmem>>
      %dma_wait3A_1079 = arith.constant 0 : i32
      %dma_wait3A_1080 = tpu.memref_slice %arg4[%add3A_1072, %dma_wait3A_1079] : memref<819200x128xf32, #tpu.memory_space<hbm>> -> memref<128x128xf32, #tpu.memory_space<hbm>>
      %dma_wait3A_1081 = tpu.memref_slice %arg9[%dma_wait3A_1074] : memref<5x!tpu.dma_semaphore, #tpu.memory_space<semaphore_mem>> -> memref<1x!tpu.dma_semaphore, #tpu.memory_space<semaphore_mem>>
      %dma_wait3A_1082 = tpu.memref_squeeze %dma_wait3A_1081 : memref<1x!tpu.dma_semaphore, #tpu.memory_space<semaphore_mem>> -> memref<!tpu.dma_semaphore, #tpu.memory_space<semaphore_mem>>
      %dma_wait3A_1083 = arith.constant 0 : i32
      %dma_wait3A_1084 = tpu.memref_slice %arg4[%add3A_1072, %dma_wait3A_1083] : memref<819200x128xf32, #tpu.memory_space<hbm>> -> memref<128x128xf32, #tpu.memory_space<hbm>>
      %dma_wait3A_1085 = arith.constant 0 : i32
      %dma_wait3A_1086 = arith.constant 0 : i32
      %dma_wait3A_1087 = tpu.memref_slice %arg6[%dma_wait3A_1073, %dma_wait3A_1085, %dma_wait3A_1086] : memref<5x128x128xf32, #tpu.memory_space<vmem>> -> memref<1x128x128xf32, #tpu.memory_space<vmem>>
      %dma_wait3A_1088 = tpu.memref_squeeze %dma_wait3A_1087 : memref<1x128x128xf32, #tpu.memory_space<vmem>> -> memref<128x128xf32, #tpu.memory_space<vmem>>
      tpu.wait_dma2 semaphore(%dma_wait3A_1082 : memref<!tpu.dma_semaphore, #tpu.memory_space<semaphore_mem>>) src(%dma_wait3A_1088 : memref<128x128xf32, #tpu.memory_space<vmem>>) dst(%dma_wait3A_1084 : memref<128x128xf32, #tpu.memory_space<hbm>>)
      %dma_start3A_1089 = arith.constant 1 : i32
      %dma_start3A_1090 = arith.constant 3 : i32
      %dma_start3A_1091 = arith.constant 3 : i32
      %dma_start3A_1092 = arith.constant 3 : i32
      %dma_start3A_1093 = arith.constant 0 : i32
      %dma_start3A_1094 = arith.constant 0 : i32
      %dma_start3A_1095 = tpu.memref_slice %arg6[%dma_start3A_1091, %dma_start3A_1093, %dma_start3A_1094] : memref<5x128x128xf32, #tpu.memory_space<vmem>> -> memref<1x128x128xf32, #tpu.memory_space<vmem>>
      %dma_start3A_1096 = tpu.memref_squeeze %dma_start3A_1095 : memref<1x128x128xf32, #tpu.memory_space<vmem>> -> memref<128x128xf32, #tpu.memory_space<vmem>>
      %dma_start3A_1097 = arith.constant 0 : i32
      %dma_start3A_1098 = tpu.memref_slice %arg5[%dma_start3A_1089, %dma_start3A_1090, %dma_start3A_1097] : memref<2x5x128xi32, #tpu.memory_space<vmem>> -> memref<1x1x128xi32, #tpu.memory_space<vmem>>
      %dma_start3A_1099 = tpu.memref_squeeze %dma_start3A_1098 : memref<1x1x128xi32, #tpu.memory_space<vmem>> -> memref<128xi32, #tpu.memory_space<vmem>>
      %dma_start3A_1100 = arith.constant 0 : i32
      %dma_start3A_1101 = arith.constant 0 : i32
      %dma_start3A_1102 = tpu.memref_slice %arg3[%dma_start3A_1100, %dma_start3A_1101] : memref<100001x128xf32, #tpu.memory_space<hbm>> -> memref<100001x128xf32, #tpu.memory_space<hbm>>
      %dma_start3A_1103 = tpu.memref_slice %arg8[%dma_start3A_1092] : memref<5x!tpu.dma_semaphore, #tpu.memory_space<semaphore_mem>> -> memref<1x!tpu.dma_semaphore, #tpu.memory_space<semaphore_mem>>
      %dma_start3A_1104 = tpu.memref_squeeze %dma_start3A_1103 : memref<1x!tpu.dma_semaphore, #tpu.memory_space<semaphore_mem>> -> memref<!tpu.dma_semaphore, #tpu.memory_space<semaphore_mem>>
      tpu.enqueue_indirect_dma source(%dma_start3A_1102 : memref<100001x128xf32, #tpu.memory_space<hbm>>) target(%dma_start3A_1096 : memref<128x128xf32, #tpu.memory_space<vmem>>) offsets(%dma_start3A_1099 : memref<128xi32, #tpu.memory_space<vmem>>) semaphore(%dma_start3A_1104 : memref<!tpu.dma_semaphore, #tpu.memory_space<semaphore_mem>>)
      %mul3A_1105 = arith.constant 5 : i32
      %mul3A_1106 = arith.muli %mul3A_731, %mul3A_1105 : i32
      %add3A_1107 = arith.constant 4 : i32
      %add3A_1108 = arith.addi %mul3A_1106, %add3A_1107 : i32
      %mul3A_1109 = arith.constant 128 : i32
      %mul3A_1110 = arith.muli %add3A_1108, %mul3A_1109 : i32
      %add3A_1111 = arith.addi %mul3A_2, %mul3A_1110 : i32
      %dma_wait3A_1112 = arith.constant 4 : i32
      %dma_wait3A_1113 = arith.constant 4 : i32
      %dma_wait3A_1114 = arith.constant 0 : i32
      %dma_wait3A_1115 = arith.constant 0 : i32
      %dma_wait3A_1116 = tpu.memref_slice %arg6[%dma_wait3A_1112, %dma_wait3A_1114, %dma_wait3A_1115] : memref<5x128x128xf32, #tpu.memory_space<vmem>> -> memref<1x128x128xf32, #tpu.memory_space<vmem>>
      %dma_wait3A_1117 = tpu.memref_squeeze %dma_wait3A_1116 : memref<1x128x128xf32, #tpu.memory_space<vmem>> -> memref<128x128xf32, #tpu.memory_space<vmem>>
      %dma_wait3A_1118 = arith.constant 0 : i32
      %dma_wait3A_1119 = tpu.memref_slice %arg4[%add3A_1111, %dma_wait3A_1118] : memref<819200x128xf32, #tpu.memory_space<hbm>> -> memref<128x128xf32, #tpu.memory_space<hbm>>
      %dma_wait3A_1120 = tpu.memref_slice %arg9[%dma_wait3A_1113] : memref<5x!tpu.dma_semaphore, #tpu.memory_space<semaphore_mem>> -> memref<1x!tpu.dma_semaphore, #tpu.memory_space<semaphore_mem>>
      %dma_wait3A_1121 = tpu.memref_squeeze %dma_wait3A_1120 : memref<1x!tpu.dma_semaphore, #tpu.memory_space<semaphore_mem>> -> memref<!tpu.dma_semaphore, #tpu.memory_space<semaphore_mem>>
      %dma_wait3A_1122 = arith.constant 0 : i32
      %dma_wait3A_1123 = tpu.memref_slice %arg4[%add3A_1111, %dma_wait3A_1122] : memref<819200x128xf32, #tpu.memory_space<hbm>> -> memref<128x128xf32, #tpu.memory_space<hbm>>
      %dma_wait3A_1124 = arith.constant 0 : i32
      %dma_wait3A_1125 = arith.constant 0 : i32
      %dma_wait3A_1126 = tpu.memref_slice %arg6[%dma_wait3A_1112, %dma_wait3A_1124, %dma_wait3A_1125] : memref<5x128x128xf32, #tpu.memory_space<vmem>> -> memref<1x128x128xf32, #tpu.memory_space<vmem>>
      %dma_wait3A_1127 = tpu.memref_squeeze %dma_wait3A_1126 : memref<1x128x128xf32, #tpu.memory_space<vmem>> -> memref<128x128xf32, #tpu.memory_space<vmem>>
      tpu.wait_dma2 semaphore(%dma_wait3A_1121 : memref<!tpu.dma_semaphore, #tpu.memory_space<semaphore_mem>>) src(%dma_wait3A_1127 : memref<128x128xf32, #tpu.memory_space<vmem>>) dst(%dma_wait3A_1123 : memref<128x128xf32, #tpu.memory_space<hbm>>)
      %dma_start3A_1128 = arith.constant 1 : i32
      %dma_start3A_1129 = arith.constant 4 : i32
      %dma_start3A_1130 = arith.constant 4 : i32
      %dma_start3A_1131 = arith.constant 4 : i32
      %dma_start3A_1132 = arith.constant 0 : i32
      %dma_start3A_1133 = arith.constant 0 : i32
      %dma_start3A_1134 = tpu.memref_slice %arg6[%dma_start3A_1130, %dma_start3A_1132, %dma_start3A_1133] : memref<5x128x128xf32, #tpu.memory_space<vmem>> -> memref<1x128x128xf32, #tpu.memory_space<vmem>>
      %dma_start3A_1135 = tpu.memref_squeeze %dma_start3A_1134 : memref<1x128x128xf32, #tpu.memory_space<vmem>> -> memref<128x128xf32, #tpu.memory_space<vmem>>
      %dma_start3A_1136 = arith.constant 0 : i32
      %dma_start3A_1137 = tpu.memref_slice %arg5[%dma_start3A_1128, %dma_start3A_1129, %dma_start3A_1136] : memref<2x5x128xi32, #tpu.memory_space<vmem>> -> memref<1x1x128xi32, #tpu.memory_space<vmem>>
      %dma_start3A_1138 = tpu.memref_squeeze %dma_start3A_1137 : memref<1x1x128xi32, #tpu.memory_space<vmem>> -> memref<128xi32, #tpu.memory_space<vmem>>
      %dma_start3A_1139 = arith.constant 0 : i32
      %dma_start3A_1140 = arith.constant 0 : i32
      %dma_start3A_1141 = tpu.memref_slice %arg3[%dma_start3A_1139, %dma_start3A_1140] : memref<100001x128xf32, #tpu.memory_space<hbm>> -> memref<100001x128xf32, #tpu.memory_space<hbm>>
      %dma_start3A_1142 = tpu.memref_slice %arg8[%dma_start3A_1131] : memref<5x!tpu.dma_semaphore, #tpu.memory_space<semaphore_mem>> -> memref<1x!tpu.dma_semaphore, #tpu.memory_space<semaphore_mem>>
      %dma_start3A_1143 = tpu.memref_squeeze %dma_start3A_1142 : memref<1x!tpu.dma_semaphore, #tpu.memory_space<semaphore_mem>> -> memref<!tpu.dma_semaphore, #tpu.memory_space<semaphore_mem>>
      tpu.enqueue_indirect_dma source(%dma_start3A_1141 : memref<100001x128xf32, #tpu.memory_space<hbm>>) target(%dma_start3A_1135 : memref<128x128xf32, #tpu.memory_space<vmem>>) offsets(%dma_start3A_1138 : memref<128xi32, #tpu.memory_space<vmem>>) semaphore(%dma_start3A_1143 : memref<!tpu.dma_semaphore, #tpu.memory_space<semaphore_mem>>)
      %add3A_1144 = arith.constant 2 : i32
      %add3A_1145 = arith.addi %mul3A_731, %add3A_1144 : i32
      %dma_start3A_1146 = arith.constant 0 : i32
      %dma_start3A_1147 = arith.constant 0 : i32
      %dma_start3A_1148 = arith.constant 0 : i32
      %dma_start3A_1149 = arith.constant 0 : i32
      %dma_start3A_1150 = tpu.memref_slice %arg5[%dma_start3A_1146, %dma_start3A_1148, %dma_start3A_1149] : memref<2x5x128xi32, #tpu.memory_space<vmem>> -> memref<1x5x128xi32, #tpu.memory_space<vmem>>
      %dma_start3A_1151 = tpu.memref_squeeze %dma_start3A_1150 : memref<1x5x128xi32, #tpu.memory_space<vmem>> -> memref<5x128xi32, #tpu.memory_space<vmem>>
      %dma_start3A_1152 = arith.constant 0 : i32
      %dma_start3A_1153 = arith.constant 0 : i32
      %dma_start3A_1154 = tpu.memref_slice %arg2[%add3A, %add3A_1145, %dma_start3A_1152, %dma_start3A_1153] : memref<32x40x5x128xi32, #tpu.memory_space<hbm>> -> memref<1x1x5x128xi32, #tpu.memory_space<hbm>>
      %dma_start3A_1155 = tpu.memref_squeeze %dma_start3A_1154 : memref<1x1x5x128xi32, #tpu.memory_space<hbm>> -> memref<5x128xi32, #tpu.memory_space<hbm>>
      %dma_start3A_1156 = tpu.memref_slice %arg7[%dma_start3A_1147] : memref<2x!tpu.dma_semaphore, #tpu.memory_space<semaphore_mem>> -> memref<1x!tpu.dma_semaphore, #tpu.memory_space<semaphore_mem>>
      %dma_start3A_1157 = tpu.memref_squeeze %dma_start3A_1156 : memref<1x!tpu.dma_semaphore, #tpu.memory_space<semaphore_mem>> -> memref<!tpu.dma_semaphore, #tpu.memory_space<semaphore_mem>>
      %dma_start3A_1158 = arith.constant 0 : i32
      %dma_start3A_1159 = arith.constant 0 : i32
      %dma_start3A_1160 = tpu.memref_slice %arg5[%dma_start3A_1146, %dma_start3A_1158, %dma_start3A_1159] : memref<2x5x128xi32, #tpu.memory_space<vmem>> -> memref<1x5x128xi32, #tpu.memory_space<vmem>>
      %dma_start3A_1161 = tpu.memref_squeeze %dma_start3A_1160 : memref<1x5x128xi32, #tpu.memory_space<vmem>> -> memref<5x128xi32, #tpu.memory_space<vmem>>
      %dma_start3A_1162 = arith.constant 0 : i32
      %dma_start3A_1163 = arith.constant 0 : i32
      %dma_start3A_1164 = tpu.memref_slice %arg2[%add3A, %add3A_1145, %dma_start3A_1162, %dma_start3A_1163] : memref<32x40x5x128xi32, #tpu.memory_space<hbm>> -> memref<1x1x5x128xi32, #tpu.memory_space<hbm>>
      %dma_start3A_1165 = tpu.memref_squeeze %dma_start3A_1164 : memref<1x1x5x128xi32, #tpu.memory_space<hbm>> -> memref<5x128xi32, #tpu.memory_space<hbm>>
      tpu.enqueue_dma source(%dma_start3A_1165 : memref<5x128xi32, #tpu.memory_space<hbm>>) target(%dma_start3A_1161 : memref<5x128xi32, #tpu.memory_space<vmem>>) target_semaphore(%dma_start3A_1157 : memref<!tpu.dma_semaphore, #tpu.memory_space<semaphore_mem>>)
      %mul3A_1166 = arith.constant 2 : i32
      %mul3A_1167 = arith.muli %mul3A_1166, %scan3A_729 : i32
      %add3A_1168 = arith.constant 1 : i32
      %add3A_1169 = arith.addi %mul3A_1167, %add3A_1168 : i32
      %add3A_1170 = arith.constant 1 : i32
      %add3A_1171 = arith.addi %add3A_1169, %add3A_1170 : i32
      %dma_wait3A_1172 = arith.constant 0 : i32
      %dma_wait3A_1173 = arith.constant 0 : i32
      %dma_wait3A_1174 = arith.constant 0 : i32
      %dma_wait3A_1175 = arith.constant 0 : i32
      %dma_wait3A_1176 = tpu.memref_slice %arg5[%dma_wait3A_1172, %dma_wait3A_1174, %dma_wait3A_1175] : memref<2x5x128xi32, #tpu.memory_space<vmem>> -> memref<1x5x128xi32, #tpu.memory_space<vmem>>
      %dma_wait3A_1177 = tpu.memref_squeeze %dma_wait3A_1176 : memref<1x5x128xi32, #tpu.memory_space<vmem>> -> memref<5x128xi32, #tpu.memory_space<vmem>>
      %dma_wait3A_1178 = arith.constant 0 : i32
      %dma_wait3A_1179 = arith.constant 0 : i32
      %dma_wait3A_1180 = tpu.memref_slice %arg2[%add3A, %add3A_1171, %dma_wait3A_1178, %dma_wait3A_1179] : memref<32x40x5x128xi32, #tpu.memory_space<hbm>> -> memref<1x1x5x128xi32, #tpu.memory_space<hbm>>
      %dma_wait3A_1181 = tpu.memref_squeeze %dma_wait3A_1180 : memref<1x1x5x128xi32, #tpu.memory_space<hbm>> -> memref<5x128xi32, #tpu.memory_space<hbm>>
      %dma_wait3A_1182 = tpu.memref_slice %arg7[%dma_wait3A_1173] : memref<2x!tpu.dma_semaphore, #tpu.memory_space<semaphore_mem>> -> memref<1x!tpu.dma_semaphore, #tpu.memory_space<semaphore_mem>>
      %dma_wait3A_1183 = tpu.memref_squeeze %dma_wait3A_1182 : memref<1x!tpu.dma_semaphore, #tpu.memory_space<semaphore_mem>> -> memref<!tpu.dma_semaphore, #tpu.memory_space<semaphore_mem>>
      %dma_wait3A_1184 = arith.constant 0 : i32
      %dma_wait3A_1185 = arith.constant 0 : i32
      %dma_wait3A_1186 = tpu.memref_slice %arg5[%dma_wait3A_1172, %dma_wait3A_1184, %dma_wait3A_1185] : memref<2x5x128xi32, #tpu.memory_space<vmem>> -> memref<1x5x128xi32, #tpu.memory_space<vmem>>
      %dma_wait3A_1187 = tpu.memref_squeeze %dma_wait3A_1186 : memref<1x5x128xi32, #tpu.memory_space<vmem>> -> memref<5x128xi32, #tpu.memory_space<vmem>>
      %dma_wait3A_1188 = arith.constant 0 : i32
      %dma_wait3A_1189 = arith.constant 0 : i32
      %dma_wait3A_1190 = tpu.memref_slice %arg2[%add3A, %add3A_1171, %dma_wait3A_1188, %dma_wait3A_1189] : memref<32x40x5x128xi32, #tpu.memory_space<hbm>> -> memref<1x1x5x128xi32, #tpu.memory_space<hbm>>
      %dma_wait3A_1191 = tpu.memref_squeeze %dma_wait3A_1190 : memref<1x1x5x128xi32, #tpu.memory_space<hbm>> -> memref<5x128xi32, #tpu.memory_space<hbm>>
      tpu.wait_dma2 semaphore(%dma_wait3A_1183 : memref<!tpu.dma_semaphore, #tpu.memory_space<semaphore_mem>>) src(%dma_wait3A_1191 : memref<5x128xi32, #tpu.memory_space<hbm>>) dst(%dma_wait3A_1187 : memref<5x128xi32, #tpu.memory_space<vmem>>)
      %dma_wait3A_1192 = arith.constant 1 : i32
      %dma_wait3A_1193 = arith.constant 0 : i32
      %dma_wait3A_1194 = arith.constant 0 : i32
      %dma_wait3A_1195 = arith.constant 0 : i32
      %dma_wait3A_1196 = arith.constant 0 : i32
      %dma_wait3A_1197 = arith.constant 0 : i32
      %dma_wait3A_1198 = tpu.memref_slice %arg6[%dma_wait3A_1194, %dma_wait3A_1196, %dma_wait3A_1197] : memref<5x128x128xf32, #tpu.memory_space<vmem>> -> memref<1x128x128xf32, #tpu.memory_space<vmem>>
      %dma_wait3A_1199 = tpu.memref_squeeze %dma_wait3A_1198 : memref<1x128x128xf32, #tpu.memory_space<vmem>> -> memref<128x128xf32, #tpu.memory_space<vmem>>
      %dma_wait3A_1200 = arith.constant 0 : i32
      %dma_wait3A_1201 = tpu.memref_slice %arg5[%dma_wait3A_1192, %dma_wait3A_1193, %dma_wait3A_1200] : memref<2x5x128xi32, #tpu.memory_space<vmem>> -> memref<1x1x128xi32, #tpu.memory_space<vmem>>
      %dma_wait3A_1202 = tpu.memref_squeeze %dma_wait3A_1201 : memref<1x1x128xi32, #tpu.memory_space<vmem>> -> memref<128xi32, #tpu.memory_space<vmem>>
      %dma_wait3A_1203 = arith.constant 0 : i32
      %dma_wait3A_1204 = arith.constant 0 : i32
      %dma_wait3A_1205 = tpu.memref_slice %arg3[%dma_wait3A_1203, %dma_wait3A_1204] : memref<100001x128xf32, #tpu.memory_space<hbm>> -> memref<100001x128xf32, #tpu.memory_space<hbm>>
      %dma_wait3A_1206 = tpu.memref_slice %arg8[%dma_wait3A_1195] : memref<5x!tpu.dma_semaphore, #tpu.memory_space<semaphore_mem>> -> memref<1x!tpu.dma_semaphore, #tpu.memory_space<semaphore_mem>>
      %dma_wait3A_1207 = tpu.memref_squeeze %dma_wait3A_1206 : memref<1x!tpu.dma_semaphore, #tpu.memory_space<semaphore_mem>> -> memref<!tpu.dma_semaphore, #tpu.memory_space<semaphore_mem>>
      tpu.wait_indirect_dma semaphore(%dma_wait3A_1207 : memref<!tpu.dma_semaphore, #tpu.memory_space<semaphore_mem>>) src(%dma_wait3A_1205 : memref<100001x128xf32, #tpu.memory_space<hbm>>) dst(%dma_wait3A_1199 : memref<128x128xf32, #tpu.memory_space<vmem>>)
      %mul3A_1208 = arith.constant 5 : i32
      %mul3A_1209 = arith.muli %add3A_1169, %mul3A_1208 : i32
      %add3A_1210 = arith.constant 0 : i32
      %add3A_1211 = arith.addi %mul3A_1209, %add3A_1210 : i32
      %mul3A_1212 = arith.constant 128 : i32
      %mul3A_1213 = arith.muli %add3A_1211, %mul3A_1212 : i32
      %add3A_1214 = arith.addi %mul3A_2, %mul3A_1213 : i32
      %dma_start3A_1215 = arith.constant 0 : i32
      %dma_start3A_1216 = arith.constant 0 : i32
      %dma_start3A_1217 = arith.constant 0 : i32
      %dma_start3A_1218 = arith.constant 0 : i32
      %dma_start3A_1219 = tpu.memref_slice %arg6[%dma_start3A_1215, %dma_start3A_1217, %dma_start3A_1218] : memref<5x128x128xf32, #tpu.memory_space<vmem>> -> memref<1x128x128xf32, #tpu.memory_space<vmem>>
      %dma_start3A_1220 = tpu.memref_squeeze %dma_start3A_1219 : memref<1x128x128xf32, #tpu.memory_space<vmem>> -> memref<128x128xf32, #tpu.memory_space<vmem>>
      %dma_start3A_1221 = arith.constant 0 : i32
      %dma_start3A_1222 = tpu.memref_slice %arg4[%add3A_1214, %dma_start3A_1221] : memref<819200x128xf32, #tpu.memory_space<hbm>> -> memref<128x128xf32, #tpu.memory_space<hbm>>
      %dma_start3A_1223 = tpu.memref_slice %arg9[%dma_start3A_1216] : memref<5x!tpu.dma_semaphore, #tpu.memory_space<semaphore_mem>> -> memref<1x!tpu.dma_semaphore, #tpu.memory_space<semaphore_mem>>
      %dma_start3A_1224 = tpu.memref_squeeze %dma_start3A_1223 : memref<1x!tpu.dma_semaphore, #tpu.memory_space<semaphore_mem>> -> memref<!tpu.dma_semaphore, #tpu.memory_space<semaphore_mem>>
      %dma_start3A_1225 = arith.constant 0 : i32
      %dma_start3A_1226 = tpu.memref_slice %arg4[%add3A_1214, %dma_start3A_1225] : memref<819200x128xf32, #tpu.memory_space<hbm>> -> memref<128x128xf32, #tpu.memory_space<hbm>>
      %dma_start3A_1227 = arith.constant 0 : i32
      %dma_start3A_1228 = arith.constant 0 : i32
      %dma_start3A_1229 = tpu.memref_slice %arg6[%dma_start3A_1215, %dma_start3A_1227, %dma_start3A_1228] : memref<5x128x128xf32, #tpu.memory_space<vmem>> -> memref<1x128x128xf32, #tpu.memory_space<vmem>>
      %dma_start3A_1230 = tpu.memref_squeeze %dma_start3A_1229 : memref<1x128x128xf32, #tpu.memory_space<vmem>> -> memref<128x128xf32, #tpu.memory_space<vmem>>
      tpu.enqueue_dma source(%dma_start3A_1230 : memref<128x128xf32, #tpu.memory_space<vmem>>) target(%dma_start3A_1226 : memref<128x128xf32, #tpu.memory_space<hbm>>) target_semaphore(%dma_start3A_1224 : memref<!tpu.dma_semaphore, #tpu.memory_space<semaphore_mem>>)
      %dma_wait3A_1231 = arith.constant 1 : i32
      %dma_wait3A_1232 = arith.constant 1 : i32
      %dma_wait3A_1233 = arith.constant 1 : i32
      %dma_wait3A_1234 = arith.constant 1 : i32
      %dma_wait3A_1235 = arith.constant 0 : i32
      %dma_wait3A_1236 = arith.constant 0 : i32
      %dma_wait3A_1237 = tpu.memref_slice %arg6[%dma_wait3A_1233, %dma_wait3A_1235, %dma_wait3A_1236] : memref<5x128x128xf32, #tpu.memory_space<vmem>> -> memref<1x128x128xf32, #tpu.memory_space<vmem>>
      %dma_wait3A_1238 = tpu.memref_squeeze %dma_wait3A_1237 : memref<1x128x128xf32, #tpu.memory_space<vmem>> -> memref<128x128xf32, #tpu.memory_space<vmem>>
      %dma_wait3A_1239 = arith.constant 0 : i32
      %dma_wait3A_1240 = tpu.memref_slice %arg5[%dma_wait3A_1231, %dma_wait3A_1232, %dma_wait3A_1239] : memref<2x5x128xi32, #tpu.memory_space<vmem>> -> memref<1x1x128xi32, #tpu.memory_space<vmem>>
      %dma_wait3A_1241 = tpu.memref_squeeze %dma_wait3A_1240 : memref<1x1x128xi32, #tpu.memory_space<vmem>> -> memref<128xi32, #tpu.memory_space<vmem>>
      %dma_wait3A_1242 = arith.constant 0 : i32
      %dma_wait3A_1243 = arith.constant 0 : i32
      %dma_wait3A_1244 = tpu.memref_slice %arg3[%dma_wait3A_1242, %dma_wait3A_1243] : memref<100001x128xf32, #tpu.memory_space<hbm>> -> memref<100001x128xf32, #tpu.memory_space<hbm>>
      %dma_wait3A_1245 = tpu.memref_slice %arg8[%dma_wait3A_1234] : memref<5x!tpu.dma_semaphore, #tpu.memory_space<semaphore_mem>> -> memref<1x!tpu.dma_semaphore, #tpu.memory_space<semaphore_mem>>
      %dma_wait3A_1246 = tpu.memref_squeeze %dma_wait3A_1245 : memref<1x!tpu.dma_semaphore, #tpu.memory_space<semaphore_mem>> -> memref<!tpu.dma_semaphore, #tpu.memory_space<semaphore_mem>>
      tpu.wait_indirect_dma semaphore(%dma_wait3A_1246 : memref<!tpu.dma_semaphore, #tpu.memory_space<semaphore_mem>>) src(%dma_wait3A_1244 : memref<100001x128xf32, #tpu.memory_space<hbm>>) dst(%dma_wait3A_1238 : memref<128x128xf32, #tpu.memory_space<vmem>>)
      %mul3A_1247 = arith.constant 5 : i32
      %mul3A_1248 = arith.muli %add3A_1169, %mul3A_1247 : i32
      %add3A_1249 = arith.constant 1 : i32
      %add3A_1250 = arith.addi %mul3A_1248, %add3A_1249 : i32
      %mul3A_1251 = arith.constant 128 : i32
      %mul3A_1252 = arith.muli %add3A_1250, %mul3A_1251 : i32
      %add3A_1253 = arith.addi %mul3A_2, %mul3A_1252 : i32
      %dma_start3A_1254 = arith.constant 1 : i32
      %dma_start3A_1255 = arith.constant 1 : i32
      %dma_start3A_1256 = arith.constant 0 : i32
      %dma_start3A_1257 = arith.constant 0 : i32
      %dma_start3A_1258 = tpu.memref_slice %arg6[%dma_start3A_1254, %dma_start3A_1256, %dma_start3A_1257] : memref<5x128x128xf32, #tpu.memory_space<vmem>> -> memref<1x128x128xf32, #tpu.memory_space<vmem>>
      %dma_start3A_1259 = tpu.memref_squeeze %dma_start3A_1258 : memref<1x128x128xf32, #tpu.memory_space<vmem>> -> memref<128x128xf32, #tpu.memory_space<vmem>>
      %dma_start3A_1260 = arith.constant 0 : i32
      %dma_start3A_1261 = tpu.memref_slice %arg4[%add3A_1253, %dma_start3A_1260] : memref<819200x128xf32, #tpu.memory_space<hbm>> -> memref<128x128xf32, #tpu.memory_space<hbm>>
      %dma_start3A_1262 = tpu.memref_slice %arg9[%dma_start3A_1255] : memref<5x!tpu.dma_semaphore, #tpu.memory_space<semaphore_mem>> -> memref<1x!tpu.dma_semaphore, #tpu.memory_space<semaphore_mem>>
      %dma_start3A_1263 = tpu.memref_squeeze %dma_start3A_1262 : memref<1x!tpu.dma_semaphore, #tpu.memory_space<semaphore_mem>> -> memref<!tpu.dma_semaphore, #tpu.memory_space<semaphore_mem>>
      %dma_start3A_1264 = arith.constant 0 : i32
      %dma_start3A_1265 = tpu.memref_slice %arg4[%add3A_1253, %dma_start3A_1264] : memref<819200x128xf32, #tpu.memory_space<hbm>> -> memref<128x128xf32, #tpu.memory_space<hbm>>
      %dma_start3A_1266 = arith.constant 0 : i32
      %dma_start3A_1267 = arith.constant 0 : i32
      %dma_start3A_1268 = tpu.memref_slice %arg6[%dma_start3A_1254, %dma_start3A_1266, %dma_start3A_1267] : memref<5x128x128xf32, #tpu.memory_space<vmem>> -> memref<1x128x128xf32, #tpu.memory_space<vmem>>
      %dma_start3A_1269 = tpu.memref_squeeze %dma_start3A_1268 : memref<1x128x128xf32, #tpu.memory_space<vmem>> -> memref<128x128xf32, #tpu.memory_space<vmem>>
      tpu.enqueue_dma source(%dma_start3A_1269 : memref<128x128xf32, #tpu.memory_space<vmem>>) target(%dma_start3A_1265 : memref<128x128xf32, #tpu.memory_space<hbm>>) target_semaphore(%dma_start3A_1263 : memref<!tpu.dma_semaphore, #tpu.memory_space<semaphore_mem>>)
      %mul3A_1270 = arith.constant 5 : i32
      %mul3A_1271 = arith.muli %add3A_1169, %mul3A_1270 : i32
      %add3A_1272 = arith.constant 0 : i32
      %add3A_1273 = arith.addi %mul3A_1271, %add3A_1272 : i32
      %mul3A_1274 = arith.constant 128 : i32
      %mul3A_1275 = arith.muli %add3A_1273, %mul3A_1274 : i32
      %add3A_1276 = arith.addi %mul3A_2, %mul3A_1275 : i32
      %dma_wait3A_1277 = arith.constant 0 : i32
      %dma_wait3A_1278 = arith.constant 0 : i32
      %dma_wait3A_1279 = arith.constant 0 : i32
      %dma_wait3A_1280 = arith.constant 0 : i32
      %dma_wait3A_1281 = tpu.memref_slice %arg6[%dma_wait3A_1277, %dma_wait3A_1279, %dma_wait3A_1280] : memref<5x128x128xf32, #tpu.memory_space<vmem>> -> memref<1x128x128xf32, #tpu.memory_space<vmem>>
      %dma_wait3A_1282 = tpu.memref_squeeze %dma_wait3A_1281 : memref<1x128x128xf32, #tpu.memory_space<vmem>> -> memref<128x128xf32, #tpu.memory_space<vmem>>
      %dma_wait3A_1283 = arith.constant 0 : i32
      %dma_wait3A_1284 = tpu.memref_slice %arg4[%add3A_1276, %dma_wait3A_1283] : memref<819200x128xf32, #tpu.memory_space<hbm>> -> memref<128x128xf32, #tpu.memory_space<hbm>>
      %dma_wait3A_1285 = tpu.memref_slice %arg9[%dma_wait3A_1278] : memref<5x!tpu.dma_semaphore, #tpu.memory_space<semaphore_mem>> -> memref<1x!tpu.dma_semaphore, #tpu.memory_space<semaphore_mem>>
      %dma_wait3A_1286 = tpu.memref_squeeze %dma_wait3A_1285 : memref<1x!tpu.dma_semaphore, #tpu.memory_space<semaphore_mem>> -> memref<!tpu.dma_semaphore, #tpu.memory_space<semaphore_mem>>
      %dma_wait3A_1287 = arith.constant 0 : i32
      %dma_wait3A_1288 = tpu.memref_slice %arg4[%add3A_1276, %dma_wait3A_1287] : memref<819200x128xf32, #tpu.memory_space<hbm>> -> memref<128x128xf32, #tpu.memory_space<hbm>>
      %dma_wait3A_1289 = arith.constant 0 : i32
      %dma_wait3A_1290 = arith.constant 0 : i32
      %dma_wait3A_1291 = tpu.memref_slice %arg6[%dma_wait3A_1277, %dma_wait3A_1289, %dma_wait3A_1290] : memref<5x128x128xf32, #tpu.memory_space<vmem>> -> memref<1x128x128xf32, #tpu.memory_space<vmem>>
      %dma_wait3A_1292 = tpu.memref_squeeze %dma_wait3A_1291 : memref<1x128x128xf32, #tpu.memory_space<vmem>> -> memref<128x128xf32, #tpu.memory_space<vmem>>
      tpu.wait_dma2 semaphore(%dma_wait3A_1286 : memref<!tpu.dma_semaphore, #tpu.memory_space<semaphore_mem>>) src(%dma_wait3A_1292 : memref<128x128xf32, #tpu.memory_space<vmem>>) dst(%dma_wait3A_1288 : memref<128x128xf32, #tpu.memory_space<hbm>>)
      %dma_start3A_1293 = arith.constant 0 : i32
      %dma_start3A_1294 = arith.constant 0 : i32
      %dma_start3A_1295 = arith.constant 0 : i32
      %dma_start3A_1296 = arith.constant 0 : i32
      %dma_start3A_1297 = arith.constant 0 : i32
      %dma_start3A_1298 = arith.constant 0 : i32
      %dma_start3A_1299 = tpu.memref_slice %arg6[%dma_start3A_1295, %dma_start3A_1297, %dma_start3A_1298] : memref<5x128x128xf32, #tpu.memory_space<vmem>> -> memref<1x128x128xf32, #tpu.memory_space<vmem>>
      %dma_start3A_1300 = tpu.memref_squeeze %dma_start3A_1299 : memref<1x128x128xf32, #tpu.memory_space<vmem>> -> memref<128x128xf32, #tpu.memory_space<vmem>>
      %dma_start3A_1301 = arith.constant 0 : i32
      %dma_start3A_1302 = tpu.memref_slice %arg5[%dma_start3A_1293, %dma_start3A_1294, %dma_start3A_1301] : memref<2x5x128xi32, #tpu.memory_space<vmem>> -> memref<1x1x128xi32, #tpu.memory_space<vmem>>
      %dma_start3A_1303 = tpu.memref_squeeze %dma_start3A_1302 : memref<1x1x128xi32, #tpu.memory_space<vmem>> -> memref<128xi32, #tpu.memory_space<vmem>>
      %dma_start3A_1304 = arith.constant 0 : i32
      %dma_start3A_1305 = arith.constant 0 : i32
      %dma_start3A_1306 = tpu.memref_slice %arg3[%dma_start3A_1304, %dma_start3A_1305] : memref<100001x128xf32, #tpu.memory_space<hbm>> -> memref<100001x128xf32, #tpu.memory_space<hbm>>
      %dma_start3A_1307 = tpu.memref_slice %arg8[%dma_start3A_1296] : memref<5x!tpu.dma_semaphore, #tpu.memory_space<semaphore_mem>> -> memref<1x!tpu.dma_semaphore, #tpu.memory_space<semaphore_mem>>
      %dma_start3A_1308 = tpu.memref_squeeze %dma_start3A_1307 : memref<1x!tpu.dma_semaphore, #tpu.memory_space<semaphore_mem>> -> memref<!tpu.dma_semaphore, #tpu.memory_space<semaphore_mem>>
      tpu.enqueue_indirect_dma source(%dma_start3A_1306 : memref<100001x128xf32, #tpu.memory_space<hbm>>) target(%dma_start3A_1300 : memref<128x128xf32, #tpu.memory_space<vmem>>) offsets(%dma_start3A_1303 : memref<128xi32, #tpu.memory_space<vmem>>) semaphore(%dma_start3A_1308 : memref<!tpu.dma_semaphore, #tpu.memory_space<semaphore_mem>>)
      %dma_wait3A_1309 = arith.constant 1 : i32
      %dma_wait3A_1310 = arith.constant 2 : i32
      %dma_wait3A_1311 = arith.constant 2 : i32
      %dma_wait3A_1312 = arith.constant 2 : i32
      %dma_wait3A_1313 = arith.constant 0 : i32
      %dma_wait3A_1314 = arith.constant 0 : i32
      %dma_wait3A_1315 = tpu.memref_slice %arg6[%dma_wait3A_1311, %dma_wait3A_1313, %dma_wait3A_1314] : memref<5x128x128xf32, #tpu.memory_space<vmem>> -> memref<1x128x128xf32, #tpu.memory_space<vmem>>
      %dma_wait3A_1316 = tpu.memref_squeeze %dma_wait3A_1315 : memref<1x128x128xf32, #tpu.memory_space<vmem>> -> memref<128x128xf32, #tpu.memory_space<vmem>>
      %dma_wait3A_1317 = arith.constant 0 : i32
      %dma_wait3A_1318 = tpu.memref_slice %arg5[%dma_wait3A_1309, %dma_wait3A_1310, %dma_wait3A_1317] : memref<2x5x128xi32, #tpu.memory_space<vmem>> -> memref<1x1x128xi32, #tpu.memory_space<vmem>>
      %dma_wait3A_1319 = tpu.memref_squeeze %dma_wait3A_1318 : memref<1x1x128xi32, #tpu.memory_space<vmem>> -> memref<128xi32, #tpu.memory_space<vmem>>
      %dma_wait3A_1320 = arith.constant 0 : i32
      %dma_wait3A_1321 = arith.constant 0 : i32
      %dma_wait3A_1322 = tpu.memref_slice %arg3[%dma_wait3A_1320, %dma_wait3A_1321] : memref<100001x128xf32, #tpu.memory_space<hbm>> -> memref<100001x128xf32, #tpu.memory_space<hbm>>
      %dma_wait3A_1323 = tpu.memref_slice %arg8[%dma_wait3A_1312] : memref<5x!tpu.dma_semaphore, #tpu.memory_space<semaphore_mem>> -> memref<1x!tpu.dma_semaphore, #tpu.memory_space<semaphore_mem>>
      %dma_wait3A_1324 = tpu.memref_squeeze %dma_wait3A_1323 : memref<1x!tpu.dma_semaphore, #tpu.memory_space<semaphore_mem>> -> memref<!tpu.dma_semaphore, #tpu.memory_space<semaphore_mem>>
      tpu.wait_indirect_dma semaphore(%dma_wait3A_1324 : memref<!tpu.dma_semaphore, #tpu.memory_space<semaphore_mem>>) src(%dma_wait3A_1322 : memref<100001x128xf32, #tpu.memory_space<hbm>>) dst(%dma_wait3A_1316 : memref<128x128xf32, #tpu.memory_space<vmem>>)
      %mul3A_1325 = arith.constant 5 : i32
      %mul3A_1326 = arith.muli %add3A_1169, %mul3A_1325 : i32
      %add3A_1327 = arith.constant 2 : i32
      %add3A_1328 = arith.addi %mul3A_1326, %add3A_1327 : i32
      %mul3A_1329 = arith.constant 128 : i32
      %mul3A_1330 = arith.muli %add3A_1328, %mul3A_1329 : i32
      %add3A_1331 = arith.addi %mul3A_2, %mul3A_1330 : i32
      %dma_start3A_1332 = arith.constant 2 : i32
      %dma_start3A_1333 = arith.constant 2 : i32
      %dma_start3A_1334 = arith.constant 0 : i32
      %dma_start3A_1335 = arith.constant 0 : i32
      %dma_start3A_1336 = tpu.memref_slice %arg6[%dma_start3A_1332, %dma_start3A_1334, %dma_start3A_1335] : memref<5x128x128xf32, #tpu.memory_space<vmem>> -> memref<1x128x128xf32, #tpu.memory_space<vmem>>
      %dma_start3A_1337 = tpu.memref_squeeze %dma_start3A_1336 : memref<1x128x128xf32, #tpu.memory_space<vmem>> -> memref<128x128xf32, #tpu.memory_space<vmem>>
      %dma_start3A_1338 = arith.constant 0 : i32
      %dma_start3A_1339 = tpu.memref_slice %arg4[%add3A_1331, %dma_start3A_1338] : memref<819200x128xf32, #tpu.memory_space<hbm>> -> memref<128x128xf32, #tpu.memory_space<hbm>>
      %dma_start3A_1340 = tpu.memref_slice %arg9[%dma_start3A_1333] : memref<5x!tpu.dma_semaphore, #tpu.memory_space<semaphore_mem>> -> memref<1x!tpu.dma_semaphore, #tpu.memory_space<semaphore_mem>>
      %dma_start3A_1341 = tpu.memref_squeeze %dma_start3A_1340 : memref<1x!tpu.dma_semaphore, #tpu.memory_space<semaphore_mem>> -> memref<!tpu.dma_semaphore, #tpu.memory_space<semaphore_mem>>
      %dma_start3A_1342 = arith.constant 0 : i32
      %dma_start3A_1343 = tpu.memref_slice %arg4[%add3A_1331, %dma_start3A_1342] : memref<819200x128xf32, #tpu.memory_space<hbm>> -> memref<128x128xf32, #tpu.memory_space<hbm>>
      %dma_start3A_1344 = arith.constant 0 : i32
      %dma_start3A_1345 = arith.constant 0 : i32
      %dma_start3A_1346 = tpu.memref_slice %arg6[%dma_start3A_1332, %dma_start3A_1344, %dma_start3A_1345] : memref<5x128x128xf32, #tpu.memory_space<vmem>> -> memref<1x128x128xf32, #tpu.memory_space<vmem>>
      %dma_start3A_1347 = tpu.memref_squeeze %dma_start3A_1346 : memref<1x128x128xf32, #tpu.memory_space<vmem>> -> memref<128x128xf32, #tpu.memory_space<vmem>>
      tpu.enqueue_dma source(%dma_start3A_1347 : memref<128x128xf32, #tpu.memory_space<vmem>>) target(%dma_start3A_1343 : memref<128x128xf32, #tpu.memory_space<hbm>>) target_semaphore(%dma_start3A_1341 : memref<!tpu.dma_semaphore, #tpu.memory_space<semaphore_mem>>)
      %mul3A_1348 = arith.constant 5 : i32
      %mul3A_1349 = arith.muli %add3A_1169, %mul3A_1348 : i32
      %add3A_1350 = arith.constant 1 : i32
      %add3A_1351 = arith.addi %mul3A_1349, %add3A_1350 : i32
      %mul3A_1352 = arith.constant 128 : i32
      %mul3A_1353 = arith.muli %add3A_1351, %mul3A_1352 : i32
      %add3A_1354 = arith.addi %mul3A_2, %mul3A_1353 : i32
      %dma_wait3A_1355 = arith.constant 1 : i32
      %dma_wait3A_1356 = arith.constant 1 : i32
      %dma_wait3A_1357 = arith.constant 0 : i32
      %dma_wait3A_1358 = arith.constant 0 : i32
      %dma_wait3A_1359 = tpu.memref_slice %arg6[%dma_wait3A_1355, %dma_wait3A_1357, %dma_wait3A_1358] : memref<5x128x128xf32, #tpu.memory_space<vmem>> -> memref<1x128x128xf32, #tpu.memory_space<vmem>>
      %dma_wait3A_1360 = tpu.memref_squeeze %dma_wait3A_1359 : memref<1x128x128xf32, #tpu.memory_space<vmem>> -> memref<128x128xf32, #tpu.memory_space<vmem>>
      %dma_wait3A_1361 = arith.constant 0 : i32
      %dma_wait3A_1362 = tpu.memref_slice %arg4[%add3A_1354, %dma_wait3A_1361] : memref<819200x128xf32, #tpu.memory_space<hbm>> -> memref<128x128xf32, #tpu.memory_space<hbm>>
      %dma_wait3A_1363 = tpu.memref_slice %arg9[%dma_wait3A_1356] : memref<5x!tpu.dma_semaphore, #tpu.memory_space<semaphore_mem>> -> memref<1x!tpu.dma_semaphore, #tpu.memory_space<semaphore_mem>>
      %dma_wait3A_1364 = tpu.memref_squeeze %dma_wait3A_1363 : memref<1x!tpu.dma_semaphore, #tpu.memory_space<semaphore_mem>> -> memref<!tpu.dma_semaphore, #tpu.memory_space<semaphore_mem>>
      %dma_wait3A_1365 = arith.constant 0 : i32
      %dma_wait3A_1366 = tpu.memref_slice %arg4[%add3A_1354, %dma_wait3A_1365] : memref<819200x128xf32, #tpu.memory_space<hbm>> -> memref<128x128xf32, #tpu.memory_space<hbm>>
      %dma_wait3A_1367 = arith.constant 0 : i32
      %dma_wait3A_1368 = arith.constant 0 : i32
      %dma_wait3A_1369 = tpu.memref_slice %arg6[%dma_wait3A_1355, %dma_wait3A_1367, %dma_wait3A_1368] : memref<5x128x128xf32, #tpu.memory_space<vmem>> -> memref<1x128x128xf32, #tpu.memory_space<vmem>>
      %dma_wait3A_1370 = tpu.memref_squeeze %dma_wait3A_1369 : memref<1x128x128xf32, #tpu.memory_space<vmem>> -> memref<128x128xf32, #tpu.memory_space<vmem>>
      tpu.wait_dma2 semaphore(%dma_wait3A_1364 : memref<!tpu.dma_semaphore, #tpu.memory_space<semaphore_mem>>) src(%dma_wait3A_1370 : memref<128x128xf32, #tpu.memory_space<vmem>>) dst(%dma_wait3A_1366 : memref<128x128xf32, #tpu.memory_space<hbm>>)
      %dma_start3A_1371 = arith.constant 0 : i32
      %dma_start3A_1372 = arith.constant 1 : i32
      %dma_start3A_1373 = arith.constant 1 : i32
      %dma_start3A_1374 = arith.constant 1 : i32
      %dma_start3A_1375 = arith.constant 0 : i32
      %dma_start3A_1376 = arith.constant 0 : i32
      %dma_start3A_1377 = tpu.memref_slice %arg6[%dma_start3A_1373, %dma_start3A_1375, %dma_start3A_1376] : memref<5x128x128xf32, #tpu.memory_space<vmem>> -> memref<1x128x128xf32, #tpu.memory_space<vmem>>
      %dma_start3A_1378 = tpu.memref_squeeze %dma_start3A_1377 : memref<1x128x128xf32, #tpu.memory_space<vmem>> -> memref<128x128xf32, #tpu.memory_space<vmem>>
      %dma_start3A_1379 = arith.constant 0 : i32
      %dma_start3A_1380 = tpu.memref_slice %arg5[%dma_start3A_1371, %dma_start3A_1372, %dma_start3A_1379] : memref<2x5x128xi32, #tpu.memory_space<vmem>> -> memref<1x1x128xi32, #tpu.memory_space<vmem>>
      %dma_start3A_1381 = tpu.memref_squeeze %dma_start3A_1380 : memref<1x1x128xi32, #tpu.memory_space<vmem>> -> memref<128xi32, #tpu.memory_space<vmem>>
      %dma_start3A_1382 = arith.constant 0 : i32
      %dma_start3A_1383 = arith.constant 0 : i32
      %dma_start3A_1384 = tpu.memref_slice %arg3[%dma_start3A_1382, %dma_start3A_1383] : memref<100001x128xf32, #tpu.memory_space<hbm>> -> memref<100001x128xf32, #tpu.memory_space<hbm>>
      %dma_start3A_1385 = tpu.memref_slice %arg8[%dma_start3A_1374] : memref<5x!tpu.dma_semaphore, #tpu.memory_space<semaphore_mem>> -> memref<1x!tpu.dma_semaphore, #tpu.memory_space<semaphore_mem>>
      %dma_start3A_1386 = tpu.memref_squeeze %dma_start3A_1385 : memref<1x!tpu.dma_semaphore, #tpu.memory_space<semaphore_mem>> -> memref<!tpu.dma_semaphore, #tpu.memory_space<semaphore_mem>>
      tpu.enqueue_indirect_dma source(%dma_start3A_1384 : memref<100001x128xf32, #tpu.memory_space<hbm>>) target(%dma_start3A_1378 : memref<128x128xf32, #tpu.memory_space<vmem>>) offsets(%dma_start3A_1381 : memref<128xi32, #tpu.memory_space<vmem>>) semaphore(%dma_start3A_1386 : memref<!tpu.dma_semaphore, #tpu.memory_space<semaphore_mem>>)
      %dma_wait3A_1387 = arith.constant 1 : i32
      %dma_wait3A_1388 = arith.constant 3 : i32
      %dma_wait3A_1389 = arith.constant 3 : i32
      %dma_wait3A_1390 = arith.constant 3 : i32
      %dma_wait3A_1391 = arith.constant 0 : i32
      %dma_wait3A_1392 = arith.constant 0 : i32
      %dma_wait3A_1393 = tpu.memref_slice %arg6[%dma_wait3A_1389, %dma_wait3A_1391, %dma_wait3A_1392] : memref<5x128x128xf32, #tpu.memory_space<vmem>> -> memref<1x128x128xf32, #tpu.memory_space<vmem>>
      %dma_wait3A_1394 = tpu.memref_squeeze %dma_wait3A_1393 : memref<1x128x128xf32, #tpu.memory_space<vmem>> -> memref<128x128xf32, #tpu.memory_space<vmem>>
      %dma_wait3A_1395 = arith.constant 0 : i32
      %dma_wait3A_1396 = tpu.memref_slice %arg5[%dma_wait3A_1387, %dma_wait3A_1388, %dma_wait3A_1395] : memref<2x5x128xi32, #tpu.memory_space<vmem>> -> memref<1x1x128xi32, #tpu.memory_space<vmem>>
      %dma_wait3A_1397 = tpu.memref_squeeze %dma_wait3A_1396 : memref<1x1x128xi32, #tpu.memory_space<vmem>> -> memref<128xi32, #tpu.memory_space<vmem>>
      %dma_wait3A_1398 = arith.constant 0 : i32
      %dma_wait3A_1399 = arith.constant 0 : i32
      %dma_wait3A_1400 = tpu.memref_slice %arg3[%dma_wait3A_1398, %dma_wait3A_1399] : memref<100001x128xf32, #tpu.memory_space<hbm>> -> memref<100001x128xf32, #tpu.memory_space<hbm>>
      %dma_wait3A_1401 = tpu.memref_slice %arg8[%dma_wait3A_1390] : memref<5x!tpu.dma_semaphore, #tpu.memory_space<semaphore_mem>> -> memref<1x!tpu.dma_semaphore, #tpu.memory_space<semaphore_mem>>
      %dma_wait3A_1402 = tpu.memref_squeeze %dma_wait3A_1401 : memref<1x!tpu.dma_semaphore, #tpu.memory_space<semaphore_mem>> -> memref<!tpu.dma_semaphore, #tpu.memory_space<semaphore_mem>>
      tpu.wait_indirect_dma semaphore(%dma_wait3A_1402 : memref<!tpu.dma_semaphore, #tpu.memory_space<semaphore_mem>>) src(%dma_wait3A_1400 : memref<100001x128xf32, #tpu.memory_space<hbm>>) dst(%dma_wait3A_1394 : memref<128x128xf32, #tpu.memory_space<vmem>>)
      %mul3A_1403 = arith.constant 5 : i32
      %mul3A_1404 = arith.muli %add3A_1169, %mul3A_1403 : i32
      %add3A_1405 = arith.constant 3 : i32
      %add3A_1406 = arith.addi %mul3A_1404, %add3A_1405 : i32
      %mul3A_1407 = arith.constant 128 : i32
      %mul3A_1408 = arith.muli %add3A_1406, %mul3A_1407 : i32
      %add3A_1409 = arith.addi %mul3A_2, %mul3A_1408 : i32
      %dma_start3A_1410 = arith.constant 3 : i32
      %dma_start3A_1411 = arith.constant 3 : i32
      %dma_start3A_1412 = arith.constant 0 : i32
      %dma_start3A_1413 = arith.constant 0 : i32
      %dma_start3A_1414 = tpu.memref_slice %arg6[%dma_start3A_1410, %dma_start3A_1412, %dma_start3A_1413] : memref<5x128x128xf32, #tpu.memory_space<vmem>> -> memref<1x128x128xf32, #tpu.memory_space<vmem>>
      %dma_start3A_1415 = tpu.memref_squeeze %dma_start3A_1414 : memref<1x128x128xf32, #tpu.memory_space<vmem>> -> memref<128x128xf32, #tpu.memory_space<vmem>>
      %dma_start3A_1416 = arith.constant 0 : i32
      %dma_start3A_1417 = tpu.memref_slice %arg4[%add3A_1409, %dma_start3A_1416] : memref<819200x128xf32, #tpu.memory_space<hbm>> -> memref<128x128xf32, #tpu.memory_space<hbm>>
      %dma_start3A_1418 = tpu.memref_slice %arg9[%dma_start3A_1411] : memref<5x!tpu.dma_semaphore, #tpu.memory_space<semaphore_mem>> -> memref<1x!tpu.dma_semaphore, #tpu.memory_space<semaphore_mem>>
      %dma_start3A_1419 = tpu.memref_squeeze %dma_start3A_1418 : memref<1x!tpu.dma_semaphore, #tpu.memory_space<semaphore_mem>> -> memref<!tpu.dma_semaphore, #tpu.memory_space<semaphore_mem>>
      %dma_start3A_1420 = arith.constant 0 : i32
      %dma_start3A_1421 = tpu.memref_slice %arg4[%add3A_1409, %dma_start3A_1420] : memref<819200x128xf32, #tpu.memory_space<hbm>> -> memref<128x128xf32, #tpu.memory_space<hbm>>
      %dma_start3A_1422 = arith.constant 0 : i32
      %dma_start3A_1423 = arith.constant 0 : i32
      %dma_start3A_1424 = tpu.memref_slice %arg6[%dma_start3A_1410, %dma_start3A_1422, %dma_start3A_1423] : memref<5x128x128xf32, #tpu.memory_space<vmem>> -> memref<1x128x128xf32, #tpu.memory_space<vmem>>
      %dma_start3A_1425 = tpu.memref_squeeze %dma_start3A_1424 : memref<1x128x128xf32, #tpu.memory_space<vmem>> -> memref<128x128xf32, #tpu.memory_space<vmem>>
      tpu.enqueue_dma source(%dma_start3A_1425 : memref<128x128xf32, #tpu.memory_space<vmem>>) target(%dma_start3A_1421 : memref<128x128xf32, #tpu.memory_space<hbm>>) target_semaphore(%dma_start3A_1419 : memref<!tpu.dma_semaphore, #tpu.memory_space<semaphore_mem>>)
      %mul3A_1426 = arith.constant 5 : i32
      %mul3A_1427 = arith.muli %add3A_1169, %mul3A_1426 : i32
      %add3A_1428 = arith.constant 2 : i32
      %add3A_1429 = arith.addi %mul3A_1427, %add3A_1428 : i32
      %mul3A_1430 = arith.constant 128 : i32
      %mul3A_1431 = arith.muli %add3A_1429, %mul3A_1430 : i32
      %add3A_1432 = arith.addi %mul3A_2, %mul3A_1431 : i32
      %dma_wait3A_1433 = arith.constant 2 : i32
      %dma_wait3A_1434 = arith.constant 2 : i32
      %dma_wait3A_1435 = arith.constant 0 : i32
      %dma_wait3A_1436 = arith.constant 0 : i32
      %dma_wait3A_1437 = tpu.memref_slice %arg6[%dma_wait3A_1433, %dma_wait3A_1435, %dma_wait3A_1436] : memref<5x128x128xf32, #tpu.memory_space<vmem>> -> memref<1x128x128xf32, #tpu.memory_space<vmem>>
      %dma_wait3A_1438 = tpu.memref_squeeze %dma_wait3A_1437 : memref<1x128x128xf32, #tpu.memory_space<vmem>> -> memref<128x128xf32, #tpu.memory_space<vmem>>
      %dma_wait3A_1439 = arith.constant 0 : i32
      %dma_wait3A_1440 = tpu.memref_slice %arg4[%add3A_1432, %dma_wait3A_1439] : memref<819200x128xf32, #tpu.memory_space<hbm>> -> memref<128x128xf32, #tpu.memory_space<hbm>>
      %dma_wait3A_1441 = tpu.memref_slice %arg9[%dma_wait3A_1434] : memref<5x!tpu.dma_semaphore, #tpu.memory_space<semaphore_mem>> -> memref<1x!tpu.dma_semaphore, #tpu.memory_space<semaphore_mem>>
      %dma_wait3A_1442 = tpu.memref_squeeze %dma_wait3A_1441 : memref<1x!tpu.dma_semaphore, #tpu.memory_space<semaphore_mem>> -> memref<!tpu.dma_semaphore, #tpu.memory_space<semaphore_mem>>
      %dma_wait3A_1443 = arith.constant 0 : i32
      %dma_wait3A_1444 = tpu.memref_slice %arg4[%add3A_1432, %dma_wait3A_1443] : memref<819200x128xf32, #tpu.memory_space<hbm>> -> memref<128x128xf32, #tpu.memory_space<hbm>>
      %dma_wait3A_1445 = arith.constant 0 : i32
      %dma_wait3A_1446 = arith.constant 0 : i32
      %dma_wait3A_1447 = tpu.memref_slice %arg6[%dma_wait3A_1433, %dma_wait3A_1445, %dma_wait3A_1446] : memref<5x128x128xf32, #tpu.memory_space<vmem>> -> memref<1x128x128xf32, #tpu.memory_space<vmem>>
      %dma_wait3A_1448 = tpu.memref_squeeze %dma_wait3A_1447 : memref<1x128x128xf32, #tpu.memory_space<vmem>> -> memref<128x128xf32, #tpu.memory_space<vmem>>
      tpu.wait_dma2 semaphore(%dma_wait3A_1442 : memref<!tpu.dma_semaphore, #tpu.memory_space<semaphore_mem>>) src(%dma_wait3A_1448 : memref<128x128xf32, #tpu.memory_space<vmem>>) dst(%dma_wait3A_1444 : memref<128x128xf32, #tpu.memory_space<hbm>>)
      %dma_start3A_1449 = arith.constant 0 : i32
      %dma_start3A_1450 = arith.constant 2 : i32
      %dma_start3A_1451 = arith.constant 2 : i32
      %dma_start3A_1452 = arith.constant 2 : i32
      %dma_start3A_1453 = arith.constant 0 : i32
      %dma_start3A_1454 = arith.constant 0 : i32
      %dma_start3A_1455 = tpu.memref_slice %arg6[%dma_start3A_1451, %dma_start3A_1453, %dma_start3A_1454] : memref<5x128x128xf32, #tpu.memory_space<vmem>> -> memref<1x128x128xf32, #tpu.memory_space<vmem>>
      %dma_start3A_1456 = tpu.memref_squeeze %dma_start3A_1455 : memref<1x128x128xf32, #tpu.memory_space<vmem>> -> memref<128x128xf32, #tpu.memory_space<vmem>>
      %dma_start3A_1457 = arith.constant 0 : i32
      %dma_start3A_1458 = tpu.memref_slice %arg5[%dma_start3A_1449, %dma_start3A_1450, %dma_start3A_1457] : memref<2x5x128xi32, #tpu.memory_space<vmem>> -> memref<1x1x128xi32, #tpu.memory_space<vmem>>
      %dma_start3A_1459 = tpu.memref_squeeze %dma_start3A_1458 : memref<1x1x128xi32, #tpu.memory_space<vmem>> -> memref<128xi32, #tpu.memory_space<vmem>>
      %dma_start3A_1460 = arith.constant 0 : i32
      %dma_start3A_1461 = arith.constant 0 : i32
      %dma_start3A_1462 = tpu.memref_slice %arg3[%dma_start3A_1460, %dma_start3A_1461] : memref<100001x128xf32, #tpu.memory_space<hbm>> -> memref<100001x128xf32, #tpu.memory_space<hbm>>
      %dma_start3A_1463 = tpu.memref_slice %arg8[%dma_start3A_1452] : memref<5x!tpu.dma_semaphore, #tpu.memory_space<semaphore_mem>> -> memref<1x!tpu.dma_semaphore, #tpu.memory_space<semaphore_mem>>
      %dma_start3A_1464 = tpu.memref_squeeze %dma_start3A_1463 : memref<1x!tpu.dma_semaphore, #tpu.memory_space<semaphore_mem>> -> memref<!tpu.dma_semaphore, #tpu.memory_space<semaphore_mem>>
      tpu.enqueue_indirect_dma source(%dma_start3A_1462 : memref<100001x128xf32, #tpu.memory_space<hbm>>) target(%dma_start3A_1456 : memref<128x128xf32, #tpu.memory_space<vmem>>) offsets(%dma_start3A_1459 : memref<128xi32, #tpu.memory_space<vmem>>) semaphore(%dma_start3A_1464 : memref<!tpu.dma_semaphore, #tpu.memory_space<semaphore_mem>>)
      %dma_wait3A_1465 = arith.constant 1 : i32
      %dma_wait3A_1466 = arith.constant 4 : i32
      %dma_wait3A_1467 = arith.constant 4 : i32
      %dma_wait3A_1468 = arith.constant 4 : i32
      %dma_wait3A_1469 = arith.constant 0 : i32
      %dma_wait3A_1470 = arith.constant 0 : i32
      %dma_wait3A_1471 = tpu.memref_slice %arg6[%dma_wait3A_1467, %dma_wait3A_1469, %dma_wait3A_1470] : memref<5x128x128xf32, #tpu.memory_space<vmem>> -> memref<1x128x128xf32, #tpu.memory_space<vmem>>
      %dma_wait3A_1472 = tpu.memref_squeeze %dma_wait3A_1471 : memref<1x128x128xf32, #tpu.memory_space<vmem>> -> memref<128x128xf32, #tpu.memory_space<vmem>>
      %dma_wait3A_1473 = arith.constant 0 : i32
      %dma_wait3A_1474 = tpu.memref_slice %arg5[%dma_wait3A_1465, %dma_wait3A_1466, %dma_wait3A_1473] : memref<2x5x128xi32, #tpu.memory_space<vmem>> -> memref<1x1x128xi32, #tpu.memory_space<vmem>>
      %dma_wait3A_1475 = tpu.memref_squeeze %dma_wait3A_1474 : memref<1x1x128xi32, #tpu.memory_space<vmem>> -> memref<128xi32, #tpu.memory_space<vmem>>
      %dma_wait3A_1476 = arith.constant 0 : i32
      %dma_wait3A_1477 = arith.constant 0 : i32
      %dma_wait3A_1478 = tpu.memref_slice %arg3[%dma_wait3A_1476, %dma_wait3A_1477] : memref<100001x128xf32, #tpu.memory_space<hbm>> -> memref<100001x128xf32, #tpu.memory_space<hbm>>
      %dma_wait3A_1479 = tpu.memref_slice %arg8[%dma_wait3A_1468] : memref<5x!tpu.dma_semaphore, #tpu.memory_space<semaphore_mem>> -> memref<1x!tpu.dma_semaphore, #tpu.memory_space<semaphore_mem>>
      %dma_wait3A_1480 = tpu.memref_squeeze %dma_wait3A_1479 : memref<1x!tpu.dma_semaphore, #tpu.memory_space<semaphore_mem>> -> memref<!tpu.dma_semaphore, #tpu.memory_space<semaphore_mem>>
      tpu.wait_indirect_dma semaphore(%dma_wait3A_1480 : memref<!tpu.dma_semaphore, #tpu.memory_space<semaphore_mem>>) src(%dma_wait3A_1478 : memref<100001x128xf32, #tpu.memory_space<hbm>>) dst(%dma_wait3A_1472 : memref<128x128xf32, #tpu.memory_space<vmem>>)
      %mul3A_1481 = arith.constant 5 : i32
      %mul3A_1482 = arith.muli %add3A_1169, %mul3A_1481 : i32
      %add3A_1483 = arith.constant 4 : i32
      %add3A_1484 = arith.addi %mul3A_1482, %add3A_1483 : i32
      %mul3A_1485 = arith.constant 128 : i32
      %mul3A_1486 = arith.muli %add3A_1484, %mul3A_1485 : i32
      %add3A_1487 = arith.addi %mul3A_2, %mul3A_1486 : i32
      %dma_start3A_1488 = arith.constant 4 : i32
      %dma_start3A_1489 = arith.constant 4 : i32
      %dma_start3A_1490 = arith.constant 0 : i32
      %dma_start3A_1491 = arith.constant 0 : i32
      %dma_start3A_1492 = tpu.memref_slice %arg6[%dma_start3A_1488, %dma_start3A_1490, %dma_start3A_1491] : memref<5x128x128xf32, #tpu.memory_space<vmem>> -> memref<1x128x128xf32, #tpu.memory_space<vmem>>
      %dma_start3A_1493 = tpu.memref_squeeze %dma_start3A_1492 : memref<1x128x128xf32, #tpu.memory_space<vmem>> -> memref<128x128xf32, #tpu.memory_space<vmem>>
      %dma_start3A_1494 = arith.constant 0 : i32
      %dma_start3A_1495 = tpu.memref_slice %arg4[%add3A_1487, %dma_start3A_1494] : memref<819200x128xf32, #tpu.memory_space<hbm>> -> memref<128x128xf32, #tpu.memory_space<hbm>>
      %dma_start3A_1496 = tpu.memref_slice %arg9[%dma_start3A_1489] : memref<5x!tpu.dma_semaphore, #tpu.memory_space<semaphore_mem>> -> memref<1x!tpu.dma_semaphore, #tpu.memory_space<semaphore_mem>>
      %dma_start3A_1497 = tpu.memref_squeeze %dma_start3A_1496 : memref<1x!tpu.dma_semaphore, #tpu.memory_space<semaphore_mem>> -> memref<!tpu.dma_semaphore, #tpu.memory_space<semaphore_mem>>
      %dma_start3A_1498 = arith.constant 0 : i32
      %dma_start3A_1499 = tpu.memref_slice %arg4[%add3A_1487, %dma_start3A_1498] : memref<819200x128xf32, #tpu.memory_space<hbm>> -> memref<128x128xf32, #tpu.memory_space<hbm>>
      %dma_start3A_1500 = arith.constant 0 : i32
      %dma_start3A_1501 = arith.constant 0 : i32
      %dma_start3A_1502 = tpu.memref_slice %arg6[%dma_start3A_1488, %dma_start3A_1500, %dma_start3A_1501] : memref<5x128x128xf32, #tpu.memory_space<vmem>> -> memref<1x128x128xf32, #tpu.memory_space<vmem>>
      %dma_start3A_1503 = tpu.memref_squeeze %dma_start3A_1502 : memref<1x128x128xf32, #tpu.memory_space<vmem>> -> memref<128x128xf32, #tpu.memory_space<vmem>>
      tpu.enqueue_dma source(%dma_start3A_1503 : memref<128x128xf32, #tpu.memory_space<vmem>>) target(%dma_start3A_1499 : memref<128x128xf32, #tpu.memory_space<hbm>>) target_semaphore(%dma_start3A_1497 : memref<!tpu.dma_semaphore, #tpu.memory_space<semaphore_mem>>)
      %mul3A_1504 = arith.constant 5 : i32
      %mul3A_1505 = arith.muli %add3A_1169, %mul3A_1504 : i32
      %add3A_1506 = arith.constant 3 : i32
      %add3A_1507 = arith.addi %mul3A_1505, %add3A_1506 : i32
      %mul3A_1508 = arith.constant 128 : i32
      %mul3A_1509 = arith.muli %add3A_1507, %mul3A_1508 : i32
      %add3A_1510 = arith.addi %mul3A_2, %mul3A_1509 : i32
      %dma_wait3A_1511 = arith.constant 3 : i32
      %dma_wait3A_1512 = arith.constant 3 : i32
      %dma_wait3A_1513 = arith.constant 0 : i32
      %dma_wait3A_1514 = arith.constant 0 : i32
      %dma_wait3A_1515 = tpu.memref_slice %arg6[%dma_wait3A_1511, %dma_wait3A_1513, %dma_wait3A_1514] : memref<5x128x128xf32, #tpu.memory_space<vmem>> -> memref<1x128x128xf32, #tpu.memory_space<vmem>>
      %dma_wait3A_1516 = tpu.memref_squeeze %dma_wait3A_1515 : memref<1x128x128xf32, #tpu.memory_space<vmem>> -> memref<128x128xf32, #tpu.memory_space<vmem>>
      %dma_wait3A_1517 = arith.constant 0 : i32
      %dma_wait3A_1518 = tpu.memref_slice %arg4[%add3A_1510, %dma_wait3A_1517] : memref<819200x128xf32, #tpu.memory_space<hbm>> -> memref<128x128xf32, #tpu.memory_space<hbm>>
      %dma_wait3A_1519 = tpu.memref_slice %arg9[%dma_wait3A_1512] : memref<5x!tpu.dma_semaphore, #tpu.memory_space<semaphore_mem>> -> memref<1x!tpu.dma_semaphore, #tpu.memory_space<semaphore_mem>>
      %dma_wait3A_1520 = tpu.memref_squeeze %dma_wait3A_1519 : memref<1x!tpu.dma_semaphore, #tpu.memory_space<semaphore_mem>> -> memref<!tpu.dma_semaphore, #tpu.memory_space<semaphore_mem>>
      %dma_wait3A_1521 = arith.constant 0 : i32
      %dma_wait3A_1522 = tpu.memref_slice %arg4[%add3A_1510, %dma_wait3A_1521] : memref<819200x128xf32, #tpu.memory_space<hbm>> -> memref<128x128xf32, #tpu.memory_space<hbm>>
      %dma_wait3A_1523 = arith.constant 0 : i32
      %dma_wait3A_1524 = arith.constant 0 : i32
      %dma_wait3A_1525 = tpu.memref_slice %arg6[%dma_wait3A_1511, %dma_wait3A_1523, %dma_wait3A_1524] : memref<5x128x128xf32, #tpu.memory_space<vmem>> -> memref<1x128x128xf32, #tpu.memory_space<vmem>>
      %dma_wait3A_1526 = tpu.memref_squeeze %dma_wait3A_1525 : memref<1x128x128xf32, #tpu.memory_space<vmem>> -> memref<128x128xf32, #tpu.memory_space<vmem>>
      tpu.wait_dma2 semaphore(%dma_wait3A_1520 : memref<!tpu.dma_semaphore, #tpu.memory_space<semaphore_mem>>) src(%dma_wait3A_1526 : memref<128x128xf32, #tpu.memory_space<vmem>>) dst(%dma_wait3A_1522 : memref<128x128xf32, #tpu.memory_space<hbm>>)
      %dma_start3A_1527 = arith.constant 0 : i32
      %dma_start3A_1528 = arith.constant 3 : i32
      %dma_start3A_1529 = arith.constant 3 : i32
      %dma_start3A_1530 = arith.constant 3 : i32
      %dma_start3A_1531 = arith.constant 0 : i32
      %dma_start3A_1532 = arith.constant 0 : i32
      %dma_start3A_1533 = tpu.memref_slice %arg6[%dma_start3A_1529, %dma_start3A_1531, %dma_start3A_1532] : memref<5x128x128xf32, #tpu.memory_space<vmem>> -> memref<1x128x128xf32, #tpu.memory_space<vmem>>
      %dma_start3A_1534 = tpu.memref_squeeze %dma_start3A_1533 : memref<1x128x128xf32, #tpu.memory_space<vmem>> -> memref<128x128xf32, #tpu.memory_space<vmem>>
      %dma_start3A_1535 = arith.constant 0 : i32
      %dma_start3A_1536 = tpu.memref_slice %arg5[%dma_start3A_1527, %dma_start3A_1528, %dma_start3A_1535] : memref<2x5x128xi32, #tpu.memory_space<vmem>> -> memref<1x1x128xi32, #tpu.memory_space<vmem>>
      %dma_start3A_1537 = tpu.memref_squeeze %dma_start3A_1536 : memref<1x1x128xi32, #tpu.memory_space<vmem>> -> memref<128xi32, #tpu.memory_space<vmem>>
      %dma_start3A_1538 = arith.constant 0 : i32
      %dma_start3A_1539 = arith.constant 0 : i32
      %dma_start3A_1540 = tpu.memref_slice %arg3[%dma_start3A_1538, %dma_start3A_1539] : memref<100001x128xf32, #tpu.memory_space<hbm>> -> memref<100001x128xf32, #tpu.memory_space<hbm>>
      %dma_start3A_1541 = tpu.memref_slice %arg8[%dma_start3A_1530] : memref<5x!tpu.dma_semaphore, #tpu.memory_space<semaphore_mem>> -> memref<1x!tpu.dma_semaphore, #tpu.memory_space<semaphore_mem>>
      %dma_start3A_1542 = tpu.memref_squeeze %dma_start3A_1541 : memref<1x!tpu.dma_semaphore, #tpu.memory_space<semaphore_mem>> -> memref<!tpu.dma_semaphore, #tpu.memory_space<semaphore_mem>>
      tpu.enqueue_indirect_dma source(%dma_start3A_1540 : memref<100001x128xf32, #tpu.memory_space<hbm>>) target(%dma_start3A_1534 : memref<128x128xf32, #tpu.memory_space<vmem>>) offsets(%dma_start3A_1537 : memref<128xi32, #tpu.memory_space<vmem>>) semaphore(%dma_start3A_1542 : memref<!tpu.dma_semaphore, #tpu.memory_space<semaphore_mem>>)
      %mul3A_1543 = arith.constant 5 : i32
      %mul3A_1544 = arith.muli %add3A_1169, %mul3A_1543 : i32
      %add3A_1545 = arith.constant 4 : i32
      %add3A_1546 = arith.addi %mul3A_1544, %add3A_1545 : i32
      %mul3A_1547 = arith.constant 128 : i32
      %mul3A_1548 = arith.muli %add3A_1546, %mul3A_1547 : i32
      %add3A_1549 = arith.addi %mul3A_2, %mul3A_1548 : i32
      %dma_wait3A_1550 = arith.constant 4 : i32
      %dma_wait3A_1551 = arith.constant 4 : i32
      %dma_wait3A_1552 = arith.constant 0 : i32
      %dma_wait3A_1553 = arith.constant 0 : i32
      %dma_wait3A_1554 = tpu.memref_slice %arg6[%dma_wait3A_1550, %dma_wait3A_1552, %dma_wait3A_1553] : memref<5x128x128xf32, #tpu.memory_space<vmem>> -> memref<1x128x128xf32, #tpu.memory_space<vmem>>
      %dma_wait3A_1555 = tpu.memref_squeeze %dma_wait3A_1554 : memref<1x128x128xf32, #tpu.memory_space<vmem>> -> memref<128x128xf32, #tpu.memory_space<vmem>>
      %dma_wait3A_1556 = arith.constant 0 : i32
      %dma_wait3A_1557 = tpu.memref_slice %arg4[%add3A_1549, %dma_wait3A_1556] : memref<819200x128xf32, #tpu.memory_space<hbm>> -> memref<128x128xf32, #tpu.memory_space<hbm>>
      %dma_wait3A_1558 = tpu.memref_slice %arg9[%dma_wait3A_1551] : memref<5x!tpu.dma_semaphore, #tpu.memory_space<semaphore_mem>> -> memref<1x!tpu.dma_semaphore, #tpu.memory_space<semaphore_mem>>
      %dma_wait3A_1559 = tpu.memref_squeeze %dma_wait3A_1558 : memref<1x!tpu.dma_semaphore, #tpu.memory_space<semaphore_mem>> -> memref<!tpu.dma_semaphore, #tpu.memory_space<semaphore_mem>>
      %dma_wait3A_1560 = arith.constant 0 : i32
      %dma_wait3A_1561 = tpu.memref_slice %arg4[%add3A_1549, %dma_wait3A_1560] : memref<819200x128xf32, #tpu.memory_space<hbm>> -> memref<128x128xf32, #tpu.memory_space<hbm>>
      %dma_wait3A_1562 = arith.constant 0 : i32
      %dma_wait3A_1563 = arith.constant 0 : i32
      %dma_wait3A_1564 = tpu.memref_slice %arg6[%dma_wait3A_1550, %dma_wait3A_1562, %dma_wait3A_1563] : memref<5x128x128xf32, #tpu.memory_space<vmem>> -> memref<1x128x128xf32, #tpu.memory_space<vmem>>
      %dma_wait3A_1565 = tpu.memref_squeeze %dma_wait3A_1564 : memref<1x128x128xf32, #tpu.memory_space<vmem>> -> memref<128x128xf32, #tpu.memory_space<vmem>>
      tpu.wait_dma2 semaphore(%dma_wait3A_1559 : memref<!tpu.dma_semaphore, #tpu.memory_space<semaphore_mem>>) src(%dma_wait3A_1565 : memref<128x128xf32, #tpu.memory_space<vmem>>) dst(%dma_wait3A_1561 : memref<128x128xf32, #tpu.memory_space<hbm>>)
      %dma_start3A_1566 = arith.constant 0 : i32
      %dma_start3A_1567 = arith.constant 4 : i32
      %dma_start3A_1568 = arith.constant 4 : i32
      %dma_start3A_1569 = arith.constant 4 : i32
      %dma_start3A_1570 = arith.constant 0 : i32
      %dma_start3A_1571 = arith.constant 0 : i32
      %dma_start3A_1572 = tpu.memref_slice %arg6[%dma_start3A_1568, %dma_start3A_1570, %dma_start3A_1571] : memref<5x128x128xf32, #tpu.memory_space<vmem>> -> memref<1x128x128xf32, #tpu.memory_space<vmem>>
      %dma_start3A_1573 = tpu.memref_squeeze %dma_start3A_1572 : memref<1x128x128xf32, #tpu.memory_space<vmem>> -> memref<128x128xf32, #tpu.memory_space<vmem>>
      %dma_start3A_1574 = arith.constant 0 : i32
      %dma_start3A_1575 = tpu.memref_slice %arg5[%dma_start3A_1566, %dma_start3A_1567, %dma_start3A_1574] : memref<2x5x128xi32, #tpu.memory_space<vmem>> -> memref<1x1x128xi32, #tpu.memory_space<vmem>>
      %dma_start3A_1576 = tpu.memref_squeeze %dma_start3A_1575 : memref<1x1x128xi32, #tpu.memory_space<vmem>> -> memref<128xi32, #tpu.memory_space<vmem>>
      %dma_start3A_1577 = arith.constant 0 : i32
      %dma_start3A_1578 = arith.constant 0 : i32
      %dma_start3A_1579 = tpu.memref_slice %arg3[%dma_start3A_1577, %dma_start3A_1578] : memref<100001x128xf32, #tpu.memory_space<hbm>> -> memref<100001x128xf32, #tpu.memory_space<hbm>>
      %dma_start3A_1580 = tpu.memref_slice %arg8[%dma_start3A_1569] : memref<5x!tpu.dma_semaphore, #tpu.memory_space<semaphore_mem>> -> memref<1x!tpu.dma_semaphore, #tpu.memory_space<semaphore_mem>>
      %dma_start3A_1581 = tpu.memref_squeeze %dma_start3A_1580 : memref<1x!tpu.dma_semaphore, #tpu.memory_space<semaphore_mem>> -> memref<!tpu.dma_semaphore, #tpu.memory_space<semaphore_mem>>
      tpu.enqueue_indirect_dma source(%dma_start3A_1579 : memref<100001x128xf32, #tpu.memory_space<hbm>>) target(%dma_start3A_1573 : memref<128x128xf32, #tpu.memory_space<vmem>>) offsets(%dma_start3A_1576 : memref<128xi32, #tpu.memory_space<vmem>>) semaphore(%dma_start3A_1581 : memref<!tpu.dma_semaphore, #tpu.memory_space<semaphore_mem>>)
      %add3A_1582 = arith.constant 2 : i32
      %add3A_1583 = arith.addi %add3A_1169, %add3A_1582 : i32
      %dma_start3A_1584 = arith.constant 1 : i32
      %dma_start3A_1585 = arith.constant 1 : i32
      %dma_start3A_1586 = arith.constant 0 : i32
      %dma_start3A_1587 = arith.constant 0 : i32
      %dma_start3A_1588 = tpu.memref_slice %arg5[%dma_start3A_1584, %dma_start3A_1586, %dma_start3A_1587] : memref<2x5x128xi32, #tpu.memory_space<vmem>> -> memref<1x5x128xi32, #tpu.memory_space<vmem>>
      %dma_start3A_1589 = tpu.memref_squeeze %dma_start3A_1588 : memref<1x5x128xi32, #tpu.memory_space<vmem>> -> memref<5x128xi32, #tpu.memory_space<vmem>>
      %dma_start3A_1590 = arith.constant 0 : i32
      %dma_start3A_1591 = arith.constant 0 : i32
      %dma_start3A_1592 = tpu.memref_slice %arg2[%add3A, %add3A_1583, %dma_start3A_1590, %dma_start3A_1591] : memref<32x40x5x128xi32, #tpu.memory_space<hbm>> -> memref<1x1x5x128xi32, #tpu.memory_space<hbm>>
      %dma_start3A_1593 = tpu.memref_squeeze %dma_start3A_1592 : memref<1x1x5x128xi32, #tpu.memory_space<hbm>> -> memref<5x128xi32, #tpu.memory_space<hbm>>
      %dma_start3A_1594 = tpu.memref_slice %arg7[%dma_start3A_1585] : memref<2x!tpu.dma_semaphore, #tpu.memory_space<semaphore_mem>> -> memref<1x!tpu.dma_semaphore, #tpu.memory_space<semaphore_mem>>
      %dma_start3A_1595 = tpu.memref_squeeze %dma_start3A_1594 : memref<1x!tpu.dma_semaphore, #tpu.memory_space<semaphore_mem>> -> memref<!tpu.dma_semaphore, #tpu.memory_space<semaphore_mem>>
      %dma_start3A_1596 = arith.constant 0 : i32
      %dma_start3A_1597 = arith.constant 0 : i32
      %dma_start3A_1598 = tpu.memref_slice %arg5[%dma_start3A_1584, %dma_start3A_1596, %dma_start3A_1597] : memref<2x5x128xi32, #tpu.memory_space<vmem>> -> memref<1x5x128xi32, #tpu.memory_space<vmem>>
      %dma_start3A_1599 = tpu.memref_squeeze %dma_start3A_1598 : memref<1x5x128xi32, #tpu.memory_space<vmem>> -> memref<5x128xi32, #tpu.memory_space<vmem>>
      %dma_start3A_1600 = arith.constant 0 : i32
      %dma_start3A_1601 = arith.constant 0 : i32
      %dma_start3A_1602 = tpu.memref_slice %arg2[%add3A, %add3A_1583, %dma_start3A_1600, %dma_start3A_1601] : memref<32x40x5x128xi32, #tpu.memory_space<hbm>> -> memref<1x1x5x128xi32, #tpu.memory_space<hbm>>
      %dma_start3A_1603 = tpu.memref_squeeze %dma_start3A_1602 : memref<1x1x5x128xi32, #tpu.memory_space<hbm>> -> memref<5x128xi32, #tpu.memory_space<hbm>>
      tpu.enqueue_dma source(%dma_start3A_1603 : memref<5x128xi32, #tpu.memory_space<hbm>>) target(%dma_start3A_1599 : memref<5x128xi32, #tpu.memory_space<vmem>>) target_semaphore(%dma_start3A_1595 : memref<!tpu.dma_semaphore, #tpu.memory_space<semaphore_mem>>)
    }
    %scan3A_108 = arith.constant 19 : i32
    %dma_wait3A = arith.constant 39 : i32
    %dma_wait3A_109 = arith.constant 1 : i32
    %dma_wait3A_110 = arith.constant 1 : i32
    %dma_wait3A_111 = arith.constant 0 : i32
    %dma_wait3A_112 = arith.constant 0 : i32
    %dma_wait3A_113 = tpu.memref_slice %arg5[%dma_wait3A_109, %dma_wait3A_111, %dma_wait3A_112] : memref<2x5x128xi32, #tpu.memory_space<vmem>> -> memref<1x5x128xi32, #tpu.memory_space<vmem>>
    %dma_wait3A_114 = tpu.memref_squeeze %dma_wait3A_113 : memref<1x5x128xi32, #tpu.memory_space<vmem>> -> memref<5x128xi32, #tpu.memory_space<vmem>>
    %dma_wait3A_115 = arith.constant 0 : i32
    %dma_wait3A_116 = arith.constant 0 : i32
    %dma_wait3A_117 = tpu.memref_slice %arg2[%add3A, %dma_wait3A, %dma_wait3A_115, %dma_wait3A_116] : memref<32x40x5x128xi32, #tpu.memory_space<hbm>> -> memref<1x1x5x128xi32, #tpu.memory_space<hbm>>
    %dma_wait3A_118 = tpu.memref_squeeze %dma_wait3A_117 : memref<1x1x5x128xi32, #tpu.memory_space<hbm>> -> memref<5x128xi32, #tpu.memory_space<hbm>>
    %dma_wait3A_119 = tpu.memref_slice %arg7[%dma_wait3A_110] : memref<2x!tpu.dma_semaphore, #tpu.memory_space<semaphore_mem>> -> memref<1x!tpu.dma_semaphore, #tpu.memory_space<semaphore_mem>>
    %dma_wait3A_120 = tpu.memref_squeeze %dma_wait3A_119 : memref<1x!tpu.dma_semaphore, #tpu.memory_space<semaphore_mem>> -> memref<!tpu.dma_semaphore, #tpu.memory_space<semaphore_mem>>
    %dma_wait3A_121 = arith.constant 0 : i32
    %dma_wait3A_122 = arith.constant 0 : i32
    %dma_wait3A_123 = tpu.memref_slice %arg5[%dma_wait3A_109, %dma_wait3A_121, %dma_wait3A_122] : memref<2x5x128xi32, #tpu.memory_space<vmem>> -> memref<1x5x128xi32, #tpu.memory_space<vmem>>
    %dma_wait3A_124 = tpu.memref_squeeze %dma_wait3A_123 : memref<1x5x128xi32, #tpu.memory_space<vmem>> -> memref<5x128xi32, #tpu.memory_space<vmem>>
    %dma_wait3A_125 = arith.constant 0 : i32
    %dma_wait3A_126 = arith.constant 0 : i32
    %dma_wait3A_127 = tpu.memref_slice %arg2[%add3A, %dma_wait3A, %dma_wait3A_125, %dma_wait3A_126] : memref<32x40x5x128xi32, #tpu.memory_space<hbm>> -> memref<1x1x5x128xi32, #tpu.memory_space<hbm>>
    %dma_wait3A_128 = tpu.memref_squeeze %dma_wait3A_127 : memref<1x1x5x128xi32, #tpu.memory_space<hbm>> -> memref<5x128xi32, #tpu.memory_space<hbm>>
    tpu.wait_dma2 semaphore(%dma_wait3A_120 : memref<!tpu.dma_semaphore, #tpu.memory_space<semaphore_mem>>) src(%dma_wait3A_128 : memref<5x128xi32, #tpu.memory_space<hbm>>) dst(%dma_wait3A_124 : memref<5x128xi32, #tpu.memory_space<vmem>>)
    %dma_wait3A_129 = arith.constant 0 : i32
    %dma_wait3A_130 = arith.constant 0 : i32
    %dma_wait3A_131 = arith.constant 0 : i32
    %dma_wait3A_132 = arith.constant 0 : i32
    %dma_wait3A_133 = arith.constant 0 : i32
    %dma_wait3A_134 = arith.constant 0 : i32
    %dma_wait3A_135 = tpu.memref_slice %arg6[%dma_wait3A_131, %dma_wait3A_133, %dma_wait3A_134] : memref<5x128x128xf32, #tpu.memory_space<vmem>> -> memref<1x128x128xf32, #tpu.memory_space<vmem>>
    %dma_wait3A_136 = tpu.memref_squeeze %dma_wait3A_135 : memref<1x128x128xf32, #tpu.memory_space<vmem>> -> memref<128x128xf32, #tpu.memory_space<vmem>>
    %dma_wait3A_137 = arith.constant 0 : i32
    %dma_wait3A_138 = tpu.memref_slice %arg5[%dma_wait3A_129, %dma_wait3A_130, %dma_wait3A_137] : memref<2x5x128xi32, #tpu.memory_space<vmem>> -> memref<1x1x128xi32, #tpu.memory_space<vmem>>
    %dma_wait3A_139 = tpu.memref_squeeze %dma_wait3A_138 : memref<1x1x128xi32, #tpu.memory_space<vmem>> -> memref<128xi32, #tpu.memory_space<vmem>>
    %dma_wait3A_140 = arith.constant 0 : i32
    %dma_wait3A_141 = arith.constant 0 : i32
    %dma_wait3A_142 = tpu.memref_slice %arg3[%dma_wait3A_140, %dma_wait3A_141] : memref<100001x128xf32, #tpu.memory_space<hbm>> -> memref<100001x128xf32, #tpu.memory_space<hbm>>
    %dma_wait3A_143 = tpu.memref_slice %arg8[%dma_wait3A_132] : memref<5x!tpu.dma_semaphore, #tpu.memory_space<semaphore_mem>> -> memref<1x!tpu.dma_semaphore, #tpu.memory_space<semaphore_mem>>
    %dma_wait3A_144 = tpu.memref_squeeze %dma_wait3A_143 : memref<1x!tpu.dma_semaphore, #tpu.memory_space<semaphore_mem>> -> memref<!tpu.dma_semaphore, #tpu.memory_space<semaphore_mem>>
    tpu.wait_indirect_dma semaphore(%dma_wait3A_144 : memref<!tpu.dma_semaphore, #tpu.memory_space<semaphore_mem>>) src(%dma_wait3A_142 : memref<100001x128xf32, #tpu.memory_space<hbm>>) dst(%dma_wait3A_136 : memref<128x128xf32, #tpu.memory_space<vmem>>)
    %add3A_145 = arith.constant 24320 : i32
    %add3A_146 = arith.addi %mul3A_2, %add3A_145 : i32
    %dma_start3A_147 = arith.constant 0 : i32
    %dma_start3A_148 = arith.constant 0 : i32
    %dma_start3A_149 = arith.constant 0 : i32
    %dma_start3A_150 = arith.constant 0 : i32
    %dma_start3A_151 = tpu.memref_slice %arg6[%dma_start3A_147, %dma_start3A_149, %dma_start3A_150] : memref<5x128x128xf32, #tpu.memory_space<vmem>> -> memref<1x128x128xf32, #tpu.memory_space<vmem>>
    %dma_start3A_152 = tpu.memref_squeeze %dma_start3A_151 : memref<1x128x128xf32, #tpu.memory_space<vmem>> -> memref<128x128xf32, #tpu.memory_space<vmem>>
    %dma_start3A_153 = arith.constant 0 : i32
    %dma_start3A_154 = tpu.memref_slice %arg4[%add3A_146, %dma_start3A_153] : memref<819200x128xf32, #tpu.memory_space<hbm>> -> memref<128x128xf32, #tpu.memory_space<hbm>>
    %dma_start3A_155 = tpu.memref_slice %arg9[%dma_start3A_148] : memref<5x!tpu.dma_semaphore, #tpu.memory_space<semaphore_mem>> -> memref<1x!tpu.dma_semaphore, #tpu.memory_space<semaphore_mem>>
    %dma_start3A_156 = tpu.memref_squeeze %dma_start3A_155 : memref<1x!tpu.dma_semaphore, #tpu.memory_space<semaphore_mem>> -> memref<!tpu.dma_semaphore, #tpu.memory_space<semaphore_mem>>
    %dma_start3A_157 = arith.constant 0 : i32
    %dma_start3A_158 = tpu.memref_slice %arg4[%add3A_146, %dma_start3A_157] : memref<819200x128xf32, #tpu.memory_space<hbm>> -> memref<128x128xf32, #tpu.memory_space<hbm>>
    %dma_start3A_159 = arith.constant 0 : i32
    %dma_start3A_160 = arith.constant 0 : i32
    %dma_start3A_161 = tpu.memref_slice %arg6[%dma_start3A_147, %dma_start3A_159, %dma_start3A_160] : memref<5x128x128xf32, #tpu.memory_space<vmem>> -> memref<1x128x128xf32, #tpu.memory_space<vmem>>
    %dma_start3A_162 = tpu.memref_squeeze %dma_start3A_161 : memref<1x128x128xf32, #tpu.memory_space<vmem>> -> memref<128x128xf32, #tpu.memory_space<vmem>>
    tpu.enqueue_dma source(%dma_start3A_162 : memref<128x128xf32, #tpu.memory_space<vmem>>) target(%dma_start3A_158 : memref<128x128xf32, #tpu.memory_space<hbm>>) target_semaphore(%dma_start3A_156 : memref<!tpu.dma_semaphore, #tpu.memory_space<semaphore_mem>>)
    %dma_wait3A_163 = arith.constant 0 : i32
    %dma_wait3A_164 = arith.constant 1 : i32
    %dma_wait3A_165 = arith.constant 1 : i32
    %dma_wait3A_166 = arith.constant 1 : i32
    %dma_wait3A_167 = arith.constant 0 : i32
    %dma_wait3A_168 = arith.constant 0 : i32
    %dma_wait3A_169 = tpu.memref_slice %arg6[%dma_wait3A_165, %dma_wait3A_167, %dma_wait3A_168] : memref<5x128x128xf32, #tpu.memory_space<vmem>> -> memref<1x128x128xf32, #tpu.memory_space<vmem>>
    %dma_wait3A_170 = tpu.memref_squeeze %dma_wait3A_169 : memref<1x128x128xf32, #tpu.memory_space<vmem>> -> memref<128x128xf32, #tpu.memory_space<vmem>>
    %dma_wait3A_171 = arith.constant 0 : i32
    %dma_wait3A_172 = tpu.memref_slice %arg5[%dma_wait3A_163, %dma_wait3A_164, %dma_wait3A_171] : memref<2x5x128xi32, #tpu.memory_space<vmem>> -> memref<1x1x128xi32, #tpu.memory_space<vmem>>
    %dma_wait3A_173 = tpu.memref_squeeze %dma_wait3A_172 : memref<1x1x128xi32, #tpu.memory_space<vmem>> -> memref<128xi32, #tpu.memory_space<vmem>>
    %dma_wait3A_174 = arith.constant 0 : i32
    %dma_wait3A_175 = arith.constant 0 : i32
    %dma_wait3A_176 = tpu.memref_slice %arg3[%dma_wait3A_174, %dma_wait3A_175] : memref<100001x128xf32, #tpu.memory_space<hbm>> -> memref<100001x128xf32, #tpu.memory_space<hbm>>
    %dma_wait3A_177 = tpu.memref_slice %arg8[%dma_wait3A_166] : memref<5x!tpu.dma_semaphore, #tpu.memory_space<semaphore_mem>> -> memref<1x!tpu.dma_semaphore, #tpu.memory_space<semaphore_mem>>
    %dma_wait3A_178 = tpu.memref_squeeze %dma_wait3A_177 : memref<1x!tpu.dma_semaphore, #tpu.memory_space<semaphore_mem>> -> memref<!tpu.dma_semaphore, #tpu.memory_space<semaphore_mem>>
    tpu.wait_indirect_dma semaphore(%dma_wait3A_178 : memref<!tpu.dma_semaphore, #tpu.memory_space<semaphore_mem>>) src(%dma_wait3A_176 : memref<100001x128xf32, #tpu.memory_space<hbm>>) dst(%dma_wait3A_170 : memref<128x128xf32, #tpu.memory_space<vmem>>)
    %add3A_179 = arith.constant 24448 : i32
    %add3A_180 = arith.addi %mul3A_2, %add3A_179 : i32
    %dma_start3A_181 = arith.constant 1 : i32
    %dma_start3A_182 = arith.constant 1 : i32
    %dma_start3A_183 = arith.constant 0 : i32
    %dma_start3A_184 = arith.constant 0 : i32
    %dma_start3A_185 = tpu.memref_slice %arg6[%dma_start3A_181, %dma_start3A_183, %dma_start3A_184] : memref<5x128x128xf32, #tpu.memory_space<vmem>> -> memref<1x128x128xf32, #tpu.memory_space<vmem>>
    %dma_start3A_186 = tpu.memref_squeeze %dma_start3A_185 : memref<1x128x128xf32, #tpu.memory_space<vmem>> -> memref<128x128xf32, #tpu.memory_space<vmem>>
    %dma_start3A_187 = arith.constant 0 : i32
    %dma_start3A_188 = tpu.memref_slice %arg4[%add3A_180, %dma_start3A_187] : memref<819200x128xf32, #tpu.memory_space<hbm>> -> memref<128x128xf32, #tpu.memory_space<hbm>>
    %dma_start3A_189 = tpu.memref_slice %arg9[%dma_start3A_182] : memref<5x!tpu.dma_semaphore, #tpu.memory_space<semaphore_mem>> -> memref<1x!tpu.dma_semaphore, #tpu.memory_space<semaphore_mem>>
    %dma_start3A_190 = tpu.memref_squeeze %dma_start3A_189 : memref<1x!tpu.dma_semaphore, #tpu.memory_space<semaphore_mem>> -> memref<!tpu.dma_semaphore, #tpu.memory_space<semaphore_mem>>
    %dma_start3A_191 = arith.constant 0 : i32
    %dma_start3A_192 = tpu.memref_slice %arg4[%add3A_180, %dma_start3A_191] : memref<819200x128xf32, #tpu.memory_space<hbm>> -> memref<128x128xf32, #tpu.memory_space<hbm>>
    %dma_start3A_193 = arith.constant 0 : i32
    %dma_start3A_194 = arith.constant 0 : i32
    %dma_start3A_195 = tpu.memref_slice %arg6[%dma_start3A_181, %dma_start3A_193, %dma_start3A_194] : memref<5x128x128xf32, #tpu.memory_space<vmem>> -> memref<1x128x128xf32, #tpu.memory_space<vmem>>
    %dma_start3A_196 = tpu.memref_squeeze %dma_start3A_195 : memref<1x128x128xf32, #tpu.memory_space<vmem>> -> memref<128x128xf32, #tpu.memory_space<vmem>>
    tpu.enqueue_dma source(%dma_start3A_196 : memref<128x128xf32, #tpu.memory_space<vmem>>) target(%dma_start3A_192 : memref<128x128xf32, #tpu.memory_space<hbm>>) target_semaphore(%dma_start3A_190 : memref<!tpu.dma_semaphore, #tpu.memory_space<semaphore_mem>>)
    %add3A_197 = arith.constant 24320 : i32
    %add3A_198 = arith.addi %mul3A_2, %add3A_197 : i32
    %dma_wait3A_199 = arith.constant 0 : i32
    %dma_wait3A_200 = arith.constant 0 : i32
    %dma_wait3A_201 = arith.constant 0 : i32
    %dma_wait3A_202 = arith.constant 0 : i32
    %dma_wait3A_203 = tpu.memref_slice %arg6[%dma_wait3A_199, %dma_wait3A_201, %dma_wait3A_202] : memref<5x128x128xf32, #tpu.memory_space<vmem>> -> memref<1x128x128xf32, #tpu.memory_space<vmem>>
    %dma_wait3A_204 = tpu.memref_squeeze %dma_wait3A_203 : memref<1x128x128xf32, #tpu.memory_space<vmem>> -> memref<128x128xf32, #tpu.memory_space<vmem>>
    %dma_wait3A_205 = arith.constant 0 : i32
    %dma_wait3A_206 = tpu.memref_slice %arg4[%add3A_198, %dma_wait3A_205] : memref<819200x128xf32, #tpu.memory_space<hbm>> -> memref<128x128xf32, #tpu.memory_space<hbm>>
    %dma_wait3A_207 = tpu.memref_slice %arg9[%dma_wait3A_200] : memref<5x!tpu.dma_semaphore, #tpu.memory_space<semaphore_mem>> -> memref<1x!tpu.dma_semaphore, #tpu.memory_space<semaphore_mem>>
    %dma_wait3A_208 = tpu.memref_squeeze %dma_wait3A_207 : memref<1x!tpu.dma_semaphore, #tpu.memory_space<semaphore_mem>> -> memref<!tpu.dma_semaphore, #tpu.memory_space<semaphore_mem>>
    %dma_wait3A_209 = arith.constant 0 : i32
    %dma_wait3A_210 = tpu.memref_slice %arg4[%add3A_198, %dma_wait3A_209] : memref<819200x128xf32, #tpu.memory_space<hbm>> -> memref<128x128xf32, #tpu.memory_space<hbm>>
    %dma_wait3A_211 = arith.constant 0 : i32
    %dma_wait3A_212 = arith.constant 0 : i32
    %dma_wait3A_213 = tpu.memref_slice %arg6[%dma_wait3A_199, %dma_wait3A_211, %dma_wait3A_212] : memref<5x128x128xf32, #tpu.memory_space<vmem>> -> memref<1x128x128xf32, #tpu.memory_space<vmem>>
    %dma_wait3A_214 = tpu.memref_squeeze %dma_wait3A_213 : memref<1x128x128xf32, #tpu.memory_space<vmem>> -> memref<128x128xf32, #tpu.memory_space<vmem>>
    tpu.wait_dma2 semaphore(%dma_wait3A_208 : memref<!tpu.dma_semaphore, #tpu.memory_space<semaphore_mem>>) src(%dma_wait3A_214 : memref<128x128xf32, #tpu.memory_space<vmem>>) dst(%dma_wait3A_210 : memref<128x128xf32, #tpu.memory_space<hbm>>)
    %dma_start3A_215 = arith.constant 1 : i32
    %dma_start3A_216 = arith.constant 0 : i32
    %dma_start3A_217 = arith.constant 0 : i32
    %dma_start3A_218 = arith.constant 0 : i32
    %dma_start3A_219 = arith.constant 0 : i32
    %dma_start3A_220 = arith.constant 0 : i32
    %dma_start3A_221 = tpu.memref_slice %arg6[%dma_start3A_217, %dma_start3A_219, %dma_start3A_220] : memref<5x128x128xf32, #tpu.memory_space<vmem>> -> memref<1x128x128xf32, #tpu.memory_space<vmem>>
    %dma_start3A_222 = tpu.memref_squeeze %dma_start3A_221 : memref<1x128x128xf32, #tpu.memory_space<vmem>> -> memref<128x128xf32, #tpu.memory_space<vmem>>
    %dma_start3A_223 = arith.constant 0 : i32
    %dma_start3A_224 = tpu.memref_slice %arg5[%dma_start3A_215, %dma_start3A_216, %dma_start3A_223] : memref<2x5x128xi32, #tpu.memory_space<vmem>> -> memref<1x1x128xi32, #tpu.memory_space<vmem>>
    %dma_start3A_225 = tpu.memref_squeeze %dma_start3A_224 : memref<1x1x128xi32, #tpu.memory_space<vmem>> -> memref<128xi32, #tpu.memory_space<vmem>>
    %dma_start3A_226 = arith.constant 0 : i32
    %dma_start3A_227 = arith.constant 0 : i32
    %dma_start3A_228 = tpu.memref_slice %arg3[%dma_start3A_226, %dma_start3A_227] : memref<100001x128xf32, #tpu.memory_space<hbm>> -> memref<100001x128xf32, #tpu.memory_space<hbm>>
    %dma_start3A_229 = tpu.memref_slice %arg8[%dma_start3A_218] : memref<5x!tpu.dma_semaphore, #tpu.memory_space<semaphore_mem>> -> memref<1x!tpu.dma_semaphore, #tpu.memory_space<semaphore_mem>>
    %dma_start3A_230 = tpu.memref_squeeze %dma_start3A_229 : memref<1x!tpu.dma_semaphore, #tpu.memory_space<semaphore_mem>> -> memref<!tpu.dma_semaphore, #tpu.memory_space<semaphore_mem>>
    tpu.enqueue_indirect_dma source(%dma_start3A_228 : memref<100001x128xf32, #tpu.memory_space<hbm>>) target(%dma_start3A_222 : memref<128x128xf32, #tpu.memory_space<vmem>>) offsets(%dma_start3A_225 : memref<128xi32, #tpu.memory_space<vmem>>) semaphore(%dma_start3A_230 : memref<!tpu.dma_semaphore, #tpu.memory_space<semaphore_mem>>)
    %dma_wait3A_231 = arith.constant 0 : i32
    %dma_wait3A_232 = arith.constant 2 : i32
    %dma_wait3A_233 = arith.constant 2 : i32
    %dma_wait3A_234 = arith.constant 2 : i32
    %dma_wait3A_235 = arith.constant 0 : i32
    %dma_wait3A_236 = arith.constant 0 : i32
    %dma_wait3A_237 = tpu.memref_slice %arg6[%dma_wait3A_233, %dma_wait3A_235, %dma_wait3A_236] : memref<5x128x128xf32, #tpu.memory_space<vmem>> -> memref<1x128x128xf32, #tpu.memory_space<vmem>>
    %dma_wait3A_238 = tpu.memref_squeeze %dma_wait3A_237 : memref<1x128x128xf32, #tpu.memory_space<vmem>> -> memref<128x128xf32, #tpu.memory_space<vmem>>
    %dma_wait3A_239 = arith.constant 0 : i32
    %dma_wait3A_240 = tpu.memref_slice %arg5[%dma_wait3A_231, %dma_wait3A_232, %dma_wait3A_239] : memref<2x5x128xi32, #tpu.memory_space<vmem>> -> memref<1x1x128xi32, #tpu.memory_space<vmem>>
    %dma_wait3A_241 = tpu.memref_squeeze %dma_wait3A_240 : memref<1x1x128xi32, #tpu.memory_space<vmem>> -> memref<128xi32, #tpu.memory_space<vmem>>
    %dma_wait3A_242 = arith.constant 0 : i32
    %dma_wait3A_243 = arith.constant 0 : i32
    %dma_wait3A_244 = tpu.memref_slice %arg3[%dma_wait3A_242, %dma_wait3A_243] : memref<100001x128xf32, #tpu.memory_space<hbm>> -> memref<100001x128xf32, #tpu.memory_space<hbm>>
    %dma_wait3A_245 = tpu.memref_slice %arg8[%dma_wait3A_234] : memref<5x!tpu.dma_semaphore, #tpu.memory_space<semaphore_mem>> -> memref<1x!tpu.dma_semaphore, #tpu.memory_space<semaphore_mem>>
    %dma_wait3A_246 = tpu.memref_squeeze %dma_wait3A_245 : memref<1x!tpu.dma_semaphore, #tpu.memory_space<semaphore_mem>> -> memref<!tpu.dma_semaphore, #tpu.memory_space<semaphore_mem>>
    tpu.wait_indirect_dma semaphore(%dma_wait3A_246 : memref<!tpu.dma_semaphore, #tpu.memory_space<semaphore_mem>>) src(%dma_wait3A_244 : memref<100001x128xf32, #tpu.memory_space<hbm>>) dst(%dma_wait3A_238 : memref<128x128xf32, #tpu.memory_space<vmem>>)
    %add3A_247 = arith.constant 24576 : i32
    %add3A_248 = arith.addi %mul3A_2, %add3A_247 : i32
    %dma_start3A_249 = arith.constant 2 : i32
    %dma_start3A_250 = arith.constant 2 : i32
    %dma_start3A_251 = arith.constant 0 : i32
    %dma_start3A_252 = arith.constant 0 : i32
    %dma_start3A_253 = tpu.memref_slice %arg6[%dma_start3A_249, %dma_start3A_251, %dma_start3A_252] : memref<5x128x128xf32, #tpu.memory_space<vmem>> -> memref<1x128x128xf32, #tpu.memory_space<vmem>>
    %dma_start3A_254 = tpu.memref_squeeze %dma_start3A_253 : memref<1x128x128xf32, #tpu.memory_space<vmem>> -> memref<128x128xf32, #tpu.memory_space<vmem>>
    %dma_start3A_255 = arith.constant 0 : i32
    %dma_start3A_256 = tpu.memref_slice %arg4[%add3A_248, %dma_start3A_255] : memref<819200x128xf32, #tpu.memory_space<hbm>> -> memref<128x128xf32, #tpu.memory_space<hbm>>
    %dma_start3A_257 = tpu.memref_slice %arg9[%dma_start3A_250] : memref<5x!tpu.dma_semaphore, #tpu.memory_space<semaphore_mem>> -> memref<1x!tpu.dma_semaphore, #tpu.memory_space<semaphore_mem>>
    %dma_start3A_258 = tpu.memref_squeeze %dma_start3A_257 : memref<1x!tpu.dma_semaphore, #tpu.memory_space<semaphore_mem>> -> memref<!tpu.dma_semaphore, #tpu.memory_space<semaphore_mem>>
    %dma_start3A_259 = arith.constant 0 : i32
    %dma_start3A_260 = tpu.memref_slice %arg4[%add3A_248, %dma_start3A_259] : memref<819200x128xf32, #tpu.memory_space<hbm>> -> memref<128x128xf32, #tpu.memory_space<hbm>>
    %dma_start3A_261 = arith.constant 0 : i32
    %dma_start3A_262 = arith.constant 0 : i32
    %dma_start3A_263 = tpu.memref_slice %arg6[%dma_start3A_249, %dma_start3A_261, %dma_start3A_262] : memref<5x128x128xf32, #tpu.memory_space<vmem>> -> memref<1x128x128xf32, #tpu.memory_space<vmem>>
    %dma_start3A_264 = tpu.memref_squeeze %dma_start3A_263 : memref<1x128x128xf32, #tpu.memory_space<vmem>> -> memref<128x128xf32, #tpu.memory_space<vmem>>
    tpu.enqueue_dma source(%dma_start3A_264 : memref<128x128xf32, #tpu.memory_space<vmem>>) target(%dma_start3A_260 : memref<128x128xf32, #tpu.memory_space<hbm>>) target_semaphore(%dma_start3A_258 : memref<!tpu.dma_semaphore, #tpu.memory_space<semaphore_mem>>)
    %add3A_265 = arith.constant 24448 : i32
    %add3A_266 = arith.addi %mul3A_2, %add3A_265 : i32
    %dma_wait3A_267 = arith.constant 1 : i32
    %dma_wait3A_268 = arith.constant 1 : i32
    %dma_wait3A_269 = arith.constant 0 : i32
    %dma_wait3A_270 = arith.constant 0 : i32
    %dma_wait3A_271 = tpu.memref_slice %arg6[%dma_wait3A_267, %dma_wait3A_269, %dma_wait3A_270] : memref<5x128x128xf32, #tpu.memory_space<vmem>> -> memref<1x128x128xf32, #tpu.memory_space<vmem>>
    %dma_wait3A_272 = tpu.memref_squeeze %dma_wait3A_271 : memref<1x128x128xf32, #tpu.memory_space<vmem>> -> memref<128x128xf32, #tpu.memory_space<vmem>>
    %dma_wait3A_273 = arith.constant 0 : i32
    %dma_wait3A_274 = tpu.memref_slice %arg4[%add3A_266, %dma_wait3A_273] : memref<819200x128xf32, #tpu.memory_space<hbm>> -> memref<128x128xf32, #tpu.memory_space<hbm>>
    %dma_wait3A_275 = tpu.memref_slice %arg9[%dma_wait3A_268] : memref<5x!tpu.dma_semaphore, #tpu.memory_space<semaphore_mem>> -> memref<1x!tpu.dma_semaphore, #tpu.memory_space<semaphore_mem>>
    %dma_wait3A_276 = tpu.memref_squeeze %dma_wait3A_275 : memref<1x!tpu.dma_semaphore, #tpu.memory_space<semaphore_mem>> -> memref<!tpu.dma_semaphore, #tpu.memory_space<semaphore_mem>>
    %dma_wait3A_277 = arith.constant 0 : i32
    %dma_wait3A_278 = tpu.memref_slice %arg4[%add3A_266, %dma_wait3A_277] : memref<819200x128xf32, #tpu.memory_space<hbm>> -> memref<128x128xf32, #tpu.memory_space<hbm>>
    %dma_wait3A_279 = arith.constant 0 : i32
    %dma_wait3A_280 = arith.constant 0 : i32
    %dma_wait3A_281 = tpu.memref_slice %arg6[%dma_wait3A_267, %dma_wait3A_279, %dma_wait3A_280] : memref<5x128x128xf32, #tpu.memory_space<vmem>> -> memref<1x128x128xf32, #tpu.memory_space<vmem>>
    %dma_wait3A_282 = tpu.memref_squeeze %dma_wait3A_281 : memref<1x128x128xf32, #tpu.memory_space<vmem>> -> memref<128x128xf32, #tpu.memory_space<vmem>>
    tpu.wait_dma2 semaphore(%dma_wait3A_276 : memref<!tpu.dma_semaphore, #tpu.memory_space<semaphore_mem>>) src(%dma_wait3A_282 : memref<128x128xf32, #tpu.memory_space<vmem>>) dst(%dma_wait3A_278 : memref<128x128xf32, #tpu.memory_space<hbm>>)
    %dma_start3A_283 = arith.constant 1 : i32
    %dma_start3A_284 = arith.constant 1 : i32
    %dma_start3A_285 = arith.constant 1 : i32
    %dma_start3A_286 = arith.constant 1 : i32
    %dma_start3A_287 = arith.constant 0 : i32
    %dma_start3A_288 = arith.constant 0 : i32
    %dma_start3A_289 = tpu.memref_slice %arg6[%dma_start3A_285, %dma_start3A_287, %dma_start3A_288] : memref<5x128x128xf32, #tpu.memory_space<vmem>> -> memref<1x128x128xf32, #tpu.memory_space<vmem>>
    %dma_start3A_290 = tpu.memref_squeeze %dma_start3A_289 : memref<1x128x128xf32, #tpu.memory_space<vmem>> -> memref<128x128xf32, #tpu.memory_space<vmem>>
    %dma_start3A_291 = arith.constant 0 : i32
    %dma_start3A_292 = tpu.memref_slice %arg5[%dma_start3A_283, %dma_start3A_284, %dma_start3A_291] : memref<2x5x128xi32, #tpu.memory_space<vmem>> -> memref<1x1x128xi32, #tpu.memory_space<vmem>>
    %dma_start3A_293 = tpu.memref_squeeze %dma_start3A_292 : memref<1x1x128xi32, #tpu.memory_space<vmem>> -> memref<128xi32, #tpu.memory_space<vmem>>
    %dma_start3A_294 = arith.constant 0 : i32
    %dma_start3A_295 = arith.constant 0 : i32
    %dma_start3A_296 = tpu.memref_slice %arg3[%dma_start3A_294, %dma_start3A_295] : memref<100001x128xf32, #tpu.memory_space<hbm>> -> memref<100001x128xf32, #tpu.memory_space<hbm>>
    %dma_start3A_297 = tpu.memref_slice %arg8[%dma_start3A_286] : memref<5x!tpu.dma_semaphore, #tpu.memory_space<semaphore_mem>> -> memref<1x!tpu.dma_semaphore, #tpu.memory_space<semaphore_mem>>
    %dma_start3A_298 = tpu.memref_squeeze %dma_start3A_297 : memref<1x!tpu.dma_semaphore, #tpu.memory_space<semaphore_mem>> -> memref<!tpu.dma_semaphore, #tpu.memory_space<semaphore_mem>>
    tpu.enqueue_indirect_dma source(%dma_start3A_296 : memref<100001x128xf32, #tpu.memory_space<hbm>>) target(%dma_start3A_290 : memref<128x128xf32, #tpu.memory_space<vmem>>) offsets(%dma_start3A_293 : memref<128xi32, #tpu.memory_space<vmem>>) semaphore(%dma_start3A_298 : memref<!tpu.dma_semaphore, #tpu.memory_space<semaphore_mem>>)
    %dma_wait3A_299 = arith.constant 0 : i32
    %dma_wait3A_300 = arith.constant 3 : i32
    %dma_wait3A_301 = arith.constant 3 : i32
    %dma_wait3A_302 = arith.constant 3 : i32
    %dma_wait3A_303 = arith.constant 0 : i32
    %dma_wait3A_304 = arith.constant 0 : i32
    %dma_wait3A_305 = tpu.memref_slice %arg6[%dma_wait3A_301, %dma_wait3A_303, %dma_wait3A_304] : memref<5x128x128xf32, #tpu.memory_space<vmem>> -> memref<1x128x128xf32, #tpu.memory_space<vmem>>
    %dma_wait3A_306 = tpu.memref_squeeze %dma_wait3A_305 : memref<1x128x128xf32, #tpu.memory_space<vmem>> -> memref<128x128xf32, #tpu.memory_space<vmem>>
    %dma_wait3A_307 = arith.constant 0 : i32
    %dma_wait3A_308 = tpu.memref_slice %arg5[%dma_wait3A_299, %dma_wait3A_300, %dma_wait3A_307] : memref<2x5x128xi32, #tpu.memory_space<vmem>> -> memref<1x1x128xi32, #tpu.memory_space<vmem>>
    %dma_wait3A_309 = tpu.memref_squeeze %dma_wait3A_308 : memref<1x1x128xi32, #tpu.memory_space<vmem>> -> memref<128xi32, #tpu.memory_space<vmem>>
    %dma_wait3A_310 = arith.constant 0 : i32
    %dma_wait3A_311 = arith.constant 0 : i32
    %dma_wait3A_312 = tpu.memref_slice %arg3[%dma_wait3A_310, %dma_wait3A_311] : memref<100001x128xf32, #tpu.memory_space<hbm>> -> memref<100001x128xf32, #tpu.memory_space<hbm>>
    %dma_wait3A_313 = tpu.memref_slice %arg8[%dma_wait3A_302] : memref<5x!tpu.dma_semaphore, #tpu.memory_space<semaphore_mem>> -> memref<1x!tpu.dma_semaphore, #tpu.memory_space<semaphore_mem>>
    %dma_wait3A_314 = tpu.memref_squeeze %dma_wait3A_313 : memref<1x!tpu.dma_semaphore, #tpu.memory_space<semaphore_mem>> -> memref<!tpu.dma_semaphore, #tpu.memory_space<semaphore_mem>>
    tpu.wait_indirect_dma semaphore(%dma_wait3A_314 : memref<!tpu.dma_semaphore, #tpu.memory_space<semaphore_mem>>) src(%dma_wait3A_312 : memref<100001x128xf32, #tpu.memory_space<hbm>>) dst(%dma_wait3A_306 : memref<128x128xf32, #tpu.memory_space<vmem>>)
    %add3A_315 = arith.constant 24704 : i32
    %add3A_316 = arith.addi %mul3A_2, %add3A_315 : i32
    %dma_start3A_317 = arith.constant 3 : i32
    %dma_start3A_318 = arith.constant 3 : i32
    %dma_start3A_319 = arith.constant 0 : i32
    %dma_start3A_320 = arith.constant 0 : i32
    %dma_start3A_321 = tpu.memref_slice %arg6[%dma_start3A_317, %dma_start3A_319, %dma_start3A_320] : memref<5x128x128xf32, #tpu.memory_space<vmem>> -> memref<1x128x128xf32, #tpu.memory_space<vmem>>
    %dma_start3A_322 = tpu.memref_squeeze %dma_start3A_321 : memref<1x128x128xf32, #tpu.memory_space<vmem>> -> memref<128x128xf32, #tpu.memory_space<vmem>>
    %dma_start3A_323 = arith.constant 0 : i32
    %dma_start3A_324 = tpu.memref_slice %arg4[%add3A_316, %dma_start3A_323] : memref<819200x128xf32, #tpu.memory_space<hbm>> -> memref<128x128xf32, #tpu.memory_space<hbm>>
    %dma_start3A_325 = tpu.memref_slice %arg9[%dma_start3A_318] : memref<5x!tpu.dma_semaphore, #tpu.memory_space<semaphore_mem>> -> memref<1x!tpu.dma_semaphore, #tpu.memory_space<semaphore_mem>>
    %dma_start3A_326 = tpu.memref_squeeze %dma_start3A_325 : memref<1x!tpu.dma_semaphore, #tpu.memory_space<semaphore_mem>> -> memref<!tpu.dma_semaphore, #tpu.memory_space<semaphore_mem>>
    %dma_start3A_327 = arith.constant 0 : i32
    %dma_start3A_328 = tpu.memref_slice %arg4[%add3A_316, %dma_start3A_327] : memref<819200x128xf32, #tpu.memory_space<hbm>> -> memref<128x128xf32, #tpu.memory_space<hbm>>
    %dma_start3A_329 = arith.constant 0 : i32
    %dma_start3A_330 = arith.constant 0 : i32
    %dma_start3A_331 = tpu.memref_slice %arg6[%dma_start3A_317, %dma_start3A_329, %dma_start3A_330] : memref<5x128x128xf32, #tpu.memory_space<vmem>> -> memref<1x128x128xf32, #tpu.memory_space<vmem>>
    %dma_start3A_332 = tpu.memref_squeeze %dma_start3A_331 : memref<1x128x128xf32, #tpu.memory_space<vmem>> -> memref<128x128xf32, #tpu.memory_space<vmem>>
    tpu.enqueue_dma source(%dma_start3A_332 : memref<128x128xf32, #tpu.memory_space<vmem>>) target(%dma_start3A_328 : memref<128x128xf32, #tpu.memory_space<hbm>>) target_semaphore(%dma_start3A_326 : memref<!tpu.dma_semaphore, #tpu.memory_space<semaphore_mem>>)
    %add3A_333 = arith.constant 24576 : i32
    %add3A_334 = arith.addi %mul3A_2, %add3A_333 : i32
    %dma_wait3A_335 = arith.constant 2 : i32
    %dma_wait3A_336 = arith.constant 2 : i32
    %dma_wait3A_337 = arith.constant 0 : i32
    %dma_wait3A_338 = arith.constant 0 : i32
    %dma_wait3A_339 = tpu.memref_slice %arg6[%dma_wait3A_335, %dma_wait3A_337, %dma_wait3A_338] : memref<5x128x128xf32, #tpu.memory_space<vmem>> -> memref<1x128x128xf32, #tpu.memory_space<vmem>>
    %dma_wait3A_340 = tpu.memref_squeeze %dma_wait3A_339 : memref<1x128x128xf32, #tpu.memory_space<vmem>> -> memref<128x128xf32, #tpu.memory_space<vmem>>
    %dma_wait3A_341 = arith.constant 0 : i32
    %dma_wait3A_342 = tpu.memref_slice %arg4[%add3A_334, %dma_wait3A_341] : memref<819200x128xf32, #tpu.memory_space<hbm>> -> memref<128x128xf32, #tpu.memory_space<hbm>>
    %dma_wait3A_343 = tpu.memref_slice %arg9[%dma_wait3A_336] : memref<5x!tpu.dma_semaphore, #tpu.memory_space<semaphore_mem>> -> memref<1x!tpu.dma_semaphore, #tpu.memory_space<semaphore_mem>>
    %dma_wait3A_344 = tpu.memref_squeeze %dma_wait3A_343 : memref<1x!tpu.dma_semaphore, #tpu.memory_space<semaphore_mem>> -> memref<!tpu.dma_semaphore, #tpu.memory_space<semaphore_mem>>
    %dma_wait3A_345 = arith.constant 0 : i32
    %dma_wait3A_346 = tpu.memref_slice %arg4[%add3A_334, %dma_wait3A_345] : memref<819200x128xf32, #tpu.memory_space<hbm>> -> memref<128x128xf32, #tpu.memory_space<hbm>>
    %dma_wait3A_347 = arith.constant 0 : i32
    %dma_wait3A_348 = arith.constant 0 : i32
    %dma_wait3A_349 = tpu.memref_slice %arg6[%dma_wait3A_335, %dma_wait3A_347, %dma_wait3A_348] : memref<5x128x128xf32, #tpu.memory_space<vmem>> -> memref<1x128x128xf32, #tpu.memory_space<vmem>>
    %dma_wait3A_350 = tpu.memref_squeeze %dma_wait3A_349 : memref<1x128x128xf32, #tpu.memory_space<vmem>> -> memref<128x128xf32, #tpu.memory_space<vmem>>
    tpu.wait_dma2 semaphore(%dma_wait3A_344 : memref<!tpu.dma_semaphore, #tpu.memory_space<semaphore_mem>>) src(%dma_wait3A_350 : memref<128x128xf32, #tpu.memory_space<vmem>>) dst(%dma_wait3A_346 : memref<128x128xf32, #tpu.memory_space<hbm>>)
    %dma_start3A_351 = arith.constant 1 : i32
    %dma_start3A_352 = arith.constant 2 : i32
    %dma_start3A_353 = arith.constant 2 : i32
    %dma_start3A_354 = arith.constant 2 : i32
    %dma_start3A_355 = arith.constant 0 : i32
    %dma_start3A_356 = arith.constant 0 : i32
    %dma_start3A_357 = tpu.memref_slice %arg6[%dma_start3A_353, %dma_start3A_355, %dma_start3A_356] : memref<5x128x128xf32, #tpu.memory_space<vmem>> -> memref<1x128x128xf32, #tpu.memory_space<vmem>>
    %dma_start3A_358 = tpu.memref_squeeze %dma_start3A_357 : memref<1x128x128xf32, #tpu.memory_space<vmem>> -> memref<128x128xf32, #tpu.memory_space<vmem>>
    %dma_start3A_359 = arith.constant 0 : i32
    %dma_start3A_360 = tpu.memref_slice %arg5[%dma_start3A_351, %dma_start3A_352, %dma_start3A_359] : memref<2x5x128xi32, #tpu.memory_space<vmem>> -> memref<1x1x128xi32, #tpu.memory_space<vmem>>
    %dma_start3A_361 = tpu.memref_squeeze %dma_start3A_360 : memref<1x1x128xi32, #tpu.memory_space<vmem>> -> memref<128xi32, #tpu.memory_space<vmem>>
    %dma_start3A_362 = arith.constant 0 : i32
    %dma_start3A_363 = arith.constant 0 : i32
    %dma_start3A_364 = tpu.memref_slice %arg3[%dma_start3A_362, %dma_start3A_363] : memref<100001x128xf32, #tpu.memory_space<hbm>> -> memref<100001x128xf32, #tpu.memory_space<hbm>>
    %dma_start3A_365 = tpu.memref_slice %arg8[%dma_start3A_354] : memref<5x!tpu.dma_semaphore, #tpu.memory_space<semaphore_mem>> -> memref<1x!tpu.dma_semaphore, #tpu.memory_space<semaphore_mem>>
    %dma_start3A_366 = tpu.memref_squeeze %dma_start3A_365 : memref<1x!tpu.dma_semaphore, #tpu.memory_space<semaphore_mem>> -> memref<!tpu.dma_semaphore, #tpu.memory_space<semaphore_mem>>
    tpu.enqueue_indirect_dma source(%dma_start3A_364 : memref<100001x128xf32, #tpu.memory_space<hbm>>) target(%dma_start3A_358 : memref<128x128xf32, #tpu.memory_space<vmem>>) offsets(%dma_start3A_361 : memref<128xi32, #tpu.memory_space<vmem>>) semaphore(%dma_start3A_366 : memref<!tpu.dma_semaphore, #tpu.memory_space<semaphore_mem>>)
    %dma_wait3A_367 = arith.constant 0 : i32
    %dma_wait3A_368 = arith.constant 4 : i32
    %dma_wait3A_369 = arith.constant 4 : i32
    %dma_wait3A_370 = arith.constant 4 : i32
    %dma_wait3A_371 = arith.constant 0 : i32
    %dma_wait3A_372 = arith.constant 0 : i32
    %dma_wait3A_373 = tpu.memref_slice %arg6[%dma_wait3A_369, %dma_wait3A_371, %dma_wait3A_372] : memref<5x128x128xf32, #tpu.memory_space<vmem>> -> memref<1x128x128xf32, #tpu.memory_space<vmem>>
    %dma_wait3A_374 = tpu.memref_squeeze %dma_wait3A_373 : memref<1x128x128xf32, #tpu.memory_space<vmem>> -> memref<128x128xf32, #tpu.memory_space<vmem>>
    %dma_wait3A_375 = arith.constant 0 : i32
    %dma_wait3A_376 = tpu.memref_slice %arg5[%dma_wait3A_367, %dma_wait3A_368, %dma_wait3A_375] : memref<2x5x128xi32, #tpu.memory_space<vmem>> -> memref<1x1x128xi32, #tpu.memory_space<vmem>>
    %dma_wait3A_377 = tpu.memref_squeeze %dma_wait3A_376 : memref<1x1x128xi32, #tpu.memory_space<vmem>> -> memref<128xi32, #tpu.memory_space<vmem>>
    %dma_wait3A_378 = arith.constant 0 : i32
    %dma_wait3A_379 = arith.constant 0 : i32
    %dma_wait3A_380 = tpu.memref_slice %arg3[%dma_wait3A_378, %dma_wait3A_379] : memref<100001x128xf32, #tpu.memory_space<hbm>> -> memref<100001x128xf32, #tpu.memory_space<hbm>>
    %dma_wait3A_381 = tpu.memref_slice %arg8[%dma_wait3A_370] : memref<5x!tpu.dma_semaphore, #tpu.memory_space<semaphore_mem>> -> memref<1x!tpu.dma_semaphore, #tpu.memory_space<semaphore_mem>>
    %dma_wait3A_382 = tpu.memref_squeeze %dma_wait3A_381 : memref<1x!tpu.dma_semaphore, #tpu.memory_space<semaphore_mem>> -> memref<!tpu.dma_semaphore, #tpu.memory_space<semaphore_mem>>
    tpu.wait_indirect_dma semaphore(%dma_wait3A_382 : memref<!tpu.dma_semaphore, #tpu.memory_space<semaphore_mem>>) src(%dma_wait3A_380 : memref<100001x128xf32, #tpu.memory_space<hbm>>) dst(%dma_wait3A_374 : memref<128x128xf32, #tpu.memory_space<vmem>>)
    %add3A_383 = arith.constant 24832 : i32
    %add3A_384 = arith.addi %mul3A_2, %add3A_383 : i32
    %dma_start3A_385 = arith.constant 4 : i32
    %dma_start3A_386 = arith.constant 4 : i32
    %dma_start3A_387 = arith.constant 0 : i32
    %dma_start3A_388 = arith.constant 0 : i32
    %dma_start3A_389 = tpu.memref_slice %arg6[%dma_start3A_385, %dma_start3A_387, %dma_start3A_388] : memref<5x128x128xf32, #tpu.memory_space<vmem>> -> memref<1x128x128xf32, #tpu.memory_space<vmem>>
    %dma_start3A_390 = tpu.memref_squeeze %dma_start3A_389 : memref<1x128x128xf32, #tpu.memory_space<vmem>> -> memref<128x128xf32, #tpu.memory_space<vmem>>
    %dma_start3A_391 = arith.constant 0 : i32
    %dma_start3A_392 = tpu.memref_slice %arg4[%add3A_384, %dma_start3A_391] : memref<819200x128xf32, #tpu.memory_space<hbm>> -> memref<128x128xf32, #tpu.memory_space<hbm>>
    %dma_start3A_393 = tpu.memref_slice %arg9[%dma_start3A_386] : memref<5x!tpu.dma_semaphore, #tpu.memory_space<semaphore_mem>> -> memref<1x!tpu.dma_semaphore, #tpu.memory_space<semaphore_mem>>
    %dma_start3A_394 = tpu.memref_squeeze %dma_start3A_393 : memref<1x!tpu.dma_semaphore, #tpu.memory_space<semaphore_mem>> -> memref<!tpu.dma_semaphore, #tpu.memory_space<semaphore_mem>>
    %dma_start3A_395 = arith.constant 0 : i32
    %dma_start3A_396 = tpu.memref_slice %arg4[%add3A_384, %dma_start3A_395] : memref<819200x128xf32, #tpu.memory_space<hbm>> -> memref<128x128xf32, #tpu.memory_space<hbm>>
    %dma_start3A_397 = arith.constant 0 : i32
    %dma_start3A_398 = arith.constant 0 : i32
    %dma_start3A_399 = tpu.memref_slice %arg6[%dma_start3A_385, %dma_start3A_397, %dma_start3A_398] : memref<5x128x128xf32, #tpu.memory_space<vmem>> -> memref<1x128x128xf32, #tpu.memory_space<vmem>>
    %dma_start3A_400 = tpu.memref_squeeze %dma_start3A_399 : memref<1x128x128xf32, #tpu.memory_space<vmem>> -> memref<128x128xf32, #tpu.memory_space<vmem>>
    tpu.enqueue_dma source(%dma_start3A_400 : memref<128x128xf32, #tpu.memory_space<vmem>>) target(%dma_start3A_396 : memref<128x128xf32, #tpu.memory_space<hbm>>) target_semaphore(%dma_start3A_394 : memref<!tpu.dma_semaphore, #tpu.memory_space<semaphore_mem>>)
    %add3A_401 = arith.constant 24704 : i32
    %add3A_402 = arith.addi %mul3A_2, %add3A_401 : i32
    %dma_wait3A_403 = arith.constant 3 : i32
    %dma_wait3A_404 = arith.constant 3 : i32
    %dma_wait3A_405 = arith.constant 0 : i32
    %dma_wait3A_406 = arith.constant 0 : i32
    %dma_wait3A_407 = tpu.memref_slice %arg6[%dma_wait3A_403, %dma_wait3A_405, %dma_wait3A_406] : memref<5x128x128xf32, #tpu.memory_space<vmem>> -> memref<1x128x128xf32, #tpu.memory_space<vmem>>
    %dma_wait3A_408 = tpu.memref_squeeze %dma_wait3A_407 : memref<1x128x128xf32, #tpu.memory_space<vmem>> -> memref<128x128xf32, #tpu.memory_space<vmem>>
    %dma_wait3A_409 = arith.constant 0 : i32
    %dma_wait3A_410 = tpu.memref_slice %arg4[%add3A_402, %dma_wait3A_409] : memref<819200x128xf32, #tpu.memory_space<hbm>> -> memref<128x128xf32, #tpu.memory_space<hbm>>
    %dma_wait3A_411 = tpu.memref_slice %arg9[%dma_wait3A_404] : memref<5x!tpu.dma_semaphore, #tpu.memory_space<semaphore_mem>> -> memref<1x!tpu.dma_semaphore, #tpu.memory_space<semaphore_mem>>
    %dma_wait3A_412 = tpu.memref_squeeze %dma_wait3A_411 : memref<1x!tpu.dma_semaphore, #tpu.memory_space<semaphore_mem>> -> memref<!tpu.dma_semaphore, #tpu.memory_space<semaphore_mem>>
    %dma_wait3A_413 = arith.constant 0 : i32
    %dma_wait3A_414 = tpu.memref_slice %arg4[%add3A_402, %dma_wait3A_413] : memref<819200x128xf32, #tpu.memory_space<hbm>> -> memref<128x128xf32, #tpu.memory_space<hbm>>
    %dma_wait3A_415 = arith.constant 0 : i32
    %dma_wait3A_416 = arith.constant 0 : i32
    %dma_wait3A_417 = tpu.memref_slice %arg6[%dma_wait3A_403, %dma_wait3A_415, %dma_wait3A_416] : memref<5x128x128xf32, #tpu.memory_space<vmem>> -> memref<1x128x128xf32, #tpu.memory_space<vmem>>
    %dma_wait3A_418 = tpu.memref_squeeze %dma_wait3A_417 : memref<1x128x128xf32, #tpu.memory_space<vmem>> -> memref<128x128xf32, #tpu.memory_space<vmem>>
    tpu.wait_dma2 semaphore(%dma_wait3A_412 : memref<!tpu.dma_semaphore, #tpu.memory_space<semaphore_mem>>) src(%dma_wait3A_418 : memref<128x128xf32, #tpu.memory_space<vmem>>) dst(%dma_wait3A_414 : memref<128x128xf32, #tpu.memory_space<hbm>>)
    %dma_start3A_419 = arith.constant 1 : i32
    %dma_start3A_420 = arith.constant 3 : i32
    %dma_start3A_421 = arith.constant 3 : i32
    %dma_start3A_422 = arith.constant 3 : i32
    %dma_start3A_423 = arith.constant 0 : i32
    %dma_start3A_424 = arith.constant 0 : i32
    %dma_start3A_425 = tpu.memref_slice %arg6[%dma_start3A_421, %dma_start3A_423, %dma_start3A_424] : memref<5x128x128xf32, #tpu.memory_space<vmem>> -> memref<1x128x128xf32, #tpu.memory_space<vmem>>
    %dma_start3A_426 = tpu.memref_squeeze %dma_start3A_425 : memref<1x128x128xf32, #tpu.memory_space<vmem>> -> memref<128x128xf32, #tpu.memory_space<vmem>>
    %dma_start3A_427 = arith.constant 0 : i32
    %dma_start3A_428 = tpu.memref_slice %arg5[%dma_start3A_419, %dma_start3A_420, %dma_start3A_427] : memref<2x5x128xi32, #tpu.memory_space<vmem>> -> memref<1x1x128xi32, #tpu.memory_space<vmem>>
    %dma_start3A_429 = tpu.memref_squeeze %dma_start3A_428 : memref<1x1x128xi32, #tpu.memory_space<vmem>> -> memref<128xi32, #tpu.memory_space<vmem>>
    %dma_start3A_430 = arith.constant 0 : i32
    %dma_start3A_431 = arith.constant 0 : i32
    %dma_start3A_432 = tpu.memref_slice %arg3[%dma_start3A_430, %dma_start3A_431] : memref<100001x128xf32, #tpu.memory_space<hbm>> -> memref<100001x128xf32, #tpu.memory_space<hbm>>
    %dma_start3A_433 = tpu.memref_slice %arg8[%dma_start3A_422] : memref<5x!tpu.dma_semaphore, #tpu.memory_space<semaphore_mem>> -> memref<1x!tpu.dma_semaphore, #tpu.memory_space<semaphore_mem>>
    %dma_start3A_434 = tpu.memref_squeeze %dma_start3A_433 : memref<1x!tpu.dma_semaphore, #tpu.memory_space<semaphore_mem>> -> memref<!tpu.dma_semaphore, #tpu.memory_space<semaphore_mem>>
    tpu.enqueue_indirect_dma source(%dma_start3A_432 : memref<100001x128xf32, #tpu.memory_space<hbm>>) target(%dma_start3A_426 : memref<128x128xf32, #tpu.memory_space<vmem>>) offsets(%dma_start3A_429 : memref<128xi32, #tpu.memory_space<vmem>>) semaphore(%dma_start3A_434 : memref<!tpu.dma_semaphore, #tpu.memory_space<semaphore_mem>>)
    %add3A_435 = arith.constant 24832 : i32
    %add3A_436 = arith.addi %mul3A_2, %add3A_435 : i32
    %dma_wait3A_437 = arith.constant 4 : i32
    %dma_wait3A_438 = arith.constant 4 : i32
    %dma_wait3A_439 = arith.constant 0 : i32
    %dma_wait3A_440 = arith.constant 0 : i32
    %dma_wait3A_441 = tpu.memref_slice %arg6[%dma_wait3A_437, %dma_wait3A_439, %dma_wait3A_440] : memref<5x128x128xf32, #tpu.memory_space<vmem>> -> memref<1x128x128xf32, #tpu.memory_space<vmem>>
    %dma_wait3A_442 = tpu.memref_squeeze %dma_wait3A_441 : memref<1x128x128xf32, #tpu.memory_space<vmem>> -> memref<128x128xf32, #tpu.memory_space<vmem>>
    %dma_wait3A_443 = arith.constant 0 : i32
    %dma_wait3A_444 = tpu.memref_slice %arg4[%add3A_436, %dma_wait3A_443] : memref<819200x128xf32, #tpu.memory_space<hbm>> -> memref<128x128xf32, #tpu.memory_space<hbm>>
    %dma_wait3A_445 = tpu.memref_slice %arg9[%dma_wait3A_438] : memref<5x!tpu.dma_semaphore, #tpu.memory_space<semaphore_mem>> -> memref<1x!tpu.dma_semaphore, #tpu.memory_space<semaphore_mem>>
    %dma_wait3A_446 = tpu.memref_squeeze %dma_wait3A_445 : memref<1x!tpu.dma_semaphore, #tpu.memory_space<semaphore_mem>> -> memref<!tpu.dma_semaphore, #tpu.memory_space<semaphore_mem>>
    %dma_wait3A_447 = arith.constant 0 : i32
    %dma_wait3A_448 = tpu.memref_slice %arg4[%add3A_436, %dma_wait3A_447] : memref<819200x128xf32, #tpu.memory_space<hbm>> -> memref<128x128xf32, #tpu.memory_space<hbm>>
    %dma_wait3A_449 = arith.constant 0 : i32
    %dma_wait3A_450 = arith.constant 0 : i32
    %dma_wait3A_451 = tpu.memref_slice %arg6[%dma_wait3A_437, %dma_wait3A_449, %dma_wait3A_450] : memref<5x128x128xf32, #tpu.memory_space<vmem>> -> memref<1x128x128xf32, #tpu.memory_space<vmem>>
    %dma_wait3A_452 = tpu.memref_squeeze %dma_wait3A_451 : memref<1x128x128xf32, #tpu.memory_space<vmem>> -> memref<128x128xf32, #tpu.memory_space<vmem>>
    tpu.wait_dma2 semaphore(%dma_wait3A_446 : memref<!tpu.dma_semaphore, #tpu.memory_space<semaphore_mem>>) src(%dma_wait3A_452 : memref<128x128xf32, #tpu.memory_space<vmem>>) dst(%dma_wait3A_448 : memref<128x128xf32, #tpu.memory_space<hbm>>)
    %dma_start3A_453 = arith.constant 1 : i32
    %dma_start3A_454 = arith.constant 4 : i32
    %dma_start3A_455 = arith.constant 4 : i32
    %dma_start3A_456 = arith.constant 4 : i32
    %dma_start3A_457 = arith.constant 0 : i32
    %dma_start3A_458 = arith.constant 0 : i32
    %dma_start3A_459 = tpu.memref_slice %arg6[%dma_start3A_455, %dma_start3A_457, %dma_start3A_458] : memref<5x128x128xf32, #tpu.memory_space<vmem>> -> memref<1x128x128xf32, #tpu.memory_space<vmem>>
    %dma_start3A_460 = tpu.memref_squeeze %dma_start3A_459 : memref<1x128x128xf32, #tpu.memory_space<vmem>> -> memref<128x128xf32, #tpu.memory_space<vmem>>
    %dma_start3A_461 = arith.constant 0 : i32
    %dma_start3A_462 = tpu.memref_slice %arg5[%dma_start3A_453, %dma_start3A_454, %dma_start3A_461] : memref<2x5x128xi32, #tpu.memory_space<vmem>> -> memref<1x1x128xi32, #tpu.memory_space<vmem>>
    %dma_start3A_463 = tpu.memref_squeeze %dma_start3A_462 : memref<1x1x128xi32, #tpu.memory_space<vmem>> -> memref<128xi32, #tpu.memory_space<vmem>>
    %dma_start3A_464 = arith.constant 0 : i32
    %dma_start3A_465 = arith.constant 0 : i32
    %dma_start3A_466 = tpu.memref_slice %arg3[%dma_start3A_464, %dma_start3A_465] : memref<100001x128xf32, #tpu.memory_space<hbm>> -> memref<100001x128xf32, #tpu.memory_space<hbm>>
    %dma_start3A_467 = tpu.memref_slice %arg8[%dma_start3A_456] : memref<5x!tpu.dma_semaphore, #tpu.memory_space<semaphore_mem>> -> memref<1x!tpu.dma_semaphore, #tpu.memory_space<semaphore_mem>>
    %dma_start3A_468 = tpu.memref_squeeze %dma_start3A_467 : memref<1x!tpu.dma_semaphore, #tpu.memory_space<semaphore_mem>> -> memref<!tpu.dma_semaphore, #tpu.memory_space<semaphore_mem>>
    tpu.enqueue_indirect_dma source(%dma_start3A_466 : memref<100001x128xf32, #tpu.memory_space<hbm>>) target(%dma_start3A_460 : memref<128x128xf32, #tpu.memory_space<vmem>>) offsets(%dma_start3A_463 : memref<128xi32, #tpu.memory_space<vmem>>) semaphore(%dma_start3A_468 : memref<!tpu.dma_semaphore, #tpu.memory_space<semaphore_mem>>)
    %dma_wait3A_469 = arith.constant 1 : i32
    %dma_wait3A_470 = arith.constant 0 : i32
    %dma_wait3A_471 = arith.constant 0 : i32
    %dma_wait3A_472 = arith.constant 0 : i32
    %dma_wait3A_473 = arith.constant 0 : i32
    %dma_wait3A_474 = arith.constant 0 : i32
    %dma_wait3A_475 = tpu.memref_slice %arg6[%dma_wait3A_471, %dma_wait3A_473, %dma_wait3A_474] : memref<5x128x128xf32, #tpu.memory_space<vmem>> -> memref<1x128x128xf32, #tpu.memory_space<vmem>>
    %dma_wait3A_476 = tpu.memref_squeeze %dma_wait3A_475 : memref<1x128x128xf32, #tpu.memory_space<vmem>> -> memref<128x128xf32, #tpu.memory_space<vmem>>
    %dma_wait3A_477 = arith.constant 0 : i32
    %dma_wait3A_478 = tpu.memref_slice %arg5[%dma_wait3A_469, %dma_wait3A_470, %dma_wait3A_477] : memref<2x5x128xi32, #tpu.memory_space<vmem>> -> memref<1x1x128xi32, #tpu.memory_space<vmem>>
    %dma_wait3A_479 = tpu.memref_squeeze %dma_wait3A_478 : memref<1x1x128xi32, #tpu.memory_space<vmem>> -> memref<128xi32, #tpu.memory_space<vmem>>
    %dma_wait3A_480 = arith.constant 0 : i32
    %dma_wait3A_481 = arith.constant 0 : i32
    %dma_wait3A_482 = tpu.memref_slice %arg3[%dma_wait3A_480, %dma_wait3A_481] : memref<100001x128xf32, #tpu.memory_space<hbm>> -> memref<100001x128xf32, #tpu.memory_space<hbm>>
    %dma_wait3A_483 = tpu.memref_slice %arg8[%dma_wait3A_472] : memref<5x!tpu.dma_semaphore, #tpu.memory_space<semaphore_mem>> -> memref<1x!tpu.dma_semaphore, #tpu.memory_space<semaphore_mem>>
    %dma_wait3A_484 = tpu.memref_squeeze %dma_wait3A_483 : memref<1x!tpu.dma_semaphore, #tpu.memory_space<semaphore_mem>> -> memref<!tpu.dma_semaphore, #tpu.memory_space<semaphore_mem>>
    tpu.wait_indirect_dma semaphore(%dma_wait3A_484 : memref<!tpu.dma_semaphore, #tpu.memory_space<semaphore_mem>>) src(%dma_wait3A_482 : memref<100001x128xf32, #tpu.memory_space<hbm>>) dst(%dma_wait3A_476 : memref<128x128xf32, #tpu.memory_space<vmem>>)
    %add3A_485 = arith.constant 24960 : i32
    %add3A_486 = arith.addi %mul3A_2, %add3A_485 : i32
    %dma_start3A_487 = arith.constant 0 : i32
    %dma_start3A_488 = arith.constant 0 : i32
    %dma_start3A_489 = arith.constant 0 : i32
    %dma_start3A_490 = arith.constant 0 : i32
    %dma_start3A_491 = tpu.memref_slice %arg6[%dma_start3A_487, %dma_start3A_489, %dma_start3A_490] : memref<5x128x128xf32, #tpu.memory_space<vmem>> -> memref<1x128x128xf32, #tpu.memory_space<vmem>>
    %dma_start3A_492 = tpu.memref_squeeze %dma_start3A_491 : memref<1x128x128xf32, #tpu.memory_space<vmem>> -> memref<128x128xf32, #tpu.memory_space<vmem>>
    %dma_start3A_493 = arith.constant 0 : i32
    %dma_start3A_494 = tpu.memref_slice %arg4[%add3A_486, %dma_start3A_493] : memref<819200x128xf32, #tpu.memory_space<hbm>> -> memref<128x128xf32, #tpu.memory_space<hbm>>
    %dma_start3A_495 = tpu.memref_slice %arg9[%dma_start3A_488] : memref<5x!tpu.dma_semaphore, #tpu.memory_space<semaphore_mem>> -> memref<1x!tpu.dma_semaphore, #tpu.memory_space<semaphore_mem>>
    %dma_start3A_496 = tpu.memref_squeeze %dma_start3A_495 : memref<1x!tpu.dma_semaphore, #tpu.memory_space<semaphore_mem>> -> memref<!tpu.dma_semaphore, #tpu.memory_space<semaphore_mem>>
    %dma_start3A_497 = arith.constant 0 : i32
    %dma_start3A_498 = tpu.memref_slice %arg4[%add3A_486, %dma_start3A_497] : memref<819200x128xf32, #tpu.memory_space<hbm>> -> memref<128x128xf32, #tpu.memory_space<hbm>>
    %dma_start3A_499 = arith.constant 0 : i32
    %dma_start3A_500 = arith.constant 0 : i32
    %dma_start3A_501 = tpu.memref_slice %arg6[%dma_start3A_487, %dma_start3A_499, %dma_start3A_500] : memref<5x128x128xf32, #tpu.memory_space<vmem>> -> memref<1x128x128xf32, #tpu.memory_space<vmem>>
    %dma_start3A_502 = tpu.memref_squeeze %dma_start3A_501 : memref<1x128x128xf32, #tpu.memory_space<vmem>> -> memref<128x128xf32, #tpu.memory_space<vmem>>
    tpu.enqueue_dma source(%dma_start3A_502 : memref<128x128xf32, #tpu.memory_space<vmem>>) target(%dma_start3A_498 : memref<128x128xf32, #tpu.memory_space<hbm>>) target_semaphore(%dma_start3A_496 : memref<!tpu.dma_semaphore, #tpu.memory_space<semaphore_mem>>)
    %dma_wait3A_503 = arith.constant 1 : i32
    %dma_wait3A_504 = arith.constant 1 : i32
    %dma_wait3A_505 = arith.constant 1 : i32
    %dma_wait3A_506 = arith.constant 1 : i32
    %dma_wait3A_507 = arith.constant 0 : i32
    %dma_wait3A_508 = arith.constant 0 : i32
    %dma_wait3A_509 = tpu.memref_slice %arg6[%dma_wait3A_505, %dma_wait3A_507, %dma_wait3A_508] : memref<5x128x128xf32, #tpu.memory_space<vmem>> -> memref<1x128x128xf32, #tpu.memory_space<vmem>>
    %dma_wait3A_510 = tpu.memref_squeeze %dma_wait3A_509 : memref<1x128x128xf32, #tpu.memory_space<vmem>> -> memref<128x128xf32, #tpu.memory_space<vmem>>
    %dma_wait3A_511 = arith.constant 0 : i32
    %dma_wait3A_512 = tpu.memref_slice %arg5[%dma_wait3A_503, %dma_wait3A_504, %dma_wait3A_511] : memref<2x5x128xi32, #tpu.memory_space<vmem>> -> memref<1x1x128xi32, #tpu.memory_space<vmem>>
    %dma_wait3A_513 = tpu.memref_squeeze %dma_wait3A_512 : memref<1x1x128xi32, #tpu.memory_space<vmem>> -> memref<128xi32, #tpu.memory_space<vmem>>
    %dma_wait3A_514 = arith.constant 0 : i32
    %dma_wait3A_515 = arith.constant 0 : i32
    %dma_wait3A_516 = tpu.memref_slice %arg3[%dma_wait3A_514, %dma_wait3A_515] : memref<100001x128xf32, #tpu.memory_space<hbm>> -> memref<100001x128xf32, #tpu.memory_space<hbm>>
    %dma_wait3A_517 = tpu.memref_slice %arg8[%dma_wait3A_506] : memref<5x!tpu.dma_semaphore, #tpu.memory_space<semaphore_mem>> -> memref<1x!tpu.dma_semaphore, #tpu.memory_space<semaphore_mem>>
    %dma_wait3A_518 = tpu.memref_squeeze %dma_wait3A_517 : memref<1x!tpu.dma_semaphore, #tpu.memory_space<semaphore_mem>> -> memref<!tpu.dma_semaphore, #tpu.memory_space<semaphore_mem>>
    tpu.wait_indirect_dma semaphore(%dma_wait3A_518 : memref<!tpu.dma_semaphore, #tpu.memory_space<semaphore_mem>>) src(%dma_wait3A_516 : memref<100001x128xf32, #tpu.memory_space<hbm>>) dst(%dma_wait3A_510 : memref<128x128xf32, #tpu.memory_space<vmem>>)
    %add3A_519 = arith.constant 25088 : i32
    %add3A_520 = arith.addi %mul3A_2, %add3A_519 : i32
    %dma_start3A_521 = arith.constant 1 : i32
    %dma_start3A_522 = arith.constant 1 : i32
    %dma_start3A_523 = arith.constant 0 : i32
    %dma_start3A_524 = arith.constant 0 : i32
    %dma_start3A_525 = tpu.memref_slice %arg6[%dma_start3A_521, %dma_start3A_523, %dma_start3A_524] : memref<5x128x128xf32, #tpu.memory_space<vmem>> -> memref<1x128x128xf32, #tpu.memory_space<vmem>>
    %dma_start3A_526 = tpu.memref_squeeze %dma_start3A_525 : memref<1x128x128xf32, #tpu.memory_space<vmem>> -> memref<128x128xf32, #tpu.memory_space<vmem>>
    %dma_start3A_527 = arith.constant 0 : i32
    %dma_start3A_528 = tpu.memref_slice %arg4[%add3A_520, %dma_start3A_527] : memref<819200x128xf32, #tpu.memory_space<hbm>> -> memref<128x128xf32, #tpu.memory_space<hbm>>
    %dma_start3A_529 = tpu.memref_slice %arg9[%dma_start3A_522] : memref<5x!tpu.dma_semaphore, #tpu.memory_space<semaphore_mem>> -> memref<1x!tpu.dma_semaphore, #tpu.memory_space<semaphore_mem>>
    %dma_start3A_530 = tpu.memref_squeeze %dma_start3A_529 : memref<1x!tpu.dma_semaphore, #tpu.memory_space<semaphore_mem>> -> memref<!tpu.dma_semaphore, #tpu.memory_space<semaphore_mem>>
    %dma_start3A_531 = arith.constant 0 : i32
    %dma_start3A_532 = tpu.memref_slice %arg4[%add3A_520, %dma_start3A_531] : memref<819200x128xf32, #tpu.memory_space<hbm>> -> memref<128x128xf32, #tpu.memory_space<hbm>>
    %dma_start3A_533 = arith.constant 0 : i32
    %dma_start3A_534 = arith.constant 0 : i32
    %dma_start3A_535 = tpu.memref_slice %arg6[%dma_start3A_521, %dma_start3A_533, %dma_start3A_534] : memref<5x128x128xf32, #tpu.memory_space<vmem>> -> memref<1x128x128xf32, #tpu.memory_space<vmem>>
    %dma_start3A_536 = tpu.memref_squeeze %dma_start3A_535 : memref<1x128x128xf32, #tpu.memory_space<vmem>> -> memref<128x128xf32, #tpu.memory_space<vmem>>
    tpu.enqueue_dma source(%dma_start3A_536 : memref<128x128xf32, #tpu.memory_space<vmem>>) target(%dma_start3A_532 : memref<128x128xf32, #tpu.memory_space<hbm>>) target_semaphore(%dma_start3A_530 : memref<!tpu.dma_semaphore, #tpu.memory_space<semaphore_mem>>)
    %dma_wait3A_537 = arith.constant 1 : i32
    %dma_wait3A_538 = arith.constant 2 : i32
    %dma_wait3A_539 = arith.constant 2 : i32
    %dma_wait3A_540 = arith.constant 2 : i32
    %dma_wait3A_541 = arith.constant 0 : i32
    %dma_wait3A_542 = arith.constant 0 : i32
    %dma_wait3A_543 = tpu.memref_slice %arg6[%dma_wait3A_539, %dma_wait3A_541, %dma_wait3A_542] : memref<5x128x128xf32, #tpu.memory_space<vmem>> -> memref<1x128x128xf32, #tpu.memory_space<vmem>>
    %dma_wait3A_544 = tpu.memref_squeeze %dma_wait3A_543 : memref<1x128x128xf32, #tpu.memory_space<vmem>> -> memref<128x128xf32, #tpu.memory_space<vmem>>
    %dma_wait3A_545 = arith.constant 0 : i32
    %dma_wait3A_546 = tpu.memref_slice %arg5[%dma_wait3A_537, %dma_wait3A_538, %dma_wait3A_545] : memref<2x5x128xi32, #tpu.memory_space<vmem>> -> memref<1x1x128xi32, #tpu.memory_space<vmem>>
    %dma_wait3A_547 = tpu.memref_squeeze %dma_wait3A_546 : memref<1x1x128xi32, #tpu.memory_space<vmem>> -> memref<128xi32, #tpu.memory_space<vmem>>
    %dma_wait3A_548 = arith.constant 0 : i32
    %dma_wait3A_549 = arith.constant 0 : i32
    %dma_wait3A_550 = tpu.memref_slice %arg3[%dma_wait3A_548, %dma_wait3A_549] : memref<100001x128xf32, #tpu.memory_space<hbm>> -> memref<100001x128xf32, #tpu.memory_space<hbm>>
    %dma_wait3A_551 = tpu.memref_slice %arg8[%dma_wait3A_540] : memref<5x!tpu.dma_semaphore, #tpu.memory_space<semaphore_mem>> -> memref<1x!tpu.dma_semaphore, #tpu.memory_space<semaphore_mem>>
    %dma_wait3A_552 = tpu.memref_squeeze %dma_wait3A_551 : memref<1x!tpu.dma_semaphore, #tpu.memory_space<semaphore_mem>> -> memref<!tpu.dma_semaphore, #tpu.memory_space<semaphore_mem>>
    tpu.wait_indirect_dma semaphore(%dma_wait3A_552 : memref<!tpu.dma_semaphore, #tpu.memory_space<semaphore_mem>>) src(%dma_wait3A_550 : memref<100001x128xf32, #tpu.memory_space<hbm>>) dst(%dma_wait3A_544 : memref<128x128xf32, #tpu.memory_space<vmem>>)
    %add3A_553 = arith.constant 25216 : i32
    %add3A_554 = arith.addi %mul3A_2, %add3A_553 : i32
    %dma_start3A_555 = arith.constant 2 : i32
    %dma_start3A_556 = arith.constant 2 : i32
    %dma_start3A_557 = arith.constant 0 : i32
    %dma_start3A_558 = arith.constant 0 : i32
    %dma_start3A_559 = tpu.memref_slice %arg6[%dma_start3A_555, %dma_start3A_557, %dma_start3A_558] : memref<5x128x128xf32, #tpu.memory_space<vmem>> -> memref<1x128x128xf32, #tpu.memory_space<vmem>>
    %dma_start3A_560 = tpu.memref_squeeze %dma_start3A_559 : memref<1x128x128xf32, #tpu.memory_space<vmem>> -> memref<128x128xf32, #tpu.memory_space<vmem>>
    %dma_start3A_561 = arith.constant 0 : i32
    %dma_start3A_562 = tpu.memref_slice %arg4[%add3A_554, %dma_start3A_561] : memref<819200x128xf32, #tpu.memory_space<hbm>> -> memref<128x128xf32, #tpu.memory_space<hbm>>
    %dma_start3A_563 = tpu.memref_slice %arg9[%dma_start3A_556] : memref<5x!tpu.dma_semaphore, #tpu.memory_space<semaphore_mem>> -> memref<1x!tpu.dma_semaphore, #tpu.memory_space<semaphore_mem>>
    %dma_start3A_564 = tpu.memref_squeeze %dma_start3A_563 : memref<1x!tpu.dma_semaphore, #tpu.memory_space<semaphore_mem>> -> memref<!tpu.dma_semaphore, #tpu.memory_space<semaphore_mem>>
    %dma_start3A_565 = arith.constant 0 : i32
    %dma_start3A_566 = tpu.memref_slice %arg4[%add3A_554, %dma_start3A_565] : memref<819200x128xf32, #tpu.memory_space<hbm>> -> memref<128x128xf32, #tpu.memory_space<hbm>>
    %dma_start3A_567 = arith.constant 0 : i32
    %dma_start3A_568 = arith.constant 0 : i32
    %dma_start3A_569 = tpu.memref_slice %arg6[%dma_start3A_555, %dma_start3A_567, %dma_start3A_568] : memref<5x128x128xf32, #tpu.memory_space<vmem>> -> memref<1x128x128xf32, #tpu.memory_space<vmem>>
    %dma_start3A_570 = tpu.memref_squeeze %dma_start3A_569 : memref<1x128x128xf32, #tpu.memory_space<vmem>> -> memref<128x128xf32, #tpu.memory_space<vmem>>
    tpu.enqueue_dma source(%dma_start3A_570 : memref<128x128xf32, #tpu.memory_space<vmem>>) target(%dma_start3A_566 : memref<128x128xf32, #tpu.memory_space<hbm>>) target_semaphore(%dma_start3A_564 : memref<!tpu.dma_semaphore, #tpu.memory_space<semaphore_mem>>)
    %dma_wait3A_571 = arith.constant 1 : i32
    %dma_wait3A_572 = arith.constant 3 : i32
    %dma_wait3A_573 = arith.constant 3 : i32
    %dma_wait3A_574 = arith.constant 3 : i32
    %dma_wait3A_575 = arith.constant 0 : i32
    %dma_wait3A_576 = arith.constant 0 : i32
    %dma_wait3A_577 = tpu.memref_slice %arg6[%dma_wait3A_573, %dma_wait3A_575, %dma_wait3A_576] : memref<5x128x128xf32, #tpu.memory_space<vmem>> -> memref<1x128x128xf32, #tpu.memory_space<vmem>>
    %dma_wait3A_578 = tpu.memref_squeeze %dma_wait3A_577 : memref<1x128x128xf32, #tpu.memory_space<vmem>> -> memref<128x128xf32, #tpu.memory_space<vmem>>
    %dma_wait3A_579 = arith.constant 0 : i32
    %dma_wait3A_580 = tpu.memref_slice %arg5[%dma_wait3A_571, %dma_wait3A_572, %dma_wait3A_579] : memref<2x5x128xi32, #tpu.memory_space<vmem>> -> memref<1x1x128xi32, #tpu.memory_space<vmem>>
    %dma_wait3A_581 = tpu.memref_squeeze %dma_wait3A_580 : memref<1x1x128xi32, #tpu.memory_space<vmem>> -> memref<128xi32, #tpu.memory_space<vmem>>
    %dma_wait3A_582 = arith.constant 0 : i32
    %dma_wait3A_583 = arith.constant 0 : i32
    %dma_wait3A_584 = tpu.memref_slice %arg3[%dma_wait3A_582, %dma_wait3A_583] : memref<100001x128xf32, #tpu.memory_space<hbm>> -> memref<100001x128xf32, #tpu.memory_space<hbm>>
    %dma_wait3A_585 = tpu.memref_slice %arg8[%dma_wait3A_574] : memref<5x!tpu.dma_semaphore, #tpu.memory_space<semaphore_mem>> -> memref<1x!tpu.dma_semaphore, #tpu.memory_space<semaphore_mem>>
    %dma_wait3A_586 = tpu.memref_squeeze %dma_wait3A_585 : memref<1x!tpu.dma_semaphore, #tpu.memory_space<semaphore_mem>> -> memref<!tpu.dma_semaphore, #tpu.memory_space<semaphore_mem>>
    tpu.wait_indirect_dma semaphore(%dma_wait3A_586 : memref<!tpu.dma_semaphore, #tpu.memory_space<semaphore_mem>>) src(%dma_wait3A_584 : memref<100001x128xf32, #tpu.memory_space<hbm>>) dst(%dma_wait3A_578 : memref<128x128xf32, #tpu.memory_space<vmem>>)
    %add3A_587 = arith.constant 25344 : i32
    %add3A_588 = arith.addi %mul3A_2, %add3A_587 : i32
    %dma_start3A_589 = arith.constant 3 : i32
    %dma_start3A_590 = arith.constant 3 : i32
    %dma_start3A_591 = arith.constant 0 : i32
    %dma_start3A_592 = arith.constant 0 : i32
    %dma_start3A_593 = tpu.memref_slice %arg6[%dma_start3A_589, %dma_start3A_591, %dma_start3A_592] : memref<5x128x128xf32, #tpu.memory_space<vmem>> -> memref<1x128x128xf32, #tpu.memory_space<vmem>>
    %dma_start3A_594 = tpu.memref_squeeze %dma_start3A_593 : memref<1x128x128xf32, #tpu.memory_space<vmem>> -> memref<128x128xf32, #tpu.memory_space<vmem>>
    %dma_start3A_595 = arith.constant 0 : i32
    %dma_start3A_596 = tpu.memref_slice %arg4[%add3A_588, %dma_start3A_595] : memref<819200x128xf32, #tpu.memory_space<hbm>> -> memref<128x128xf32, #tpu.memory_space<hbm>>
    %dma_start3A_597 = tpu.memref_slice %arg9[%dma_start3A_590] : memref<5x!tpu.dma_semaphore, #tpu.memory_space<semaphore_mem>> -> memref<1x!tpu.dma_semaphore, #tpu.memory_space<semaphore_mem>>
    %dma_start3A_598 = tpu.memref_squeeze %dma_start3A_597 : memref<1x!tpu.dma_semaphore, #tpu.memory_space<semaphore_mem>> -> memref<!tpu.dma_semaphore, #tpu.memory_space<semaphore_mem>>
    %dma_start3A_599 = arith.constant 0 : i32
    %dma_start3A_600 = tpu.memref_slice %arg4[%add3A_588, %dma_start3A_599] : memref<819200x128xf32, #tpu.memory_space<hbm>> -> memref<128x128xf32, #tpu.memory_space<hbm>>
    %dma_start3A_601 = arith.constant 0 : i32
    %dma_start3A_602 = arith.constant 0 : i32
    %dma_start3A_603 = tpu.memref_slice %arg6[%dma_start3A_589, %dma_start3A_601, %dma_start3A_602] : memref<5x128x128xf32, #tpu.memory_space<vmem>> -> memref<1x128x128xf32, #tpu.memory_space<vmem>>
    %dma_start3A_604 = tpu.memref_squeeze %dma_start3A_603 : memref<1x128x128xf32, #tpu.memory_space<vmem>> -> memref<128x128xf32, #tpu.memory_space<vmem>>
    tpu.enqueue_dma source(%dma_start3A_604 : memref<128x128xf32, #tpu.memory_space<vmem>>) target(%dma_start3A_600 : memref<128x128xf32, #tpu.memory_space<hbm>>) target_semaphore(%dma_start3A_598 : memref<!tpu.dma_semaphore, #tpu.memory_space<semaphore_mem>>)
    %dma_wait3A_605 = arith.constant 1 : i32
    %dma_wait3A_606 = arith.constant 4 : i32
    %dma_wait3A_607 = arith.constant 4 : i32
    %dma_wait3A_608 = arith.constant 4 : i32
    %dma_wait3A_609 = arith.constant 0 : i32
    %dma_wait3A_610 = arith.constant 0 : i32
    %dma_wait3A_611 = tpu.memref_slice %arg6[%dma_wait3A_607, %dma_wait3A_609, %dma_wait3A_610] : memref<5x128x128xf32, #tpu.memory_space<vmem>> -> memref<1x128x128xf32, #tpu.memory_space<vmem>>
    %dma_wait3A_612 = tpu.memref_squeeze %dma_wait3A_611 : memref<1x128x128xf32, #tpu.memory_space<vmem>> -> memref<128x128xf32, #tpu.memory_space<vmem>>
    %dma_wait3A_613 = arith.constant 0 : i32
    %dma_wait3A_614 = tpu.memref_slice %arg5[%dma_wait3A_605, %dma_wait3A_606, %dma_wait3A_613] : memref<2x5x128xi32, #tpu.memory_space<vmem>> -> memref<1x1x128xi32, #tpu.memory_space<vmem>>
    %dma_wait3A_615 = tpu.memref_squeeze %dma_wait3A_614 : memref<1x1x128xi32, #tpu.memory_space<vmem>> -> memref<128xi32, #tpu.memory_space<vmem>>
    %dma_wait3A_616 = arith.constant 0 : i32
    %dma_wait3A_617 = arith.constant 0 : i32
    %dma_wait3A_618 = tpu.memref_slice %arg3[%dma_wait3A_616, %dma_wait3A_617] : memref<100001x128xf32, #tpu.memory_space<hbm>> -> memref<100001x128xf32, #tpu.memory_space<hbm>>
    %dma_wait3A_619 = tpu.memref_slice %arg8[%dma_wait3A_608] : memref<5x!tpu.dma_semaphore, #tpu.memory_space<semaphore_mem>> -> memref<1x!tpu.dma_semaphore, #tpu.memory_space<semaphore_mem>>
    %dma_wait3A_620 = tpu.memref_squeeze %dma_wait3A_619 : memref<1x!tpu.dma_semaphore, #tpu.memory_space<semaphore_mem>> -> memref<!tpu.dma_semaphore, #tpu.memory_space<semaphore_mem>>
    tpu.wait_indirect_dma semaphore(%dma_wait3A_620 : memref<!tpu.dma_semaphore, #tpu.memory_space<semaphore_mem>>) src(%dma_wait3A_618 : memref<100001x128xf32, #tpu.memory_space<hbm>>) dst(%dma_wait3A_612 : memref<128x128xf32, #tpu.memory_space<vmem>>)
    %add3A_621 = arith.constant 25472 : i32
    %add3A_622 = arith.addi %mul3A_2, %add3A_621 : i32
    %dma_start3A_623 = arith.constant 4 : i32
    %dma_start3A_624 = arith.constant 4 : i32
    %dma_start3A_625 = arith.constant 0 : i32
    %dma_start3A_626 = arith.constant 0 : i32
    %dma_start3A_627 = tpu.memref_slice %arg6[%dma_start3A_623, %dma_start3A_625, %dma_start3A_626] : memref<5x128x128xf32, #tpu.memory_space<vmem>> -> memref<1x128x128xf32, #tpu.memory_space<vmem>>
    %dma_start3A_628 = tpu.memref_squeeze %dma_start3A_627 : memref<1x128x128xf32, #tpu.memory_space<vmem>> -> memref<128x128xf32, #tpu.memory_space<vmem>>
    %dma_start3A_629 = arith.constant 0 : i32
    %dma_start3A_630 = tpu.memref_slice %arg4[%add3A_622, %dma_start3A_629] : memref<819200x128xf32, #tpu.memory_space<hbm>> -> memref<128x128xf32, #tpu.memory_space<hbm>>
    %dma_start3A_631 = tpu.memref_slice %arg9[%dma_start3A_624] : memref<5x!tpu.dma_semaphore, #tpu.memory_space<semaphore_mem>> -> memref<1x!tpu.dma_semaphore, #tpu.memory_space<semaphore_mem>>
    %dma_start3A_632 = tpu.memref_squeeze %dma_start3A_631 : memref<1x!tpu.dma_semaphore, #tpu.memory_space<semaphore_mem>> -> memref<!tpu.dma_semaphore, #tpu.memory_space<semaphore_mem>>
    %dma_start3A_633 = arith.constant 0 : i32
    %dma_start3A_634 = tpu.memref_slice %arg4[%add3A_622, %dma_start3A_633] : memref<819200x128xf32, #tpu.memory_space<hbm>> -> memref<128x128xf32, #tpu.memory_space<hbm>>
    %dma_start3A_635 = arith.constant 0 : i32
    %dma_start3A_636 = arith.constant 0 : i32
    %dma_start3A_637 = tpu.memref_slice %arg6[%dma_start3A_623, %dma_start3A_635, %dma_start3A_636] : memref<5x128x128xf32, #tpu.memory_space<vmem>> -> memref<1x128x128xf32, #tpu.memory_space<vmem>>
    %dma_start3A_638 = tpu.memref_squeeze %dma_start3A_637 : memref<1x128x128xf32, #tpu.memory_space<vmem>> -> memref<128x128xf32, #tpu.memory_space<vmem>>
    tpu.enqueue_dma source(%dma_start3A_638 : memref<128x128xf32, #tpu.memory_space<vmem>>) target(%dma_start3A_634 : memref<128x128xf32, #tpu.memory_space<hbm>>) target_semaphore(%dma_start3A_632 : memref<!tpu.dma_semaphore, #tpu.memory_space<semaphore_mem>>)
    %add3A_639 = arith.constant 24960 : i32
    %add3A_640 = arith.addi %mul3A_2, %add3A_639 : i32
    %dma_wait3A_641 = arith.constant 0 : i32
    %dma_wait3A_642 = arith.constant 0 : i32
    %dma_wait3A_643 = arith.constant 0 : i32
    %dma_wait3A_644 = arith.constant 0 : i32
    %dma_wait3A_645 = tpu.memref_slice %arg6[%dma_wait3A_641, %dma_wait3A_643, %dma_wait3A_644] : memref<5x128x128xf32, #tpu.memory_space<vmem>> -> memref<1x128x128xf32, #tpu.memory_space<vmem>>
    %dma_wait3A_646 = tpu.memref_squeeze %dma_wait3A_645 : memref<1x128x128xf32, #tpu.memory_space<vmem>> -> memref<128x128xf32, #tpu.memory_space<vmem>>
    %dma_wait3A_647 = arith.constant 0 : i32
    %dma_wait3A_648 = tpu.memref_slice %arg4[%add3A_640, %dma_wait3A_647] : memref<819200x128xf32, #tpu.memory_space<hbm>> -> memref<128x128xf32, #tpu.memory_space<hbm>>
    %dma_wait3A_649 = tpu.memref_slice %arg9[%dma_wait3A_642] : memref<5x!tpu.dma_semaphore, #tpu.memory_space<semaphore_mem>> -> memref<1x!tpu.dma_semaphore, #tpu.memory_space<semaphore_mem>>
    %dma_wait3A_650 = tpu.memref_squeeze %dma_wait3A_649 : memref<1x!tpu.dma_semaphore, #tpu.memory_space<semaphore_mem>> -> memref<!tpu.dma_semaphore, #tpu.memory_space<semaphore_mem>>
    %dma_wait3A_651 = arith.constant 0 : i32
    %dma_wait3A_652 = tpu.memref_slice %arg4[%add3A_640, %dma_wait3A_651] : memref<819200x128xf32, #tpu.memory_space<hbm>> -> memref<128x128xf32, #tpu.memory_space<hbm>>
    %dma_wait3A_653 = arith.constant 0 : i32
    %dma_wait3A_654 = arith.constant 0 : i32
    %dma_wait3A_655 = tpu.memref_slice %arg6[%dma_wait3A_641, %dma_wait3A_653, %dma_wait3A_654] : memref<5x128x128xf32, #tpu.memory_space<vmem>> -> memref<1x128x128xf32, #tpu.memory_space<vmem>>
    %dma_wait3A_656 = tpu.memref_squeeze %dma_wait3A_655 : memref<1x128x128xf32, #tpu.memory_space<vmem>> -> memref<128x128xf32, #tpu.memory_space<vmem>>
    tpu.wait_dma2 semaphore(%dma_wait3A_650 : memref<!tpu.dma_semaphore, #tpu.memory_space<semaphore_mem>>) src(%dma_wait3A_656 : memref<128x128xf32, #tpu.memory_space<vmem>>) dst(%dma_wait3A_652 : memref<128x128xf32, #tpu.memory_space<hbm>>)
    %add3A_657 = arith.constant 25088 : i32
    %add3A_658 = arith.addi %mul3A_2, %add3A_657 : i32
    %dma_wait3A_659 = arith.constant 1 : i32
    %dma_wait3A_660 = arith.constant 1 : i32
    %dma_wait3A_661 = arith.constant 0 : i32
    %dma_wait3A_662 = arith.constant 0 : i32
    %dma_wait3A_663 = tpu.memref_slice %arg6[%dma_wait3A_659, %dma_wait3A_661, %dma_wait3A_662] : memref<5x128x128xf32, #tpu.memory_space<vmem>> -> memref<1x128x128xf32, #tpu.memory_space<vmem>>
    %dma_wait3A_664 = tpu.memref_squeeze %dma_wait3A_663 : memref<1x128x128xf32, #tpu.memory_space<vmem>> -> memref<128x128xf32, #tpu.memory_space<vmem>>
    %dma_wait3A_665 = arith.constant 0 : i32
    %dma_wait3A_666 = tpu.memref_slice %arg4[%add3A_658, %dma_wait3A_665] : memref<819200x128xf32, #tpu.memory_space<hbm>> -> memref<128x128xf32, #tpu.memory_space<hbm>>
    %dma_wait3A_667 = tpu.memref_slice %arg9[%dma_wait3A_660] : memref<5x!tpu.dma_semaphore, #tpu.memory_space<semaphore_mem>> -> memref<1x!tpu.dma_semaphore, #tpu.memory_space<semaphore_mem>>
    %dma_wait3A_668 = tpu.memref_squeeze %dma_wait3A_667 : memref<1x!tpu.dma_semaphore, #tpu.memory_space<semaphore_mem>> -> memref<!tpu.dma_semaphore, #tpu.memory_space<semaphore_mem>>
    %dma_wait3A_669 = arith.constant 0 : i32
    %dma_wait3A_670 = tpu.memref_slice %arg4[%add3A_658, %dma_wait3A_669] : memref<819200x128xf32, #tpu.memory_space<hbm>> -> memref<128x128xf32, #tpu.memory_space<hbm>>
    %dma_wait3A_671 = arith.constant 0 : i32
    %dma_wait3A_672 = arith.constant 0 : i32
    %dma_wait3A_673 = tpu.memref_slice %arg6[%dma_wait3A_659, %dma_wait3A_671, %dma_wait3A_672] : memref<5x128x128xf32, #tpu.memory_space<vmem>> -> memref<1x128x128xf32, #tpu.memory_space<vmem>>
    %dma_wait3A_674 = tpu.memref_squeeze %dma_wait3A_673 : memref<1x128x128xf32, #tpu.memory_space<vmem>> -> memref<128x128xf32, #tpu.memory_space<vmem>>
    tpu.wait_dma2 semaphore(%dma_wait3A_668 : memref<!tpu.dma_semaphore, #tpu.memory_space<semaphore_mem>>) src(%dma_wait3A_674 : memref<128x128xf32, #tpu.memory_space<vmem>>) dst(%dma_wait3A_670 : memref<128x128xf32, #tpu.memory_space<hbm>>)
    %add3A_675 = arith.constant 25216 : i32
    %add3A_676 = arith.addi %mul3A_2, %add3A_675 : i32
    %dma_wait3A_677 = arith.constant 2 : i32
    %dma_wait3A_678 = arith.constant 2 : i32
    %dma_wait3A_679 = arith.constant 0 : i32
    %dma_wait3A_680 = arith.constant 0 : i32
    %dma_wait3A_681 = tpu.memref_slice %arg6[%dma_wait3A_677, %dma_wait3A_679, %dma_wait3A_680] : memref<5x128x128xf32, #tpu.memory_space<vmem>> -> memref<1x128x128xf32, #tpu.memory_space<vmem>>
    %dma_wait3A_682 = tpu.memref_squeeze %dma_wait3A_681 : memref<1x128x128xf32, #tpu.memory_space<vmem>> -> memref<128x128xf32, #tpu.memory_space<vmem>>
    %dma_wait3A_683 = arith.constant 0 : i32
    %dma_wait3A_684 = tpu.memref_slice %arg4[%add3A_676, %dma_wait3A_683] : memref<819200x128xf32, #tpu.memory_space<hbm>> -> memref<128x128xf32, #tpu.memory_space<hbm>>
    %dma_wait3A_685 = tpu.memref_slice %arg9[%dma_wait3A_678] : memref<5x!tpu.dma_semaphore, #tpu.memory_space<semaphore_mem>> -> memref<1x!tpu.dma_semaphore, #tpu.memory_space<semaphore_mem>>
    %dma_wait3A_686 = tpu.memref_squeeze %dma_wait3A_685 : memref<1x!tpu.dma_semaphore, #tpu.memory_space<semaphore_mem>> -> memref<!tpu.dma_semaphore, #tpu.memory_space<semaphore_mem>>
    %dma_wait3A_687 = arith.constant 0 : i32
    %dma_wait3A_688 = tpu.memref_slice %arg4[%add3A_676, %dma_wait3A_687] : memref<819200x128xf32, #tpu.memory_space<hbm>> -> memref<128x128xf32, #tpu.memory_space<hbm>>
    %dma_wait3A_689 = arith.constant 0 : i32
    %dma_wait3A_690 = arith.constant 0 : i32
    %dma_wait3A_691 = tpu.memref_slice %arg6[%dma_wait3A_677, %dma_wait3A_689, %dma_wait3A_690] : memref<5x128x128xf32, #tpu.memory_space<vmem>> -> memref<1x128x128xf32, #tpu.memory_space<vmem>>
    %dma_wait3A_692 = tpu.memref_squeeze %dma_wait3A_691 : memref<1x128x128xf32, #tpu.memory_space<vmem>> -> memref<128x128xf32, #tpu.memory_space<vmem>>
    tpu.wait_dma2 semaphore(%dma_wait3A_686 : memref<!tpu.dma_semaphore, #tpu.memory_space<semaphore_mem>>) src(%dma_wait3A_692 : memref<128x128xf32, #tpu.memory_space<vmem>>) dst(%dma_wait3A_688 : memref<128x128xf32, #tpu.memory_space<hbm>>)
    %add3A_693 = arith.constant 25344 : i32
    %add3A_694 = arith.addi %mul3A_2, %add3A_693 : i32
    %dma_wait3A_695 = arith.constant 3 : i32
    %dma_wait3A_696 = arith.constant 3 : i32
    %dma_wait3A_697 = arith.constant 0 : i32
    %dma_wait3A_698 = arith.constant 0 : i32
    %dma_wait3A_699 = tpu.memref_slice %arg6[%dma_wait3A_695, %dma_wait3A_697, %dma_wait3A_698] : memref<5x128x128xf32, #tpu.memory_space<vmem>> -> memref<1x128x128xf32, #tpu.memory_space<vmem>>
    %dma_wait3A_700 = tpu.memref_squeeze %dma_wait3A_699 : memref<1x128x128xf32, #tpu.memory_space<vmem>> -> memref<128x128xf32, #tpu.memory_space<vmem>>
    %dma_wait3A_701 = arith.constant 0 : i32
    %dma_wait3A_702 = tpu.memref_slice %arg4[%add3A_694, %dma_wait3A_701] : memref<819200x128xf32, #tpu.memory_space<hbm>> -> memref<128x128xf32, #tpu.memory_space<hbm>>
    %dma_wait3A_703 = tpu.memref_slice %arg9[%dma_wait3A_696] : memref<5x!tpu.dma_semaphore, #tpu.memory_space<semaphore_mem>> -> memref<1x!tpu.dma_semaphore, #tpu.memory_space<semaphore_mem>>
    %dma_wait3A_704 = tpu.memref_squeeze %dma_wait3A_703 : memref<1x!tpu.dma_semaphore, #tpu.memory_space<semaphore_mem>> -> memref<!tpu.dma_semaphore, #tpu.memory_space<semaphore_mem>>
    %dma_wait3A_705 = arith.constant 0 : i32
    %dma_wait3A_706 = tpu.memref_slice %arg4[%add3A_694, %dma_wait3A_705] : memref<819200x128xf32, #tpu.memory_space<hbm>> -> memref<128x128xf32, #tpu.memory_space<hbm>>
    %dma_wait3A_707 = arith.constant 0 : i32
    %dma_wait3A_708 = arith.constant 0 : i32
    %dma_wait3A_709 = tpu.memref_slice %arg6[%dma_wait3A_695, %dma_wait3A_707, %dma_wait3A_708] : memref<5x128x128xf32, #tpu.memory_space<vmem>> -> memref<1x128x128xf32, #tpu.memory_space<vmem>>
    %dma_wait3A_710 = tpu.memref_squeeze %dma_wait3A_709 : memref<1x128x128xf32, #tpu.memory_space<vmem>> -> memref<128x128xf32, #tpu.memory_space<vmem>>
    tpu.wait_dma2 semaphore(%dma_wait3A_704 : memref<!tpu.dma_semaphore, #tpu.memory_space<semaphore_mem>>) src(%dma_wait3A_710 : memref<128x128xf32, #tpu.memory_space<vmem>>) dst(%dma_wait3A_706 : memref<128x128xf32, #tpu.memory_space<hbm>>)
    %add3A_711 = arith.constant 25472 : i32
    %add3A_712 = arith.addi %mul3A_2, %add3A_711 : i32
    %dma_wait3A_713 = arith.constant 4 : i32
    %dma_wait3A_714 = arith.constant 4 : i32
    %dma_wait3A_715 = arith.constant 0 : i32
    %dma_wait3A_716 = arith.constant 0 : i32
    %dma_wait3A_717 = tpu.memref_slice %arg6[%dma_wait3A_713, %dma_wait3A_715, %dma_wait3A_716] : memref<5x128x128xf32, #tpu.memory_space<vmem>> -> memref<1x128x128xf32, #tpu.memory_space<vmem>>
    %dma_wait3A_718 = tpu.memref_squeeze %dma_wait3A_717 : memref<1x128x128xf32, #tpu.memory_space<vmem>> -> memref<128x128xf32, #tpu.memory_space<vmem>>
    %dma_wait3A_719 = arith.constant 0 : i32
    %dma_wait3A_720 = tpu.memref_slice %arg4[%add3A_712, %dma_wait3A_719] : memref<819200x128xf32, #tpu.memory_space<hbm>> -> memref<128x128xf32, #tpu.memory_space<hbm>>
    %dma_wait3A_721 = tpu.memref_slice %arg9[%dma_wait3A_714] : memref<5x!tpu.dma_semaphore, #tpu.memory_space<semaphore_mem>> -> memref<1x!tpu.dma_semaphore, #tpu.memory_space<semaphore_mem>>
    %dma_wait3A_722 = tpu.memref_squeeze %dma_wait3A_721 : memref<1x!tpu.dma_semaphore, #tpu.memory_space<semaphore_mem>> -> memref<!tpu.dma_semaphore, #tpu.memory_space<semaphore_mem>>
    %dma_wait3A_723 = arith.constant 0 : i32
    %dma_wait3A_724 = tpu.memref_slice %arg4[%add3A_712, %dma_wait3A_723] : memref<819200x128xf32, #tpu.memory_space<hbm>> -> memref<128x128xf32, #tpu.memory_space<hbm>>
    %dma_wait3A_725 = arith.constant 0 : i32
    %dma_wait3A_726 = arith.constant 0 : i32
    %dma_wait3A_727 = tpu.memref_slice %arg6[%dma_wait3A_713, %dma_wait3A_725, %dma_wait3A_726] : memref<5x128x128xf32, #tpu.memory_space<vmem>> -> memref<1x128x128xf32, #tpu.memory_space<vmem>>
    %dma_wait3A_728 = tpu.memref_squeeze %dma_wait3A_727 : memref<1x128x128xf32, #tpu.memory_space<vmem>> -> memref<128x128xf32, #tpu.memory_space<vmem>>
    tpu.wait_dma2 semaphore(%dma_wait3A_722 : memref<!tpu.dma_semaphore, #tpu.memory_space<semaphore_mem>>) src(%dma_wait3A_728 : memref<128x128xf32, #tpu.memory_space<vmem>>) dst(%dma_wait3A_724 : memref<128x128xf32, #tpu.memory_space<hbm>>)
    return
  }
}

</mosaic_0001>

<sc_bundles>
// kernel: kernel.3.cloned.1.call-start
scs
__scs_entry_jumppad:
0x0: {  	(pc) =	sbr.rel $0x88, $3  }
0x1: {  	(tag) =	ssettag $0x0;
	lr =	simm.s32 $0x1  }
0x2: {  	[smem:$0x3F9F] =	sst lr;
	_ =	strace $0xD0000000  }
0x3: {  	_ = 	snop  }
0x4: {  	_ = 	snop  }
0x5: {  	_ = 	snop  }
0x6: {  	_ = 	snop  }
0x7: {  	_ = 	snop  }
__scs_overlays_trampoline_lowered:
0x8: {  	[smem:$0x3FAE] =	sst s0  }
0x9: {  	[smem:$0x3FAF] =	sst s1  }
0xa: {  	[smem:$0x3FB0] =	sst s2  }
0xb: {  	[smem:$0x3FB1] =	sst s3  }
0xc: {  	[smem:$0x3FB2] =	sst s4  }
0xd: {  	[smem:$0x3FB3] =	sst s5  }
0xe: {  	[smem:$0x3FB4] =	sst s6  }
0xf: {  	[smem:$0x3FB5] =	sst s7  }
0x10: {  	[smem:$0x3FB6] =	sst s8  }
0x11: {  	[smem:$0x3FB7] =	sst s9;
	s0 =	simm.s32 @!p0 $0x0  }
0x12: {  	s1 =	sld [smem:$0x3F9D];
	s0 =	simm.s32 @p0 $0x1  }
0x13: {  	[smem:$0x3FB8] =	sst s0;
	s0 =	simm.s32 @!p1 $0x0  }
0x14: {  	s2 =	sld [smem:$0x3F9C];
	s0 =	simm.s32 @p1 $0x1  }
0x15: {  	[smem:$0x3FB9] =	sst s0;
	s0 =	simm.s32 @!p2 $0x0  }
0x16: {  	s3 =	sld [smem:$0x3FDB];
	s0 =	simm.s32 @p2 $0x1  }
0x17: {  	s4 =	simm.s32 $0x1BF5;
	[smem:$0x3FBB] =	sst s0  }
0x18: {  	s0 =	sld [smem:$0x3F9E];
	_ =	swait.ge [sflag:s4], $0x0  }
0x19: {  	s7 =	sld [smem:$0x3F9F]  }
0x1a: {  	s8 =	sadd.s32 $0xFFFFE003, lr  }
0x1b: {  	s9 =	sadd.s32 $0xFFFFFEF7, lr;
	s5 =	simm.s32 $0xFFFFFFFF;
	p2 =	slt.u32 s8, $0xFFFFF086  }
0x1c: {  	p1 =	slt.u32 s9, $0xF7A;
	s5 =	simm.s32 @!p2 $0x0  }
0x1d: {  	s5 =	simm.s32 @p1 $0x1;
	p0 =	seq.s32 s7, s2  }
0x1e: {  	s7 =	smul.u32 @!p0 $0xF7A, s2;
	p2 =	seq.s32 @!p0 s5, $0x0  }
0x1f: {  	s9 =	smul.u32 $0xF7A, s1;
	s8 =	simm.s32 @!p0 $0x1BF5;
	p2 =	por !p2, p0  }
0x20: {  	[sflag:s8] =	ssyncset.s32 @!p0 $0xFFFFF086;
	s6 =	sadd.s32 @!p0 s3, s7;
	s7 =	simm.s32 @!p0 $0x108  }
0x21: {  	s3 =	sadd.s32 s3, s9;
	s6 =	sadd.s32 @!p0 $0x88, s6;
	s7 =	simm.s32 @p2 $0x1082  }
0x22: {  	[simem:s7], [sflag:s8] =	dma.local @!p0 [hbm:s6], $0xF7A  }
0x23: {  	s9 =	sor.u32 $0xD0000000, s2;
	s6 =	simm.s32 $0x108;
	_ =	swait.ge @!p0 [sflag:s8], $0x0  }
0x24: {  	s3 =	sadd.s32 $0x88, s3;
	s6 =	simm.s32 @!p1 $0x1082;
	[sflag:s4] =	ssyncset.s32 $0xFFFFF086  }
0x25: {  	[simem:s6], [sflag:s4] =	dma.local [hbm:s3], $0xF7A  }
0x26: {  	[smem:$0x3F9F] =	sst s1;
	(tag) =	ssettag s2;
	_ =	strace s9  }
0x27: {  	s1 =	sld [smem:$0x3FAF]  }
0x28: {  	s2 =	sld [smem:$0x3FB0]  }
0x29: {  	s4 =	sld [smem:$0x3FB2]  }
0x2a: {  	p0 =	seq.s32 s5, $0x0;
	s5 =	sld [smem:$0x3FB3]  }
0x2b: {  	s6 =	sld [smem:$0x3FB4]  }
0x2c: {  	s7 =	sld [smem:$0x3FB5]  }
0x2d: {  	s3 =	simm.s32 $0x108;
	s8 =	sld [smem:$0x3FB6]  }
0x2e: {  	s3 =	simm.s32 @!p0 $0x1082;
	s9 =	sld [smem:$0x3FB7]  }
0x2f: {  	lr =	sadd.s32 s0, s3;
	s0 =	sld [smem:$0x3FAE]  }
0x30: {  	s3 =	sld [smem:$0x3FB1]  }
0x31: {  	[smem:$0x3FBA] =	sst s10  }
0x32: {  	s10 =	sld [smem:$0x3FB8];
	_ =	sdelay $0x3  }
0x33: {  	p0 =	seq.s32 s10, $0x1;
	s10 =	sld [smem:$0x3FBA];
	_ =	sdelay $0x3  }
0x34: {  	[smem:$0x3FBA] =	sst s10  }
0x35: {  	s10 =	sld [smem:$0x3FB9];
	_ =	sdelay $0x3  }
0x36: {  	p1 =	seq.s32 s10, $0x1;
	s10 =	sld [smem:$0x3FBA];
	_ =	sdelay $0x3  }
0x37: {  	[smem:$0x3FBA] =	sst s10  }
0x38: {  	s10 =	sld [smem:$0x3FBB]  }
0x39: {  	_ = 	snop;
	(pc) =	sbr.ind lr, $3  }
0x3a: {  	_ = 	snop  }
0x3b: {  	_ = 	snop  }
0x3c: {  	p2 =	seq.s32 s10, $0x1;
	s10 =	sld [smem:$0x3FBA]  }
0x3d: {  	_ =	shalt  }
0x3e: {  	_ =	shalt  }
0x3f: {  	_ =	shalt  }
0x40: {  	_ =	shalt  }
0x41: {  	_ =	shalt  }
0x42: {  	_ =	shalt  }
0x43: {  	_ =	shalt  }
0x44: {  	_ =	shalt  }
0x45: {  	_ =	shalt  }
0x46: {  	_ =	shalt  }
0x47: {  	_ =	shalt  }
0x48: {  	_ =	shalt  }
0x49: {  	_ =	shalt  }
0x4a: {  	_ =	shalt  }
0x4b: {  	_ =	shalt  }
0x4c: {  	_ =	shalt  }
0x4d: {  	_ =	shalt  }
0x4e: {  	_ =	shalt  }
0x4f: {  	_ =	shalt  }
0x50: {  	_ =	shalt  }
0x51: {  	_ =	shalt  }
0x52: {  	_ =	shalt  }
0x53: {  	_ =	shalt  }
0x54: {  	_ =	shalt  }
0x55: {  	_ =	shalt  }
0x56: {  	_ =	shalt  }
0x57: {  	_ =	shalt  }
0x58: {  	_ =	shalt  }
0x59: {  	_ =	shalt  }
0x5a: {  	_ =	shalt  }
0x5b: {  	_ =	shalt  }
0x5c: {  	_ =	shalt  }
0x5d: {  	_ =	shalt  }
0x5e: {  	_ =	shalt  }
0x5f: {  	_ =	shalt  }
0x60: {  	_ =	shalt  }
0x61: {  	_ =	shalt  }
0x62: {  	_ =	shalt  }
0x63: {  	_ =	shalt  }
0x64: {  	_ =	shalt  }
0x65: {  	_ =	shalt  }
0x66: {  	_ =	shalt  }
0x67: {  	_ =	shalt  }
0x68: {  	_ =	shalt  }
0x69: {  	_ =	shalt  }
0x6a: {  	_ =	shalt  }
0x6b: {  	_ =	shalt  }
0x6c: {  	_ =	shalt  }
0x6d: {  	_ =	shalt  }
0x6e: {  	_ =	shalt  }
0x6f: {  	_ =	shalt  }
0x70: {  	_ =	shalt  }
0x71: {  	_ =	shalt  }
0x72: {  	_ =	shalt  }
0x73: {  	_ =	shalt  }
0x74: {  	_ =	shalt  }
0x75: {  	_ =	shalt  }
0x76: {  	_ =	shalt  }
0x77: {  	_ =	shalt  }
0x78: {  	_ =	shalt  }
0x79: {  	_ =	shalt  }
0x7a: {  	_ =	shalt  }
0x7b: {  	_ =	shalt  }
0x7c: {  	_ =	shalt  }
0x7d: {  	_ =	shalt  }
0x7e: {  	_ =	shalt  }
0x7f: {  	_ =	shalt  }
0x80: {  	_ =	shalt  }
0x81: {  	_ =	shalt  }
0x82: {  	_ =	shalt  }
0x83: {  	_ =	shalt  }
0x84: {  	_ =	shalt  }
0x85: {  	_ =	shalt  }
0x86: {  	_ =	shalt  }
0x87: {  	_ =	shalt  }
.Lfunc_end0:
.L_simem_size_0:
called_computation_lowered:
.L_overlay_start_0:
0x88: {  	s2 =	sld [smem:$0x3FD9]  }
0x89: {  	s3 =	sld [smem:$0x3FFE];
	_ =	sdelay $0x1  }
0x8a: {  	s1 =	srdreg.scid  }
0x8b: {  	s0 =	sand.u32 $0x1, s1  }
0x8c: {  	s17 =	sshll.u32 s0, $0xA;
	s2 =	sadd.s32 s3, s2  }
0x8d: {  	s2 =	sadd.s32 s2, s17  }
0x8e: {  	[smem:$0x3FC6] =	sst s2  }
0x8f: {  	_ = 	snop  }
0x90: {  	s2 =	sld [smem:$0x3FC8]  }
0x91: {  	s18 =	sld [smem:$0x3FD0];
	(tm) =	ssettm $0x1  }
0x92: {  	s4 =	sld [smem:$0x3FFB];
	_ =	sdelay $0x3  }
0x93: {  	_ =	strace s4  }
0x94: {  	s4 =	sld [smem:$0x3FFC];
	_ =	sdelay $0x3  }
0x95: {  	_ =	strace s4  }
0x96: {  	s4 =	sld [smem:$0x3FFD];
	_ =	sdelay $0x3  }
0x97: {  	_ =	strace s4  }
0x98: {  	_ =	strace $0x8FFFFFFF  }
0x99: {  	s19 =	sld [smem:$0x3FDB];
	_ =	sdelay $0x1  }
0x9a: {  	s5 =	simm.s32 $_scs_section_size  }
0x9b: {  	s6 =	simm.s32 $_size__tile_overlayer_lowered;
	s7 =	simm.s32 $_tile_overlayer_lowered  }
0x9c: {  	s22 =	simm.s32 $0x1BFF;
	s21 =	sshll.u32 s7, $0x1;
	s4 =	sadd.s32 s5, s19  }
0x9d: {  	s8 =	simm.s32 $0x0;
	s20 =	sshll.u32 s6, $0x1;
	s6 =	sadd.s32 s21, s4  }
0x9e: {  	[timem:s8], [sflag:s22] =	dma.local [hbm:s6], s20  }
0x9f: {  	_ =	swait.ge [sflag:s22], s20  }
0xa0: {  	s5 =	ssub.s32 $0x0, s20;
	[sflag:s22] =	ssyncset.done $0x0  }
0xa1: {  	[sflag:s22] =	ssyncadd.s32 s5;
	_ =	sdelay $0x1  }
0xa2: {  	s23 =	simm.s32 $0x1B8B  }
0xa3: {  	_ =	swait.ge [sflag:s23], $0x1  }
0xa4: {  	[sflag:s23] =	ssyncset.done $0x0  }
0xa5: {  	s25 =	simm.s32 $0x1B8E;
	s24 =	sld [smem:$0x3FFE];
	[sflag:s23] =	ssyncadd.s32 $0xFFFFFFFF  }
0xa6: {  	s26 =	simm.s32 $execute0_lowered;
	[smem:$0x3FD2] =	sst s25  }
0xa7: {  	s6 =	sshll.u32 s26, $0x1;
	_ =	strace $0x80000046;
	[dreg:$0x1] =	wrdreg $0xFFFFFFFF  }
0xa8: {  	s28 =	simm.s32 $_size_execute0_lowered;
	s4 =	sadd.s32 s4, s6;
	[dreg:$0x0] =	wrdreg $0x0  }
0xa9: {  	s6 =	sshll.u32 s28, $0x1;
	[dreg:$0x2] =	wrdreg s4  }
0xaa: {  	[dreg:$0x3] =	wrdreg s6  }
0xab: {  	[dreg:$0x4] =	wrdreg $0xC0  }
0xac: {  	_ =	task [dreg:s8], $0x5FFFF  }
0xad: {  	[dreg:$0x1] =	wrdreg $0xFFFFFFFF  }
0xae: {  	[dreg:$0x0] =	wrdreg $0x60  }
0xaf: {  	[dreg:$0x2] =	wrdreg s24  }
0xb0: {  	[dreg:$0x3] =	wrdreg s2  }
0xb1: {  	[dreg:$0x4] =	wrdreg s18  }
0xb2: {  	[dreg:$0x5] =	wrdreg $0x9  }
0xb3: {  	_ =	task.clear_ibuf [dreg:s8], $0x6FFFF;
	_ =	strace $0x90000046  }
0xb4: {  	s29 =	simm.s32 $0x9;
	_ =	strace $0x80000048  }
0xb5: {  	_ =	swait.ge [sflag:s29], $0x1  }
0xb6: {  	[sflag:s29] =	ssyncadd.s32 $0xFFFFFFFF  }
0xb7: {  	_ =	strace $0x90000048  }
0xb8: {  	_ =	sfence  }
0xb9: {  	s30 =	sld [smem:$0x0];
	_ =	sdelay $0x2  }
0xba: {  	s31 =	sshll.u32 s1, $0xD;
	s1 =	sshrl.u32 s1, $0x2  }
0xbb: {  	s3 =	sand.u32 $0x4000, s31;
	s1 =	sadd.s32 s1, s30  }
0xbc: {  	s0 =	sor.u32 s3, s0;
	s1 =	sshll.u32 s1, $0x11  }
0xbd: {  	s0 =	sor.u32 s1, s0  }
0xbe: {  	s0 =	sadd.s32 $0x8F2B, s0  }
0xbf: {  	[sflag:s0] =	ssyncadd.remote.s32 $0x1  }
0xc0: {  	_ =	sfence.sel $0xFFFF  }
0xc1: {  	[dreg:$0x0] =	wrdreg $0xFFFFFFFF;
	(pc) =	sbr.abs _section_cstart, $3  }
0xc2: {  	[dreg:$0x1] =	wrdreg $0xFFFFFFFF  }
0xc3: {  	_ =	task.clear_ibuf [dreg:s8], $0x2FFFF;
	_ =	strace $0x9FFFFFFF  }
0xc4: {  	(tm) =	ssettm $0x7FFFFFFF  }
0xc5: {  	_ =	shalt  }
tec
execute0_lowered:
.L_overlay_start_1:
0x0: {  	(tag) =	ssettag $0x1  }
0x1: {  	s0 =	rddreg [dreg:$0x0];
	s1 =	srdreg.scid  }
0x2: {  	s9 =	stileid.u32;
	s2 =	rddreg [dreg:$0x1]  }
0x3: {  	s4 =	rddreg [dreg:$0x2];
	s29 =	simm.s32 $0x100;
	s28 =	simm.s32 $0xC800  }
0x4: {  	s30 =	simm.s32 $0x10800;
	s31 =	simm.s32 $0x2;
	s11 =	simm.s32 $0x500  }
0x5: {  	s12 =	simm.s32 $0x7;
	s1 =	sand.u32 $0x1, s1;
	s17 =	smul.u32 $0x14000, s9  }
0x6: {  	s3 =	sshll.u32 s9, $0x1;
	s0 =	sadd.s32 $0x400, s0;
	s24 =	smul.u32 $0xC8000, s9  }
0x7: {  	s9 =	simm.s32 $0x6;
	s5 =	sor.u32 s1, s3;
	s7 =	ssub.s32 $0x2, s1  }
0x8: {  	s3 =	simm.s32 $0x0;
	s6 =	smul.u32 $0xA000, s5;
	s8 =	sshrl.u32 s7, $0x1  }
0x9: {  	[smem:$0x7FF] =	sst s3;
	s5 =	smul.u32 $0x320000, s5;
	s7 =	ssub.s32 s7, s8  }
0xa: {  	_ =	strace $0x80000047;
	s6 =	sshrl.u32 s6, $0x3;
	s7 =	smax.u32 s7, $0x1  }
0xb: {  	s5 =	sshrl.u32 s5, $0x3;
	s6 =	sadd.s32 s0, s6;
	[dreg:$0x11] =	wrdreg s7  }
0xc: {  	s5 =	sadd.s32 s4, s5;
	[dreg:$0x5] =	wrdreg s6;
	s6 =	sadd.s32 $0x80, s6  }
0xd: {  	s20 =	smul.u32 $0xA000, s1;
	s13 =	sadd.s32 $0x5F000, s5;
	[dreg:$0x6] =	wrdreg s6  }
0xe: {  	s1 =	smul.u32 $0x64000, s1;
	s14 =	sadd.s32 $0x5F800, s5;
	[dreg:$0x7] =	wrdreg s13  }
0xf: {  	s23 =	sadd.s32 s20, s17;
	s15 =	sadd.s32 $0x60000, s5;
	[dreg:$0x8] =	wrdreg s14  }
0x10: {  	s20 =	simm.s32 $0x400;
	s16 =	sadd.s32 $0x60800, s5;
	[dreg:$0x9] =	wrdreg s15  }
0x11: {  	s8 =	simm.s32 $0x200;
	s18 =	sadd.s32 $0x61000, s5;
	[dreg:$0xa] =	wrdreg s16  }
0x12: {  	s25 =	sor.u32 $0xC00, s23;
	s19 =	sadd.s32 $0x61800, s5;
	[dreg:$0xb] =	wrdreg s18  }
0x13: {  	s7 =	sshrl.u32 s25, $0x3;
	s10 =	sadd.s32 $0x62000, s5;
	[dreg:$0xc] =	wrdreg s19  }
0x14: {  	s4 =	sadd.s32 s24, s4;
	s21 =	sadd.s32 $0x62800, s5;
	[dreg:$0xd] =	wrdreg s10  }
0x15: {  	s25 =	simm.s32 $0x8800;
	s22 =	sadd.s32 $0x63000, s5;
	[dreg:$0xe] =	wrdreg s21  }
0x16: {  	s5 =	sadd.s32 $0x63800, s5;
	s26 =	sadd.s32 s7, s0;
	[dreg:$0xf] =	wrdreg s22  }
0x17: {  	s1 =	sadd.s32 s1, s4;
	s7 =	simm.s32 $0x9;
	[dreg:$0x10] =	wrdreg s5  }
0x18: {  	s4 =	simm.s32 $0x600;
	s5 =	sor.u32 $0x800, s23;
	[dreg:$0x12] =	wrdreg s26  }
0x19: {  	[dreg:$0x4] =	wrdreg s1;
	s21 =	simm.s32 $0x80;
	s22 =	simm.s32 $0x800  }
0x1a: {  	s23 =	simm.s32 $0x4800;
	s26 =	simm.s32 $0x180;
	s1 =	simm.s32 $0x3  }
0x1b: {  	s6 =	simm.s32 $0x5;
	s10 =	simm.s32 $0xA;
	s13 =	simm.s32 $0xB  }
0x1c: {  	s14 =	simm.s32 $0x580;
	s15 =	simm.s32 $0xC;
	s5 =	sshrl.u32 s5, $0x3  }
0x1d: {  	s16 =	simm.s32 $0x1;
	s18 =	simm.s32 $0x0;
	s0 =	sadd.s32 s5, s0  }
0x1e: {  	s5 =	simm.s32 $0x8;
	[dreg:$0x13] =	wrdreg s0;
	s0 =	simm.s32 $0x4  }
.LBB2_1:
0x1f: {  	[dreg:$0x14] =	wrdreg s18  }
0x20: {  	s17 =	rddreg [dreg:$0x5];
	s19 =	simm.s32 $0xD  }
0x21: {  	[tilespmem:s3], [sflag:$0xD] =	stream.linear.gather [hbm4b:s17+s3], $0x280, $0x38;
	[tilespmem:$0x14800] =	vst v63  }
0x22: {  	_ =	swait.ge [sflag:s19], $0x280  }
0x23: {  	[sflag:s19] =	ssyncset.done $0x0  }
0x24: {  	s24 =	rddreg [dreg:$0x6];
	[sflag:s19] =	ssyncadd.s32 $0xFFFFFD80  }
0x25: {  	[tilespmem:s20], [sflag:$0x2] =	stream.linear.gather [hbm4b:s24+s3], $0x280, $0x38;
	[tilespmem:$0x14800] =	vst v63  }
0x26: {  	_ = 	snop  }
0x27: {  	[tilespmem:s22], [sflag:$0x3] =	stream.indirect.gather [hbm4b:s2+s21], $0x80, s3, s21, $0xb8;
	[tilespmem:$0x14800] =	vst v63  }
0x28: {  	_ = 	snop  }
0x29: {  	[tilespmem:s23], [sflag:$0x4] =	stream.indirect.gather [hbm4b:s2+s21], $0x80, s21, s21, $0xb8;
	[tilespmem:$0x14800] =	vst v63  }
0x2a: {  	_ = 	snop  }
0x2b: {  	[tilespmem:s25], [sflag:$0x5] =	stream.indirect.gather [hbm4b:s2+s21], $0x80, s29, s21, $0xb8;
	[tilespmem:$0x14800] =	vst v63  }
0x2c: {  	_ = 	snop  }
0x2d: {  	[tilespmem:s28], [sflag:$0x6] =	stream.indirect.gather [hbm4b:s2+s21], $0x80, s26, s21, $0xb8;
	[tilespmem:$0x14800] =	vst v63  }
0x2e: {  	_ = 	snop  }
0x2f: {  	[tilespmem:s30], [sflag:$0x7] =	stream.indirect.gather [hbm4b:s2+s21], $0x80, s8, s21, $0xb8;
	[tilespmem:$0x14800] =	vst v63  }
0x30: {  	_ =	swait.ge [sflag:s31], $0x280  }
0x31: {  	[sflag:s31] =	ssyncset.done $0x0  }
0x32: {  	[sflag:s31] =	ssyncadd.s32 $0xFFFFFD80  }
0x33: {  	_ =	swait.ge [sflag:s1], $0x4000  }
0x34: {  	s18 =	rddreg [dreg:$0x4];
	[sflag:s1] =	ssyncset.done $0x0  }
0x35: {  	[sflag:s1] =	ssyncadd.s32 $0xFFFFC000;
	s17 =	sadd.s32 $0x0, s18  }
0x36: {  	[hbm4b:s17+s3] =	stream.linear.scatter [tilespmem:s22], [sflag:$0x8], $0x4000, $0x38;
	[tilespmem:$0x14800] =	vst v63  }
0x37: {  	_ =	swait.ge [sflag:s0], $0x4000  }
0x38: {  	[sflag:s0] =	ssyncset.done $0x0  }
0x39: {  	s19 =	sadd.s32 $0x800, s17;
	[sflag:s0] =	ssyncadd.s32 $0xFFFFC000  }
0x3a: {  	[hbm4b:s19+s3] =	stream.linear.scatter [tilespmem:s23], [sflag:$0x9], $0x4000, $0x38;
	[tilespmem:$0x14800] =	vst v63  }
0x3b: {  	_ =	swait.ge [sflag:s5], $0x4000  }
0x3c: {  	[sflag:s5] =	ssyncset.done $0x0  }
0x3d: {  	[sflag:s5] =	ssyncadd.s32 $0xFFFFC000  }
0x3e: {  	[tilespmem:s22], [sflag:$0x3] =	stream.indirect.gather [hbm4b:s2+s21], $0x80, s20, s21, $0xb8;
	[tilespmem:$0x14800] =	vst v63  }
0x3f: {  	_ =	swait.ge [sflag:s6], $0x4000  }
0x40: {  	[sflag:s6] =	ssyncset.done $0x0  }
0x41: {  	s24 =	sadd.s32 $0x1000, s17;
	[sflag:s6] =	ssyncadd.s32 $0xFFFFC000  }
0x42: {  	[hbm4b:s24+s3] =	stream.linear.scatter [tilespmem:s25], [sflag:$0xA], $0x4000, $0x38;
	[tilespmem:$0x14800] =	vst v63  }
0x43: {  	_ =	swait.ge [sflag:s7], $0x4000  }
0x44: {  	[sflag:s7] =	ssyncset.done $0x0  }
0x45: {  	s19 =	simm.s32 $0x480;
	[sflag:s7] =	ssyncadd.s32 $0xFFFFC000  }
0x46: {  	[tilespmem:s23], [sflag:$0x4] =	stream.indirect.gather [hbm4b:s2+s21], $0x80, s19, s21, $0xb8;
	[tilespmem:$0x14800] =	vst v63  }
0x47: {  	_ =	swait.ge [sflag:s9], $0x4000  }
0x48: {  	[sflag:s9] =	ssyncset.done $0x0  }
0x49: {  	s24 =	sadd.s32 $0x1800, s17;
	[sflag:s9] =	ssyncadd.s32 $0xFFFFC000  }
0x4a: {  	[hbm4b:s24+s3] =	stream.linear.scatter [tilespmem:s28], [sflag:$0xB], $0x4000, $0x38;
	[tilespmem:$0x14800] =	vst v63  }
0x4b: {  	_ =	swait.ge [sflag:s10], $0x4000  }
0x4c: {  	[sflag:s10] =	ssyncset.done $0x0  }
0x4d: {  	[sflag:s10] =	ssyncadd.s32 $0xFFFFC000  }
0x4e: {  	[tilespmem:s25], [sflag:$0x5] =	stream.indirect.gather [hbm4b:s2+s21], $0x80, s11, s21, $0xb8;
	[tilespmem:$0x14800] =	vst v63  }
0x4f: {  	_ =	swait.ge [sflag:s12], $0x4000  }
0x50: {  	[sflag:s12] =	ssyncset.done $0x0  }
0x51: {  	s19 =	sadd.s32 $0x2000, s17;
	[sflag:s12] =	ssyncadd.s32 $0xFFFFC000  }
0x52: {  	[hbm4b:s19+s3] =	stream.linear.scatter [tilespmem:s30], [sflag:$0xC], $0x4000, $0x38;
	[tilespmem:$0x14800] =	vst v63  }
0x53: {  	_ =	swait.ge [sflag:s13], $0x4000  }
0x54: {  	[sflag:s13] =	ssyncset.done $0x0  }
0x55: {  	[sflag:s13] =	ssyncadd.s32 $0xFFFFC000  }
0x56: {  	[tilespmem:s28], [sflag:$0x6] =	stream.indirect.gather [hbm4b:s2+s21], $0x80, s14, s21, $0xb8;
	[tilespmem:$0x14800] =	vst v63  }
0x57: {  	_ =	swait.ge [sflag:s15], $0x4000  }
0x58: {  	[sflag:s15] =	ssyncset.done $0x0  }
0x59: {  	[sflag:s15] =	ssyncadd.s32 $0xFFFFC000  }
0x5a: {  	[tilespmem:s30], [sflag:$0x7] =	stream.indirect.gather [hbm4b:s2+s21], $0x80, s4, s21, $0xb8;
	[tilespmem:$0x14800] =	vst v63  }
0x5b: {  	s19 =	rddreg [dreg:$0x13]  }
0x5c: {  	[tilespmem:s3], [sflag:$0x1] =	stream.linear.gather [hbm4b:s19+s3], $0x280, $0x38;
	[tilespmem:$0x14800] =	vst v63  }
0x5d: {  	_ =	swait.ge [sflag:s16], $0x280  }
0x5e: {  	[sflag:s16] =	ssyncset.done $0x0  }
0x5f: {  	[sflag:s16] =	ssyncadd.s32 $0xFFFFFD80  }
0x60: {  	_ =	swait.ge [sflag:s1], $0x4000  }
0x61: {  	[sflag:s1] =	ssyncset.done $0x0  }
0x62: {  	s24 =	sadd.s32 $0x2800, s17;
	[sflag:s1] =	ssyncadd.s32 $0xFFFFC000  }
0x63: {  	[hbm4b:s24+s3] =	stream.linear.scatter [tilespmem:s22], [sflag:$0x8], $0x4000, $0x38;
	[tilespmem:$0x14800] =	vst v63  }
0x64: {  	_ =	swait.ge [sflag:s0], $0x4000  }
0x65: {  	[sflag:s0] =	ssyncset.done $0x0  }
0x66: {  	s24 =	sadd.s32 $0x3000, s17;
	[sflag:s0] =	ssyncadd.s32 $0xFFFFC000  }
0x67: {  	[hbm4b:s24+s3] =	stream.linear.scatter [tilespmem:s23], [sflag:$0x9], $0x4000, $0x38;
	[tilespmem:$0x14800] =	vst v63  }
0x68: {  	_ =	swait.ge [sflag:s5], $0x4000  }
0x69: {  	[sflag:s5] =	ssyncset.done $0x0  }
0x6a: {  	[sflag:s5] =	ssyncadd.s32 $0xFFFFC000  }
0x6b: {  	[tilespmem:s22], [sflag:$0x3] =	stream.indirect.gather [hbm4b:s2+s21], $0x80, s3, s21, $0xb8;
	[tilespmem:$0x14800] =	vst v63  }
0x6c: {  	_ =	swait.ge [sflag:s6], $0x4000  }
0x6d: {  	[sflag:s6] =	ssyncset.done $0x0  }
0x6e: {  	s24 =	sadd.s32 $0x3800, s17;
	[sflag:s6] =	ssyncadd.s32 $0xFFFFC000  }
0x6f: {  	[hbm4b:s24+s3] =	stream.linear.scatter [tilespmem:s25], [sflag:$0xA], $0x4000, $0x38;
	[tilespmem:$0x14800] =	vst v63  }
0x70: {  	_ =	swait.ge [sflag:s7], $0x4000  }
0x71: {  	[sflag:s7] =	ssyncset.done $0x0  }
0x72: {  	[sflag:s7] =	ssyncadd.s32 $0xFFFFC000  }
0x73: {  	[tilespmem:s23], [sflag:$0x4] =	stream.indirect.gather [hbm4b:s2+s21], $0x80, s21, s21, $0xb8;
	[tilespmem:$0x14800] =	vst v63  }
0x74: {  	_ =	swait.ge [sflag:s9], $0x4000  }
0x75: {  	[sflag:s9] =	ssyncset.done $0x0  }
0x76: {  	s24 =	sadd.s32 $0x4000, s17;
	[sflag:s9] =	ssyncadd.s32 $0xFFFFC000  }
0x77: {  	[hbm4b:s24+s3] =	stream.linear.scatter [tilespmem:s28], [sflag:$0xB], $0x4000, $0x38;
	[tilespmem:$0x14800] =	vst v63  }
0x78: {  	_ =	swait.ge [sflag:s10], $0x4000  }
0x79: {  	[sflag:s10] =	ssyncset.done $0x0  }
0x7a: {  	[sflag:s10] =	ssyncadd.s32 $0xFFFFC000  }
0x7b: {  	[tilespmem:s25], [sflag:$0x5] =	stream.indirect.gather [hbm4b:s2+s21], $0x80, s29, s21, $0xb8;
	[tilespmem:$0x14800] =	vst v63  }
0x7c: {  	_ =	swait.ge [sflag:s12], $0x4000  }
0x7d: {  	[sflag:s12] =	ssyncset.done $0x0  }
0x7e: {  	s17 =	sadd.s32 $0x4800, s17;
	[sflag:s12] =	ssyncadd.s32 $0xFFFFC000  }
0x7f: {  	[hbm4b:s17+s3] =	stream.linear.scatter [tilespmem:s30], [sflag:$0xC], $0x4000, $0x38;
	[tilespmem:$0x14800] =	vst v63  }
0x80: {  	_ =	swait.ge [sflag:s13], $0x4000  }
0x81: {  	[sflag:s13] =	ssyncset.done $0x0  }
0x82: {  	[sflag:s13] =	ssyncadd.s32 $0xFFFFC000  }
0x83: {  	[tilespmem:s28], [sflag:$0x6] =	stream.indirect.gather [hbm4b:s2+s21], $0x80, s26, s21, $0xb8;
	[tilespmem:$0x14800] =	vst v63  }
0x84: {  	_ =	swait.ge [sflag:s15], $0x4000  }
0x85: {  	[sflag:s15] =	ssyncset.done $0x0  }
0x86: {  	s18 =	simm.s32 $0x5000;
	s24 =	rddreg [dreg:$0x12];
	[sflag:s15] =	ssyncadd.s32 $0xFFFFC000  }
0x87: {  	[tilespmem:s30], [sflag:$0x7] =	stream.indirect.gather [hbm4b:s2+s21], $0x80, s8, s21, $0xb8;
	[tilespmem:$0x14800] =	vst v63  }
0x88: {  	s19 =	sadd.s32 $0x100, s19;
	s17 =	sadd.s32 $0x100, s24;
	s8 =	simm.s32 $0x200  }
.LBB2_2:
0x89: {  	[tilespmem:s20], [sflag:$0x2] =	stream.linear.gather [hbm4b:s24+s3], $0x280, $0x38;
	[tilespmem:$0x14800] =	vst v63  }
0x8a: {  	_ =	swait.ge [sflag:s31], $0x280  }
0x8b: {  	[sflag:s31] =	ssyncset.done $0x0  }
0x8c: {  	[sflag:s31] =	ssyncadd.s32 $0xFFFFFD80  }
0x8d: {  	_ =	swait.ge [sflag:s1], $0x4000  }
0x8e: {  	s26 =	smov.u32 s18;
	s29 =	rddreg [dreg:$0x4];
	[sflag:s1] =	ssyncset.done $0x0  }
0x8f: {  	[sflag:s1] =	ssyncadd.s32 $0xFFFFC000;
	s26 =	sadd.s32 s26, s29  }
0x90: {  	[hbm4b:s26+s3] =	stream.linear.scatter [tilespmem:s22], [sflag:$0x8], $0x4000, $0x38;
	[tilespmem:$0x14800] =	vst v63  }
0x91: {  	_ =	swait.ge [sflag:s0], $0x4000  }
0x92: {  	[sflag:s0] =	ssyncset.done $0x0  }
0x93: {  	s29 =	sadd.s32 $0x800, s26;
	[sflag:s0] =	ssyncadd.s32 $0xFFFFC000  }
0x94: {  	[hbm4b:s29+s3] =	stream.linear.scatter [tilespmem:s23], [sflag:$0x9], $0x4000, $0x38;
	[tilespmem:$0x14800] =	vst v63  }
0x95: {  	_ =	swait.ge [sflag:s5], $0x4000  }
0x96: {  	[sflag:s5] =	ssyncset.done $0x0  }
0x97: {  	[sflag:s5] =	ssyncadd.s32 $0xFFFFC000  }
0x98: {  	[tilespmem:s22], [sflag:$0x3] =	stream.indirect.gather [hbm4b:s2+s21], $0x80, s20, s21, $0xb8;
	[tilespmem:$0x14800] =	vst v63  }
0x99: {  	_ =	swait.ge [sflag:s6], $0x4000  }
0x9a: {  	[sflag:s6] =	ssyncset.done $0x0  }
0x9b: {  	s29 =	sadd.s32 $0x1000, s26;
	[sflag:s6] =	ssyncadd.s32 $0xFFFFC000  }
0x9c: {  	[hbm4b:s29+s3] =	stream.linear.scatter [tilespmem:s25], [sflag:$0xA], $0x4000, $0x38;
	[tilespmem:$0x14800] =	vst v63  }
0x9d: {  	_ =	swait.ge [sflag:s7], $0x4000  }
0x9e: {  	[sflag:s7] =	ssyncset.done $0x0  }
0x9f: {  	s29 =	simm.s32 $0x480;
	[sflag:s7] =	ssyncadd.s32 $0xFFFFC000  }
0xa0: {  	[tilespmem:s23], [sflag:$0x4] =	stream.indirect.gather [hbm4b:s2+s21], $0x80, s29, s21, $0xb8;
	[tilespmem:$0x14800] =	vst v63  }
0xa1: {  	_ =	swait.ge [sflag:s9], $0x4000  }
0xa2: {  	[sflag:s9] =	ssyncset.done $0x0  }
0xa3: {  	s29 =	sadd.s32 $0x1800, s26;
	[sflag:s9] =	ssyncadd.s32 $0xFFFFC000  }
0xa4: {  	[hbm4b:s29+s3] =	stream.linear.scatter [tilespmem:s28], [sflag:$0xB], $0x4000, $0x38;
	[tilespmem:$0x14800] =	vst v63  }
0xa5: {  	_ =	swait.ge [sflag:s10], $0x4000  }
0xa6: {  	[sflag:s10] =	ssyncset.done $0x0  }
0xa7: {  	[sflag:s10] =	ssyncadd.s32 $0xFFFFC000  }
0xa8: {  	[tilespmem:s25], [sflag:$0x5] =	stream.indirect.gather [hbm4b:s2+s21], $0x80, s11, s21, $0xb8;
	[tilespmem:$0x14800] =	vst v63  }
0xa9: {  	_ =	swait.ge [sflag:s12], $0x4000  }
0xaa: {  	[sflag:s12] =	ssyncset.done $0x0  }
0xab: {  	s29 =	sadd.s32 $0x2000, s26;
	[sflag:s12] =	ssyncadd.s32 $0xFFFFC000  }
0xac: {  	[hbm4b:s29+s3] =	stream.linear.scatter [tilespmem:s30], [sflag:$0xC], $0x4000, $0x38;
	[tilespmem:$0x14800] =	vst v63  }
0xad: {  	_ =	swait.ge [sflag:s13], $0x4000  }
0xae: {  	[sflag:s13] =	ssyncset.done $0x0  }
0xaf: {  	[sflag:s13] =	ssyncadd.s32 $0xFFFFC000  }
0xb0: {  	[tilespmem:s28], [sflag:$0x6] =	stream.indirect.gather [hbm4b:s2+s21], $0x80, s14, s21, $0xb8;
	[tilespmem:$0x14800] =	vst v63  }
0xb1: {  	_ =	swait.ge [sflag:s15], $0x4000  }
0xb2: {  	[sflag:s15] =	ssyncset.done $0x0  }
0xb3: {  	[sflag:s15] =	ssyncadd.s32 $0xFFFFC000  }
0xb4: {  	[tilespmem:s30], [sflag:$0x7] =	stream.indirect.gather [hbm4b:s2+s21], $0x80, s4, s21, $0xb8;
	[tilespmem:$0x14800] =	vst v63  }
0xb5: {  	_ = 	snop  }
0xb6: {  	[tilespmem:s3], [sflag:$0x1] =	stream.linear.gather [hbm4b:s19+s3], $0x280, $0x38;
	[tilespmem:$0x14800] =	vst v63  }
0xb7: {  	_ =	swait.ge [sflag:s16], $0x280  }
0xb8: {  	[sflag:s16] =	ssyncset.done $0x0  }
0xb9: {  	[sflag:s16] =	ssyncadd.s32 $0xFFFFFD80  }
0xba: {  	_ =	swait.ge [sflag:s1], $0x4000  }
0xbb: {  	[sflag:s1] =	ssyncset.done $0x0  }
0xbc: {  	s29 =	sadd.s32 $0x2800, s26;
	[sflag:s1] =	ssyncadd.s32 $0xFFFFC000  }
0xbd: {  	[hbm4b:s29+s3] =	stream.linear.scatter [tilespmem:s22], [sflag:$0x8], $0x4000, $0x38;
	[tilespmem:$0x14800] =	vst v63  }
0xbe: {  	_ =	swait.ge [sflag:s0], $0x4000  }
0xbf: {  	[sflag:s0] =	ssyncset.done $0x0  }
0xc0: {  	s29 =	sadd.s32 $0x3000, s26;
	[sflag:s0] =	ssyncadd.s32 $0xFFFFC000  }
0xc1: {  	[hbm4b:s29+s3] =	stream.linear.scatter [tilespmem:s23], [sflag:$0x9], $0x4000, $0x38;
	[tilespmem:$0x14800] =	vst v63  }
0xc2: {  	_ =	swait.ge [sflag:s5], $0x4000  }
0xc3: {  	[sflag:s5] =	ssyncset.done $0x0  }
0xc4: {  	[sflag:s5] =	ssyncadd.s32 $0xFFFFC000  }
0xc5: {  	[tilespmem:s22], [sflag:$0x3] =	stream.indirect.gather [hbm4b:s2+s21], $0x80, s3, s21, $0xb8;
	[tilespmem:$0x14800] =	vst v63  }
0xc6: {  	_ =	swait.ge [sflag:s6], $0x4000  }
0xc7: {  	[sflag:s6] =	ssyncset.done $0x0  }
0xc8: {  	s29 =	sadd.s32 $0x3800, s26;
	[sflag:s6] =	ssyncadd.s32 $0xFFFFC000  }
0xc9: {  	[hbm4b:s29+s3] =	stream.linear.scatter [tilespmem:s25], [sflag:$0xA], $0x4000, $0x38;
	[tilespmem:$0x14800] =	vst v63  }
0xca: {  	_ =	swait.ge [sflag:s7], $0x4000  }
0xcb: {  	[sflag:s7] =	ssyncset.done $0x0  }
0xcc: {  	[sflag:s7] =	ssyncadd.s32 $0xFFFFC000  }
0xcd: {  	[tilespmem:s23], [sflag:$0x4] =	stream.indirect.gather [hbm4b:s2+s21], $0x80, s21, s21, $0xb8;
	[tilespmem:$0x14800] =	vst v63  }
0xce: {  	_ =	swait.ge [sflag:s9], $0x4000  }
0xcf: {  	[sflag:s9] =	ssyncset.done $0x0  }
0xd0: {  	s29 =	sadd.s32 $0x4000, s26;
	[sflag:s9] =	ssyncadd.s32 $0xFFFFC000  }
0xd1: {  	[hbm4b:s29+s3] =	stream.linear.scatter [tilespmem:s28], [sflag:$0xB], $0x4000, $0x38;
	[tilespmem:$0x14800] =	vst v63  }
0xd2: {  	_ =	swait.ge [sflag:s10], $0x4000  }
0xd3: {  	[sflag:s10] =	ssyncset.done $0x0  }
0xd4: {  	s29 =	simm.s32 $0x100;
	[sflag:s10] =	ssyncadd.s32 $0xFFFFC000  }
0xd5: {  	[tilespmem:s25], [sflag:$0x5] =	stream.indirect.gather [hbm4b:s2+s21], $0x80, s29, s21, $0xb8;
	[tilespmem:$0x14800] =	vst v63  }
0xd6: {  	_ =	swait.ge [sflag:s12], $0x4000  }
0xd7: {  	[sflag:s12] =	ssyncset.done $0x0  }
0xd8: {  	s26 =	sadd.s32 $0x4800, s26;
	[sflag:s12] =	ssyncadd.s32 $0xFFFFC000  }
0xd9: {  	[hbm4b:s26+s3] =	stream.linear.scatter [tilespmem:s30], [sflag:$0xC], $0x4000, $0x38;
	[tilespmem:$0x14800] =	vst v63  }
0xda: {  	_ =	swait.ge [sflag:s13], $0x4000  }
0xdb: {  	[sflag:s13] =	ssyncset.done $0x0  }
0xdc: {  	p0 =	sne.s32 s18, $0x5A000;
	s26 =	simm.s32 $0x180;
	[sflag:s13] =	ssyncadd.s32 $0xFFFFC000  }
0xdd: {  	[tilespmem:s28], [sflag:$0x6] =	stream.indirect.gather [hbm4b:s2+s21], $0x80, s26, s21, $0xb8;
	[tilespmem:$0x14800] =	vst v63  }
.Ltmp0:
0xde: {  	_ = 	snop;
	(pc) =	sbr.rel @p0 .LBB2_2-.Ltmp0, $4  }
0xdf: {  	_ =	swait.ge [sflag:s15], $0x4000  }
0xe0: {  	s24 =	smov.u32 s17;
	s18 =	sadd.s32 $0x5000, s18;
	[sflag:s15] =	ssyncset.done $0x0  }
0xe1: {  	s17 =	sadd.s32 $0x100, s17;
	s19 =	sadd.s32 $0x100, s19;
	[sflag:s15] =	ssyncadd.s32 $0xFFFFC000  }
0xe2: {  	[tilespmem:s30], [sflag:$0x7] =	stream.indirect.gather [hbm4b:s2+s21], $0x80, s8, s21, $0xb8;
	[tilespmem:$0x14800] =	vst v63  }
0xe3: {  	[tilespmem:s20], [sflag:$0x2] =	stream.linear.gather [hbm4b:s24+s3], $0x280, $0x38;
	[tilespmem:$0x14800] =	vst v63  }
0xe4: {  	_ =	swait.ge [sflag:s31], $0x280  }
0xe5: {  	[sflag:s31] =	ssyncset.done $0x0  }
0xe6: {  	[sflag:s31] =	ssyncadd.s32 $0xFFFFFD80  }
0xe7: {  	_ =	swait.ge [sflag:s1], $0x4000  }
0xe8: {  	[sflag:s1] =	ssyncset.done $0x0  }
0xe9: {  	s17 =	rddreg [dreg:$0x7];
	[sflag:s1] =	ssyncadd.s32 $0xFFFFC000  }
0xea: {  	[hbm4b:s17+s3] =	stream.linear.scatter [tilespmem:s22], [sflag:$0x8], $0x4000, $0x38;
	[tilespmem:$0x14800] =	vst v63  }
0xeb: {  	_ =	swait.ge [sflag:s0], $0x4000  }
0xec: {  	[sflag:s0] =	ssyncset.done $0x0  }
0xed: {  	s19 =	rddreg [dreg:$0x8];
	[sflag:s0] =	ssyncadd.s32 $0xFFFFC000  }
0xee: {  	[hbm4b:s19+s3] =	stream.linear.scatter [tilespmem:s23], [sflag:$0x9], $0x4000, $0x38;
	[tilespmem:$0x14800] =	vst v63  }
0xef: {  	_ =	swait.ge [sflag:s5], $0x4000  }
0xf0: {  	[sflag:s5] =	ssyncset.done $0x0  }
0xf1: {  	[sflag:s5] =	ssyncadd.s32 $0xFFFFC000  }
0xf2: {  	[tilespmem:s22], [sflag:$0x3] =	stream.indirect.gather [hbm4b:s2+s21], $0x80, s20, s21, $0xb8;
	[tilespmem:$0x14800] =	vst v63  }
0xf3: {  	_ =	swait.ge [sflag:s6], $0x4000  }
0xf4: {  	[sflag:s6] =	ssyncset.done $0x0  }
0xf5: {  	s24 =	rddreg [dreg:$0x9];
	[sflag:s6] =	ssyncadd.s32 $0xFFFFC000  }
0xf6: {  	[hbm4b:s24+s3] =	stream.linear.scatter [tilespmem:s25], [sflag:$0xA], $0x4000, $0x38;
	[tilespmem:$0x14800] =	vst v63  }
0xf7: {  	_ =	swait.ge [sflag:s7], $0x4000  }
0xf8: {  	[sflag:s7] =	ssyncset.done $0x0  }
0xf9: {  	s8 =	simm.s32 $0x480;
	[sflag:s7] =	ssyncadd.s32 $0xFFFFC000  }
0xfa: {  	[tilespmem:s23], [sflag:$0x4] =	stream.indirect.gather [hbm4b:s2+s21], $0x80, s8, s21, $0xb8;
	[tilespmem:$0x14800] =	vst v63  }
0xfb: {  	_ =	swait.ge [sflag:s9], $0x4000  }
0xfc: {  	[sflag:s9] =	ssyncset.done $0x0  }
0xfd: {  	s8 =	rddreg [dreg:$0xa];
	[sflag:s9] =	ssyncadd.s32 $0xFFFFC000  }
0xfe: {  	[hbm4b:s8+s3] =	stream.linear.scatter [tilespmem:s28], [sflag:$0xB], $0x4000, $0x38;
	[tilespmem:$0x14800] =	vst v63  }
0xff: {  	_ =	swait.ge [sflag:s10], $0x4000  }
0x100: {  	[sflag:s10] =	ssyncset.done $0x0  }
0x101: {  	[sflag:s10] =	ssyncadd.s32 $0xFFFFC000  }
0x102: {  	[tilespmem:s25], [sflag:$0x5] =	stream.indirect.gather [hbm4b:s2+s21], $0x80, s11, s21, $0xb8;
	[tilespmem:$0x14800] =	vst v63  }
0x103: {  	_ =	swait.ge [sflag:s12], $0x4000  }
0x104: {  	[sflag:s12] =	ssyncset.done $0x0  }
0x105: {  	s18 =	rddreg [dreg:$0xb];
	[sflag:s12] =	ssyncadd.s32 $0xFFFFC000  }
0x106: {  	[hbm4b:s18+s3] =	stream.linear.scatter [tilespmem:s30], [sflag:$0xC], $0x4000, $0x38;
	[tilespmem:$0x14800] =	vst v63  }
0x107: {  	_ =	swait.ge [sflag:s13], $0x4000  }
0x108: {  	[sflag:s13] =	ssyncset.done $0x0  }
0x109: {  	[sflag:s13] =	ssyncadd.s32 $0xFFFFC000  }
0x10a: {  	[tilespmem:s28], [sflag:$0x6] =	stream.indirect.gather [hbm4b:s2+s21], $0x80, s14, s21, $0xb8;
	[tilespmem:$0x14800] =	vst v63  }
0x10b: {  	_ =	swait.ge [sflag:s15], $0x4000  }
0x10c: {  	[sflag:s15] =	ssyncset.done $0x0  }
0x10d: {  	[sflag:s15] =	ssyncadd.s32 $0xFFFFC000  }
0x10e: {  	[tilespmem:s30], [sflag:$0x7] =	stream.indirect.gather [hbm4b:s2+s21], $0x80, s4, s21, $0xb8;
	[tilespmem:$0x14800] =	vst v63  }
0x10f: {  	_ =	swait.ge [sflag:s1], $0x4000  }
0x110: {  	[sflag:s1] =	ssyncset.done $0x0  }
0x111: {  	s19 =	rddreg [dreg:$0xc];
	[sflag:s1] =	ssyncadd.s32 $0xFFFFC000  }
0x112: {  	[hbm4b:s19+s3] =	stream.linear.scatter [tilespmem:s22], [sflag:$0x8], $0x4000, $0x38;
	[tilespmem:$0x14800] =	vst v63  }
0x113: {  	_ =	swait.ge [sflag:s0], $0x4000  }
0x114: {  	[sflag:s0] =	ssyncset.done $0x0  }
0x115: {  	s24 =	rddreg [dreg:$0xd];
	[sflag:s0] =	ssyncadd.s32 $0xFFFFC000  }
0x116: {  	[hbm4b:s24+s3] =	stream.linear.scatter [tilespmem:s23], [sflag:$0x9], $0x4000, $0x38;
	[tilespmem:$0x14800] =	vst v63  }
0x117: {  	_ =	swait.ge [sflag:s6], $0x4000  }
0x118: {  	[sflag:s6] =	ssyncset.done $0x0  }
0x119: {  	s8 =	rddreg [dreg:$0xe];
	[sflag:s6] =	ssyncadd.s32 $0xFFFFC000  }
0x11a: {  	[hbm4b:s8+s3] =	stream.linear.scatter [tilespmem:s25], [sflag:$0xA], $0x4000, $0x38;
	[tilespmem:$0x14800] =	vst v63  }
0x11b: {  	_ =	swait.ge [sflag:s9], $0x4000  }
0x11c: {  	[sflag:s9] =	ssyncset.done $0x0  }
0x11d: {  	s18 =	rddreg [dreg:$0xf];
	[sflag:s9] =	ssyncadd.s32 $0xFFFFC000  }
0x11e: {  	[hbm4b:s18+s3] =	stream.linear.scatter [tilespmem:s28], [sflag:$0xB], $0x4000, $0x38;
	[tilespmem:$0x14800] =	vst v63  }
0x11f: {  	_ =	swait.ge [sflag:s12], $0x4000  }
0x120: {  	[sflag:s12] =	ssyncset.done $0x0  }
0x121: {  	s19 =	rddreg [dreg:$0x10];
	[sflag:s12] =	ssyncadd.s32 $0xFFFFC000  }
0x122: {  	[hbm4b:s19+s3] =	stream.linear.scatter [tilespmem:s30], [sflag:$0xC], $0x4000, $0x38;
	[tilespmem:$0x14800] =	vst v63  }
0x123: {  	_ =	swait.ge [sflag:s5], $0x4000  }
0x124: {  	[sflag:s5] =	ssyncset.done $0x0  }
0x125: {  	[sflag:s5] =	ssyncadd.s32 $0xFFFFC000  }
0x126: {  	_ =	swait.ge [sflag:s7], $0x4000  }
0x127: {  	[sflag:s7] =	ssyncset.done $0x0  }
0x128: {  	[sflag:s7] =	ssyncadd.s32 $0xFFFFC000  }
0x129: {  	_ =	swait.ge [sflag:s10], $0x4000  }
0x12a: {  	[sflag:s10] =	ssyncset.done $0x0  }
0x12b: {  	[sflag:s10] =	ssyncadd.s32 $0xFFFFC000  }
0x12c: {  	_ =	swait.ge [sflag:s13], $0x4000  }
0x12d: {  	[sflag:s13] =	ssyncset.done $0x0  }
0x12e: {  	[sflag:s13] =	ssyncadd.s32 $0xFFFFC000  }
0x12f: {  	_ =	swait.ge [sflag:s15], $0x4000  }
0x130: {  	s18 =	rddreg [dreg:$0x14]  }
0x131: {  	s24 =	rddreg [dreg:$0x11];
	s18 =	sadd.s32 $0x1, s18  }
0x132: {  	p0 =	sne.s32 s18, s24  }
.Ltmp1:
0x133: {  	_ = 	snop;
	(pc) =	sbr.rel @p0 .LBB2_1-.Ltmp1, $3  }
0x134: {  	_ =	sdelay $0x1  }
0x135: {  	[sflag:s15] =	ssyncset.done $0x0  }
0x136: {  	s8 =	simm.s32 $0x200;
	[sflag:s15] =	ssyncadd.s32 $0xFFFFC000  }
0x137: {  	_ =	sfence.sel $0x180000  }
0x138: {  	[bflag:$0x0] =	sbarrier.arrive $0xFFFF  }
0x139: {  	_ =	strace $0x90000047  }
0x13a: {  	s0 =	stileid.u32;
	[bflag:$0x2] =	sbarrier.arrive $0xFFFF  }
0x13b: {  	p0 =	sne.s32 s0, $0x0;
	s0 =	rddreg [dreg:$0x3]  }
0x13c: {  	s0 =	sadd.s32 @!p0 $0x100000, s0  }
0x13d: {  	[sflag:s0] =	ssyncadd.tile.s32 @!p0 $0x1;
	_ =	shalt  }
.Lfunc_end2:
_tile_overlayer_lowered:
.L_overlay_start_2:
0x13e: {  	(tag) =	ssettag $0x2  }
0x13f: {  	s0 =	rddreg [dreg:$0x0];
	s2 =	stileid.u32  }
0x140: {  	s1 =	rddreg [dreg:$0x1];
	p0 =	sne.s32 s2, $0x0  }
0x141: {  	s3 =	rddreg [dreg:$0x2];
	[bflag:$0x3] =	sbarrier.arrive $0xFFFF;
	s2 =	simm.s32 @!p0 $0x1C0D  }
0x142: {  	[timem:s3], [sflag:s2] =	dma.local @!p0 [hbm:s0], s1  }
0x143: {  	s0 =	simm.s32 @!p0 $0xD  }
0x144: {  	_ =	swait.ge @!p0 [sflag:s0], s1  }
0x145: {  	s1 =	ssub.s32 @!p0 $0x0, s1;
	[sflag:s0] =	ssyncset.done @!p0 $0x0  }
0x146: {  	[sflag:s0] =	ssyncadd.s32 @!p0 s1  }
0x147: {  	[bflag:$0x3] =	sbarrier.arrive $0xFFFF  }
0x148: {  	_ =	shalt  }

</sc_bundles>
